<compile_context>
chip_gen: v7x
topology: tpu7x:2x2x1
jax: 0.10.2.dev20260603
libtpu: 0.0.44.dev20260713+nightly
codegen_flags: <defaults>
</compile_context>

<pallas_src>
import jax
import jax.numpy as jnp
from jax import lax
from jax.experimental import pallas as pl
from jax.experimental.pallas import tpu as pltpu
from jax.experimental.pallas import tpu_sc as plsc

_NEG_INF = -10.0 ** 10
_B = 4096
_V = 100000
_SUB = 8
_LANES = 16
_GROUPS = 8
_WCOLS = 128
_NUM_CORES = 2
_NUM_SUBCORES = 16
_NW = _NUM_CORES * _NUM_SUBCORES
_NB_SLOT = 25
_SLOT_ROWS = _NB_SLOT * _SUB
_V_SC = 54400
_V_TC = _V - _V_SC
_NSLOT = _V_SC // _SLOT_ROWS
_NBUF = 4
_NROUND = _NSLOT // _NBUF
_TC_VB = 400
_TC_NV = _V_TC // _TC_VB

_GATHER_1D = lax.GatherDimensionNumbers(
    offset_dims=(), collapsed_slice_dims=(0,), start_index_map=(0,))


def _permute(x, idx):
    return lax.gather(
        x, idx.reshape(_LANES, 1), dimension_numbers=_GATHER_1D,
        slice_sizes=(1,), mode=lax.GatherScatterMode.PROMISE_IN_BOUNDS)


def _xlane_max(x, lane):
    for s in (8, 4, 2, 1):
        x = jnp.maximum(x, _permute(x, lane ^ s))
    return x


def _sc_body(pred_ref, label_ref, fn_ref, fy_ref, label_v, accb, fyb,
             b0, b1, b2, b3, sems):
    bufs = (b0, b1, b2, b3)
    wid = lax.axis_index("s") * _NUM_CORES + lax.axis_index("c")
    col0 = pl.multiple_of(wid * _WCOLS, _WCOLS)

    pltpu.sync_copy(label_ref.at[pl.ds(col0, _WCOLS)], label_v)
    for g in range(_GROUPS):
        accb[pl.ds(g * _LANES, _LANES)] = jnp.full(
            (_LANES,), _NEG_INF, jnp.float32)
        fyb[pl.ds(g * _LANES, _LANES)] = jnp.full(
            (_LANES,), _NEG_INF, jnp.float32)

    def start_slot(s, u):
        pltpu.async_copy(
            pred_ref.at[pl.ds(pl.multiple_of(s * _SLOT_ROWS, _SUB),
                              _SLOT_ROWS),
                        pl.ds(col0, _WCOLS)],
            bufs[u], sems.at[u])

    def wait_slot(u):
        pltpu.make_async_copy(
            pred_ref.at[pl.ds(0, _SLOT_ROWS), pl.ds(0, _WCOLS)],
            bufs[u], sems.at[u]).wait()

    for u in range(_NBUF):
        start_slot(u, u)

    def process_slot(s, u):
        lane = lax.broadcasted_iota(jnp.int32, (_LANES,), 0)
        negv = jnp.full((_LANES,), _NEG_INF, jnp.float32)
        wait_slot(u)
        buf = bufs[u]
        base = s * _SLOT_ROWS
        lblv = [label_v[pl.ds(g * _LANES, _LANES)] for g in range(_GROUPS)]

        hitv = jnp.zeros((_LANES,), jnp.float32)
        for g in range(_GROUPS):
            loc = lblv[g] - base
            inb = (loc >= 0) & (loc < _SLOT_ROWS)
            hitv = hitv + jnp.where(inb, 1.0, 0.0)
        hit = _xlane_max(hitv, lane)[0] > 0.5

        @pl.when(jnp.logical_not(hit))
        def _():
            accs = [accb[pl.ds(g * _LANES, _LANES)] for g in range(_GROUPS)]

            @plsc.parallel_loop(0, _SLOT_ROWS, 1, unroll=2,
                                carry=tuple(accs))
            def red(row, acc):
                return tuple(
                    jnp.maximum(a, buf[row, pl.ds(g * _LANES, _LANES)])
                    for g, a in enumerate(acc))

            for g in range(_GROUPS):
                accb[pl.ds(g * _LANES, _LANES)] = red[g]

        @pl.when(hit)
        def _():
            accs = [accb[pl.ds(g * _LANES, _LANES)] for g in range(_GROUPS)]
            fys = [fyb[pl.ds(g * _LANES, _LANES)] for g in range(_GROUPS)]

            @plsc.parallel_loop(0, _SLOT_ROWS, 1,
                                carry=tuple(accs) + tuple(fys))
            def red(row, c):
                out = list(c[:_GROUPS])
                fy = list(c[_GROUPS:])
                rowv = jnp.full((_LANES,), base + row, jnp.int32)
                for g in range(_GROUPS):
                    x = buf[row, pl.ds(g * _LANES, _LANES)]
                    isl = lblv[g] == rowv
                    out[g] = jnp.maximum(out[g], jnp.where(isl, negv, x))
                    fy[g] = jnp.maximum(fy[g], jnp.where(isl, x, negv))
                return tuple(out) + tuple(fy)

            for g in range(_GROUPS):
                accb[pl.ds(g * _LANES, _LANES)] = red[g]
                fyb[pl.ds(g * _LANES, _LANES)] = red[_GROUPS + g]

    def round_body(ri, carry):
        for u in range(_NBUF):
            s = ri * _NBUF + u
            process_slot(s, u)

            @pl.when(s < _NSLOT - _NBUF)
            def _():
                start_slot(s + _NBUF, u)
        return carry

    lax.fori_loop(0, _NROUND, round_body, 0)

    pltpu.sync_copy(accb, fn_ref.at[wid])
    pltpu.sync_copy(fyb, fy_ref.at[wid])


def _tc_body(pred_ref, lbl_ref, fn_ref, fy_ref):
    i = pl.program_id(0)
    x = pred_ref[...]
    lbl = lbl_ref[...]
    rows = (lax.broadcasted_iota(jnp.int32, (_TC_VB, _B), 0)
            + (_V_SC + i * _TC_VB))
    isl = rows == lbl
    fn = jnp.max(jnp.where(isl, _NEG_INF, x), axis=0, keepdims=True)
    fy = jnp.max(jnp.where(isl, x, _NEG_INF), axis=0, keepdims=True)

    @pl.when(i == 0)
    def _():
        fn_ref[...] = fn
        fy_ref[...] = fy

    @pl.when(i > 0)
    def _():
        fn_ref[...] = jnp.maximum(fn_ref[...], fn)
        fy_ref[...] = jnp.maximum(fy_ref[...], fy)


def _combine_body(fn_sc_ref, fy_sc_ref, fn_tc_ref, fy_tc_ref, out_ref):
    fn = jnp.maximum(fn_sc_ref[...], fn_tc_ref[...])
    fy = jnp.maximum(fy_sc_ref[...], fy_tc_ref[...])
    l = jnp.maximum(2.0 - fy, 0.0) + jnp.maximum(1.0 + fn, 0.0)
    out_ref[...] = jnp.sum(l).reshape(1, 1) * (1.0 / _B)


@jax.jit
def _sc_loss(pred_t, lbl):
    mesh = plsc.VectorSubcoreMesh(
        core_axis_name="c", subcore_axis_name="s",
        num_cores=_NUM_CORES, num_subcores=_NUM_SUBCORES)
    fn_sc, fy_sc = pl.kernel(
        _sc_body,
        out_type=(jax.ShapeDtypeStruct((_NW, _WCOLS), jnp.float32),
                  jax.ShapeDtypeStruct((_NW, _WCOLS), jnp.float32)),
        mesh=mesh,
        compiler_params=pltpu.CompilerParams(use_tc_tiling_on_sc=True),
        scratch_types=(
            [pltpu.VMEM((_WCOLS,), jnp.int32),
             pltpu.VMEM((_WCOLS,), jnp.float32),
             pltpu.VMEM((_WCOLS,), jnp.float32)]
            + [pltpu.VMEM((_SLOT_ROWS, _WCOLS), jnp.float32)] * _NBUF
            + [pltpu.SemaphoreType.DMA((_NBUF,))]
        ),
    )(pred_t, lbl)

    fn_tc, fy_tc = pl.pallas_call(
        _tc_body,
        grid=(_TC_NV,),
        in_specs=[
            pl.BlockSpec((_TC_VB, _B), lambda i: (_V_SC // _TC_VB + i, 0)),
            pl.BlockSpec((1, _B), lambda i: (0, 0)),
        ],
        out_specs=[
            pl.BlockSpec((1, _B), lambda i: (0, 0)),
            pl.BlockSpec((1, _B), lambda i: (0, 0)),
        ],
        out_shape=[
            jax.ShapeDtypeStruct((1, _B), jnp.float32),
            jax.ShapeDtypeStruct((1, _B), jnp.float32),
        ],
    )(pred_t, lbl.reshape(1, _B))

    out = pl.pallas_call(
        _combine_body,
        out_shape=jax.ShapeDtypeStruct((1, 1), jnp.float32),
    )(fn_sc.reshape(1, _B), fy_sc.reshape(1, _B), fn_tc, fy_tc)
    return out[0, 0]


def kernel(prediction, label):
    return _sc_loss(prediction.T, label.astype(jnp.int32))

# --- scband reference (transcript-rebuilt; emitter-appended) ---
"""Pipeline reference for scband-loss-fn-85899346046 (READ-ONLY COPY).

The authoritative reference and input builder live on the scoring server;
editing this copy changes nothing except your own understanding.
"""

import jax, jax.numpy as jnp
import numpy as np

M_MARGIN = 1.0
T_MARGIN = 1.0
NEG_INF = -10.0 ** 10


def setup_inputs(seed: int = 0) -> dict:
    key = jax.random.key(seed)
    k1, k2 = jax.random.split(key)
    prediction = jax.random.normal(k1, (4096, 100000), dtype=jnp.float32)
    label = jax.random.randint(k2, (4096,), 0, 100000, dtype=jnp.int64)
    return {"prediction": prediction, "label": label}


def reference(prediction, label):
    # pnnloss ('standard' branch)
    B = prediction.shape[0]
    label2 = label.reshape(-1, 1)
    # fy = prediction.gather(1, label)
    fy = jnp.take_along_axis(prediction, label2, axis=1)  # [B, 1]
    # fny = prediction.clone().scatter_(1, label, -1e10)
    rows = jnp.arange(B).reshape(-1, 1)
    fny = prediction.at[rows, label2].set(NEG_INF)
    fnym = jnp.max(fny, axis=1).reshape(-1, 1)  # [B, 1]
    l = jnp.maximum(M_MARGIN + T_MARGIN - fy, 0.0) + jnp.maximum(M_MARGIN + fnym, 0.0)
    L = jnp.mean(l)
    return L

if __name__ == "__main__":
    import jax
    _d = setup_inputs()
    print(jax.jit(kernel)(*tuple(_d.values())))

</pallas_src>

<mosaic_0001>
#map = affine_map<(d0, d1) -> (0, 0)>
#map1 = affine_map<(d0, d1) -> (0)>
module attributes {stable_mosaic.version = 14 : i64} {
  func.func @_sc_body(%arg0: i32, %arg1: i32, %arg2: memref<100000x4096xf32, #tpu.memory_space<hbm>>, %arg3: memref<4096xi32, #tpu.memory_space<hbm>>, %arg4: memref<32x128xf32, #tpu.memory_space<hbm>>, %arg5: memref<32x128xf32, #tpu.memory_space<hbm>>, %arg6: memref<128xi32, #tpu.memory_space<vmem>>, %arg7: memref<128xf32, #tpu.memory_space<vmem>>, %arg8: memref<128xf32, #tpu.memory_space<vmem>>, %arg9: memref<200x128xf32, #tpu.memory_space<vmem>>, %arg10: memref<200x128xf32, #tpu.memory_space<vmem>>, %arg11: memref<200x128xf32, #tpu.memory_space<vmem>>, %arg12: memref<200x128xf32, #tpu.memory_space<vmem>>, %arg13: memref<4x!tpu.dma_semaphore, #tpu.memory_space<semaphore_mem>>) attributes {dimension_semantics = [#tpu.dimension_semantics<core_parallel>, #tpu.dimension_semantics<subcore_parallel>], iteration_bounds = array<i64: 2, 16>, scalar_prefetch = 0 : i64, scratch_operands = 8 : i64, tpu.core_type = #tpu.core_type<sc_vector_subcore>, window_params = [{transform_indices = #map}, {transform_indices = #map1}, {transform_indices = #map}, {transform_indices = #map}]} {
    %mul3A = arith.constant 2 : i32
    %mul3A_0 = arith.muli %arg1, %mul3A : i32
    %add3A = arith.addi %mul3A_0, %arg0 : i32
    %mul3A_1 = arith.constant 128 : i32
    %mul3A_2 = arith.muli %add3A, %mul3A_1 : i32
    %multiple_of3A = tpu.assume_multiple %mul3A_2, 128 : i32
    "tpu.region"() ({
      %run_scoped3A = tpu.sem_alloc : memref<!tpu.dma_semaphore, #tpu.memory_space<semaphore_mem>>
      %dma_start3A_129 = tpu.memref_slice %arg3[%multiple_of3A] : memref<4096xi32, #tpu.memory_space<hbm>> -> memref<128xi32, #tpu.memory_space<hbm>>
      %dma_start3A_130 = tpu.memref_slice %arg3[%multiple_of3A] : memref<4096xi32, #tpu.memory_space<hbm>> -> memref<128xi32, #tpu.memory_space<hbm>>
      tpu.enqueue_dma source(%dma_start3A_130 : memref<128xi32, #tpu.memory_space<hbm>>) target(%arg6 : memref<128xi32, #tpu.memory_space<vmem>>) target_semaphore(%run_scoped3A : memref<!tpu.dma_semaphore, #tpu.memory_space<semaphore_mem>>)
      %dma_wait3A = tpu.memref_slice %arg3[%multiple_of3A] : memref<4096xi32, #tpu.memory_space<hbm>> -> memref<128xi32, #tpu.memory_space<hbm>>
      %dma_wait3A_131 = tpu.memref_slice %arg3[%multiple_of3A] : memref<4096xi32, #tpu.memory_space<hbm>> -> memref<128xi32, #tpu.memory_space<hbm>>
      tpu.wait_dma2 semaphore(%run_scoped3A : memref<!tpu.dma_semaphore, #tpu.memory_space<semaphore_mem>>) src(%dma_wait3A_131 : memref<128xi32, #tpu.memory_space<hbm>>) dst(%arg6 : memref<128xi32, #tpu.memory_space<vmem>>)
      tpu.yield
    }) : () -> ()
    %broadcast_in_dim3A = arith.constant -1.000000e+10 : f32
    %broadcast_in_dim3A_3 = vector.broadcast %broadcast_in_dim3A : f32 to vector<16xf32>
    %swap3A = arith.constant 0 : index
    %swap3A_4 = tpu.vector_load %arg7[%swap3A] {strides = array<i32>} : memref<128xf32, #tpu.memory_space<vmem>>, vector<16xf32>,
    %swap3A_5 = vector.shape_cast %swap3A_4 : vector<16xf32> to vector<16xf32>
    %swap3A_6 = vector.shape_cast %broadcast_in_dim3A_3 : vector<16xf32> to vector<16xf32>
    tpu.vector_store %arg7[%swap3A], %swap3A_6 {strides = array<i32>} : memref<128xf32, #tpu.memory_space<vmem>>, vector<16xf32>,
    %broadcast_in_dim3A_7 = arith.constant -1.000000e+10 : f32
    %broadcast_in_dim3A_8 = vector.broadcast %broadcast_in_dim3A_7 : f32 to vector<16xf32>
    %swap3A_9 = arith.constant 0 : index
    %swap3A_10 = tpu.vector_load %arg8[%swap3A_9] {strides = array<i32>} : memref<128xf32, #tpu.memory_space<vmem>>, vector<16xf32>,
    %swap3A_11 = vector.shape_cast %swap3A_10 : vector<16xf32> to vector<16xf32>
    %swap3A_12 = vector.shape_cast %broadcast_in_dim3A_8 : vector<16xf32> to vector<16xf32>
    tpu.vector_store %arg8[%swap3A_9], %swap3A_12 {strides = array<i32>} : memref<128xf32, #tpu.memory_space<vmem>>, vector<16xf32>,
    %broadcast_in_dim3A_13 = arith.constant -1.000000e+10 : f32
    %broadcast_in_dim3A_14 = vector.broadcast %broadcast_in_dim3A_13 : f32 to vector<16xf32>
    %swap3A_15 = arith.constant 16 : index
    %swap3A_16 = tpu.vector_load %arg7[%swap3A_15] {strides = array<i32>} : memref<128xf32, #tpu.memory_space<vmem>>, vector<16xf32>,
    %swap3A_17 = vector.shape_cast %swap3A_16 : vector<16xf32> to vector<16xf32>
    %swap3A_18 = vector.shape_cast %broadcast_in_dim3A_14 : vector<16xf32> to vector<16xf32>
    tpu.vector_store %arg7[%swap3A_15], %swap3A_18 {strides = array<i32>} : memref<128xf32, #tpu.memory_space<vmem>>, vector<16xf32>,
    %broadcast_in_dim3A_19 = arith.constant -1.000000e+10 : f32
    %broadcast_in_dim3A_20 = vector.broadcast %broadcast_in_dim3A_19 : f32 to vector<16xf32>
    %swap3A_21 = arith.constant 16 : index
    %swap3A_22 = tpu.vector_load %arg8[%swap3A_21] {strides = array<i32>} : memref<128xf32, #tpu.memory_space<vmem>>, vector<16xf32>,
    %swap3A_23 = vector.shape_cast %swap3A_22 : vector<16xf32> to vector<16xf32>
    %swap3A_24 = vector.shape_cast %broadcast_in_dim3A_20 : vector<16xf32> to vector<16xf32>
    tpu.vector_store %arg8[%swap3A_21], %swap3A_24 {strides = array<i32>} : memref<128xf32, #tpu.memory_space<vmem>>, vector<16xf32>,
    %broadcast_in_dim3A_25 = arith.constant -1.000000e+10 : f32
    %broadcast_in_dim3A_26 = vector.broadcast %broadcast_in_dim3A_25 : f32 to vector<16xf32>
    %swap3A_27 = arith.constant 32 : index
    %swap3A_28 = tpu.vector_load %arg7[%swap3A_27] {strides = array<i32>} : memref<128xf32, #tpu.memory_space<vmem>>, vector<16xf32>,
    %swap3A_29 = vector.shape_cast %swap3A_28 : vector<16xf32> to vector<16xf32>
    %swap3A_30 = vector.shape_cast %broadcast_in_dim3A_26 : vector<16xf32> to vector<16xf32>
    tpu.vector_store %arg7[%swap3A_27], %swap3A_30 {strides = array<i32>} : memref<128xf32, #tpu.memory_space<vmem>>, vector<16xf32>,
    %broadcast_in_dim3A_31 = arith.constant -1.000000e+10 : f32
    %broadcast_in_dim3A_32 = vector.broadcast %broadcast_in_dim3A_31 : f32 to vector<16xf32>
    %swap3A_33 = arith.constant 32 : index
    %swap3A_34 = tpu.vector_load %arg8[%swap3A_33] {strides = array<i32>} : memref<128xf32, #tpu.memory_space<vmem>>, vector<16xf32>,
    %swap3A_35 = vector.shape_cast %swap3A_34 : vector<16xf32> to vector<16xf32>
    %swap3A_36 = vector.shape_cast %broadcast_in_dim3A_32 : vector<16xf32> to vector<16xf32>
    tpu.vector_store %arg8[%swap3A_33], %swap3A_36 {strides = array<i32>} : memref<128xf32, #tpu.memory_space<vmem>>, vector<16xf32>,
    %broadcast_in_dim3A_37 = arith.constant -1.000000e+10 : f32
    %broadcast_in_dim3A_38 = vector.broadcast %broadcast_in_dim3A_37 : f32 to vector<16xf32>
    %swap3A_39 = arith.constant 48 : index
    %swap3A_40 = tpu.vector_load %arg7[%swap3A_39] {strides = array<i32>} : memref<128xf32, #tpu.memory_space<vmem>>, vector<16xf32>,
    %swap3A_41 = vector.shape_cast %swap3A_40 : vector<16xf32> to vector<16xf32>
    %swap3A_42 = vector.shape_cast %broadcast_in_dim3A_38 : vector<16xf32> to vector<16xf32>
    tpu.vector_store %arg7[%swap3A_39], %swap3A_42 {strides = array<i32>} : memref<128xf32, #tpu.memory_space<vmem>>, vector<16xf32>,
    %broadcast_in_dim3A_43 = arith.constant -1.000000e+10 : f32
    %broadcast_in_dim3A_44 = vector.broadcast %broadcast_in_dim3A_43 : f32 to vector<16xf32>
    %swap3A_45 = arith.constant 48 : index
    %swap3A_46 = tpu.vector_load %arg8[%swap3A_45] {strides = array<i32>} : memref<128xf32, #tpu.memory_space<vmem>>, vector<16xf32>,
    %swap3A_47 = vector.shape_cast %swap3A_46 : vector<16xf32> to vector<16xf32>
    %swap3A_48 = vector.shape_cast %broadcast_in_dim3A_44 : vector<16xf32> to vector<16xf32>
    tpu.vector_store %arg8[%swap3A_45], %swap3A_48 {strides = array<i32>} : memref<128xf32, #tpu.memory_space<vmem>>, vector<16xf32>,
    %broadcast_in_dim3A_49 = arith.constant -1.000000e+10 : f32
    %broadcast_in_dim3A_50 = vector.broadcast %broadcast_in_dim3A_49 : f32 to vector<16xf32>
    %swap3A_51 = arith.constant 64 : index
    %swap3A_52 = tpu.vector_load %arg7[%swap3A_51] {strides = array<i32>} : memref<128xf32, #tpu.memory_space<vmem>>, vector<16xf32>,
    %swap3A_53 = vector.shape_cast %swap3A_52 : vector<16xf32> to vector<16xf32>
    %swap3A_54 = vector.shape_cast %broadcast_in_dim3A_50 : vector<16xf32> to vector<16xf32>
    tpu.vector_store %arg7[%swap3A_51], %swap3A_54 {strides = array<i32>} : memref<128xf32, #tpu.memory_space<vmem>>, vector<16xf32>,
    %broadcast_in_dim3A_55 = arith.constant -1.000000e+10 : f32
    %broadcast_in_dim3A_56 = vector.broadcast %broadcast_in_dim3A_55 : f32 to vector<16xf32>
    %swap3A_57 = arith.constant 64 : index
    %swap3A_58 = tpu.vector_load %arg8[%swap3A_57] {strides = array<i32>} : memref<128xf32, #tpu.memory_space<vmem>>, vector<16xf32>,
    %swap3A_59 = vector.shape_cast %swap3A_58 : vector<16xf32> to vector<16xf32>
    %swap3A_60 = vector.shape_cast %broadcast_in_dim3A_56 : vector<16xf32> to vector<16xf32>
    tpu.vector_store %arg8[%swap3A_57], %swap3A_60 {strides = array<i32>} : memref<128xf32, #tpu.memory_space<vmem>>, vector<16xf32>,
    %broadcast_in_dim3A_61 = arith.constant -1.000000e+10 : f32
    %broadcast_in_dim3A_62 = vector.broadcast %broadcast_in_dim3A_61 : f32 to vector<16xf32>
    %swap3A_63 = arith.constant 80 : index
    %swap3A_64 = tpu.vector_load %arg7[%swap3A_63] {strides = array<i32>} : memref<128xf32, #tpu.memory_space<vmem>>, vector<16xf32>,
    %swap3A_65 = vector.shape_cast %swap3A_64 : vector<16xf32> to vector<16xf32>
    %swap3A_66 = vector.shape_cast %broadcast_in_dim3A_62 : vector<16xf32> to vector<16xf32>
    tpu.vector_store %arg7[%swap3A_63], %swap3A_66 {strides = array<i32>} : memref<128xf32, #tpu.memory_space<vmem>>, vector<16xf32>,
    %broadcast_in_dim3A_67 = arith.constant -1.000000e+10 : f32
    %broadcast_in_dim3A_68 = vector.broadcast %broadcast_in_dim3A_67 : f32 to vector<16xf32>
    %swap3A_69 = arith.constant 80 : index
    %swap3A_70 = tpu.vector_load %arg8[%swap3A_69] {strides = array<i32>} : memref<128xf32, #tpu.memory_space<vmem>>, vector<16xf32>,
    %swap3A_71 = vector.shape_cast %swap3A_70 : vector<16xf32> to vector<16xf32>
    %swap3A_72 = vector.shape_cast %broadcast_in_dim3A_68 : vector<16xf32> to vector<16xf32>
    tpu.vector_store %arg8[%swap3A_69], %swap3A_72 {strides = array<i32>} : memref<128xf32, #tpu.memory_space<vmem>>, vector<16xf32>,
    %broadcast_in_dim3A_73 = arith.constant -1.000000e+10 : f32
    %broadcast_in_dim3A_74 = vector.broadcast %broadcast_in_dim3A_73 : f32 to vector<16xf32>
    %swap3A_75 = arith.constant 96 : index
    %swap3A_76 = tpu.vector_load %arg7[%swap3A_75] {strides = array<i32>} : memref<128xf32, #tpu.memory_space<vmem>>, vector<16xf32>,
    %swap3A_77 = vector.shape_cast %swap3A_76 : vector<16xf32> to vector<16xf32>
    %swap3A_78 = vector.shape_cast %broadcast_in_dim3A_74 : vector<16xf32> to vector<16xf32>
    tpu.vector_store %arg7[%swap3A_75], %swap3A_78 {strides = array<i32>} : memref<128xf32, #tpu.memory_space<vmem>>, vector<16xf32>,
    %broadcast_in_dim3A_79 = arith.constant -1.000000e+10 : f32
    %broadcast_in_dim3A_80 = vector.broadcast %broadcast_in_dim3A_79 : f32 to vector<16xf32>
    %swap3A_81 = arith.constant 96 : index
    %swap3A_82 = tpu.vector_load %arg8[%swap3A_81] {strides = array<i32>} : memref<128xf32, #tpu.memory_space<vmem>>, vector<16xf32>,
    %swap3A_83 = vector.shape_cast %swap3A_82 : vector<16xf32> to vector<16xf32>
    %swap3A_84 = vector.shape_cast %broadcast_in_dim3A_80 : vector<16xf32> to vector<16xf32>
    tpu.vector_store %arg8[%swap3A_81], %swap3A_84 {strides = array<i32>} : memref<128xf32, #tpu.memory_space<vmem>>, vector<16xf32>,
    %broadcast_in_dim3A_85 = arith.constant -1.000000e+10 : f32
    %broadcast_in_dim3A_86 = vector.broadcast %broadcast_in_dim3A_85 : f32 to vector<16xf32>
    %swap3A_87 = arith.constant 112 : index
    %swap3A_88 = tpu.vector_load %arg7[%swap3A_87] {strides = array<i32>} : memref<128xf32, #tpu.memory_space<vmem>>, vector<16xf32>,
    %swap3A_89 = vector.shape_cast %swap3A_88 : vector<16xf32> to vector<16xf32>
    %swap3A_90 = vector.shape_cast %broadcast_in_dim3A_86 : vector<16xf32> to vector<16xf32>
    tpu.vector_store %arg7[%swap3A_87], %swap3A_90 {strides = array<i32>} : memref<128xf32, #tpu.memory_space<vmem>>, vector<16xf32>,
    %broadcast_in_dim3A_91 = arith.constant -1.000000e+10 : f32
    %broadcast_in_dim3A_92 = vector.broadcast %broadcast_in_dim3A_91 : f32 to vector<16xf32>
    %swap3A_93 = arith.constant 112 : index
    %swap3A_94 = tpu.vector_load %arg8[%swap3A_93] {strides = array<i32>} : memref<128xf32, #tpu.memory_space<vmem>>, vector<16xf32>,
    %swap3A_95 = vector.shape_cast %swap3A_94 : vector<16xf32> to vector<16xf32>
    %swap3A_96 = vector.shape_cast %broadcast_in_dim3A_92 : vector<16xf32> to vector<16xf32>
    tpu.vector_store %arg8[%swap3A_93], %swap3A_96 {strides = array<i32>} : memref<128xf32, #tpu.memory_space<vmem>>, vector<16xf32>,
    %multiple_of3A_97 = arith.constant 0 : i32
    %multiple_of3A_98 = tpu.assume_multiple %multiple_of3A_97, 8 : i32
    %dma_start3A = arith.constant 0 : i32
    %dma_start3A_99 = tpu.memref_slice %arg2[%multiple_of3A_98, %multiple_of3A] : memref<100000x4096xf32, #tpu.memory_space<hbm>> -> memref<200x128xf32, #tpu.memory_space<hbm>>
    %dma_start3A_100 = tpu.memref_slice %arg13[%dma_start3A] : memref<4x!tpu.dma_semaphore, #tpu.memory_space<semaphore_mem>> -> memref<1x!tpu.dma_semaphore, #tpu.memory_space<semaphore_mem>>
    %dma_start3A_101 = tpu.memref_squeeze %dma_start3A_100 : memref<1x!tpu.dma_semaphore, #tpu.memory_space<semaphore_mem>> -> memref<!tpu.dma_semaphore, #tpu.memory_space<semaphore_mem>>
    %dma_start3A_102 = tpu.memref_slice %arg2[%multiple_of3A_98, %multiple_of3A] : memref<100000x4096xf32, #tpu.memory_space<hbm>> -> memref<200x128xf32, #tpu.memory_space<hbm>>
    tpu.enqueue_dma source(%dma_start3A_102 : memref<200x128xf32, #tpu.memory_space<hbm>>) target(%arg9 : memref<200x128xf32, #tpu.memory_space<vmem>>) target_semaphore(%dma_start3A_101 : memref<!tpu.dma_semaphore, #tpu.memory_space<semaphore_mem>>)
    %multiple_of3A_103 = arith.constant 200 : i32
    %multiple_of3A_104 = tpu.assume_multiple %multiple_of3A_103, 8 : i32
    %dma_start3A_105 = arith.constant 1 : i32
    %dma_start3A_106 = tpu.memref_slice %arg2[%multiple_of3A_104, %multiple_of3A] : memref<100000x4096xf32, #tpu.memory_space<hbm>> -> memref<200x128xf32, #tpu.memory_space<hbm>>
    %dma_start3A_107 = tpu.memref_slice %arg13[%dma_start3A_105] : memref<4x!tpu.dma_semaphore, #tpu.memory_space<semaphore_mem>> -> memref<1x!tpu.dma_semaphore, #tpu.memory_space<semaphore_mem>>
    %dma_start3A_108 = tpu.memref_squeeze %dma_start3A_107 : memref<1x!tpu.dma_semaphore, #tpu.memory_space<semaphore_mem>> -> memref<!tpu.dma_semaphore, #tpu.memory_space<semaphore_mem>>
    %dma_start3A_109 = tpu.memref_slice %arg2[%multiple_of3A_104, %multiple_of3A] : memref<100000x4096xf32, #tpu.memory_space<hbm>> -> memref<200x128xf32, #tpu.memory_space<hbm>>
    tpu.enqueue_dma source(%dma_start3A_109 : memref<200x128xf32, #tpu.memory_space<hbm>>) target(%arg10 : memref<200x128xf32, #tpu.memory_space<vmem>>) target_semaphore(%dma_start3A_108 : memref<!tpu.dma_semaphore, #tpu.memory_space<semaphore_mem>>)
    %multiple_of3A_110 = arith.constant 400 : i32
    %multiple_of3A_111 = tpu.assume_multiple %multiple_of3A_110, 8 : i32
    %dma_start3A_112 = arith.constant 2 : i32
    %dma_start3A_113 = tpu.memref_slice %arg2[%multiple_of3A_111, %multiple_of3A] : memref<100000x4096xf32, #tpu.memory_space<hbm>> -> memref<200x128xf32, #tpu.memory_space<hbm>>
    %dma_start3A_114 = tpu.memref_slice %arg13[%dma_start3A_112] : memref<4x!tpu.dma_semaphore, #tpu.memory_space<semaphore_mem>> -> memref<1x!tpu.dma_semaphore, #tpu.memory_space<semaphore_mem>>
    %dma_start3A_115 = tpu.memref_squeeze %dma_start3A_114 : memref<1x!tpu.dma_semaphore, #tpu.memory_space<semaphore_mem>> -> memref<!tpu.dma_semaphore, #tpu.memory_space<semaphore_mem>>
    %dma_start3A_116 = tpu.memref_slice %arg2[%multiple_of3A_111, %multiple_of3A] : memref<100000x4096xf32, #tpu.memory_space<hbm>> -> memref<200x128xf32, #tpu.memory_space<hbm>>
    tpu.enqueue_dma source(%dma_start3A_116 : memref<200x128xf32, #tpu.memory_space<hbm>>) target(%arg11 : memref<200x128xf32, #tpu.memory_space<vmem>>) target_semaphore(%dma_start3A_115 : memref<!tpu.dma_semaphore, #tpu.memory_space<semaphore_mem>>)
    %multiple_of3A_117 = arith.constant 600 : i32
    %multiple_of3A_118 = tpu.assume_multiple %multiple_of3A_117, 8 : i32
    %dma_start3A_119 = arith.constant 3 : i32
    %dma_start3A_120 = tpu.memref_slice %arg2[%multiple_of3A_118, %multiple_of3A] : memref<100000x4096xf32, #tpu.memory_space<hbm>> -> memref<200x128xf32, #tpu.memory_space<hbm>>
    %dma_start3A_121 = tpu.memref_slice %arg13[%dma_start3A_119] : memref<4x!tpu.dma_semaphore, #tpu.memory_space<semaphore_mem>> -> memref<1x!tpu.dma_semaphore, #tpu.memory_space<semaphore_mem>>
    %dma_start3A_122 = tpu.memref_squeeze %dma_start3A_121 : memref<1x!tpu.dma_semaphore, #tpu.memory_space<semaphore_mem>> -> memref<!tpu.dma_semaphore, #tpu.memory_space<semaphore_mem>>
    %dma_start3A_123 = tpu.memref_slice %arg2[%multiple_of3A_118, %multiple_of3A] : memref<100000x4096xf32, #tpu.memory_space<hbm>> -> memref<200x128xf32, #tpu.memory_space<hbm>>
    tpu.enqueue_dma source(%dma_start3A_123 : memref<200x128xf32, #tpu.memory_space<hbm>>) target(%arg12 : memref<200x128xf32, #tpu.memory_space<vmem>>) target_semaphore(%dma_start3A_122 : memref<!tpu.dma_semaphore, #tpu.memory_space<semaphore_mem>>)
    %scan3A = arith.constant 0 : i32
    %scan3A_124 = arith.constant 0 : i32
    %scan3A_125 = arith.constant 68 : i32
    %scan3A_126 = arith.addi %scan3A_124, %scan3A_125 : i32
    %scan3A_127 = arith.constant 1 : i32
    scf.for %scan3A_129 = %scan3A_124 to %scan3A_126 step %scan3A_127  : i32 {
      %mul3A_130 = arith.constant 4 : i32
      %mul3A_131 = arith.muli %scan3A_129, %mul3A_130 : i32
      %add3A_132 = arith.constant 0 : i32
      %add3A_133 = arith.addi %mul3A_131, %add3A_132 : i32
      %iota3A = tpu.iota {dimensions = array<i32: 0>} : vector<16xi32>
      %broadcast_in_dim3A_134 = arith.constant -1.000000e+10 : f32
      %broadcast_in_dim3A_135 = vector.broadcast %broadcast_in_dim3A_134 : f32 to vector<16xf32>
      %dma_wait3A = arith.constant 0 : i32
      %dma_wait3A_136 = arith.constant 0 : i32
      %dma_wait3A_137 = arith.constant 0 : i32
      %dma_wait3A_138 = tpu.memref_slice %arg2[%dma_wait3A_136, %dma_wait3A_137] : memref<100000x4096xf32, #tpu.memory_space<hbm>> -> memref<200x128xf32, #tpu.memory_space<hbm>>
      %dma_wait3A_139 = tpu.memref_slice %arg13[%dma_wait3A] : memref<4x!tpu.dma_semaphore, #tpu.memory_space<semaphore_mem>> -> memref<1x!tpu.dma_semaphore, #tpu.memory_space<semaphore_mem>>
      %dma_wait3A_140 = tpu.memref_squeeze %dma_wait3A_139 : memref<1x!tpu.dma_semaphore, #tpu.memory_space<semaphore_mem>> -> memref<!tpu.dma_semaphore, #tpu.memory_space<semaphore_mem>>
      %dma_wait3A_141 = arith.constant 0 : i32
      %dma_wait3A_142 = arith.constant 0 : i32
      %dma_wait3A_143 = tpu.memref_slice %arg2[%dma_wait3A_141, %dma_wait3A_142] : memref<100000x4096xf32, #tpu.memory_space<hbm>> -> memref<200x128xf32, #tpu.memory_space<hbm>>
      tpu.wait_dma2 semaphore(%dma_wait3A_140 : memref<!tpu.dma_semaphore, #tpu.memory_space<semaphore_mem>>) src(%dma_wait3A_143 : memref<200x128xf32, #tpu.memory_space<hbm>>) dst(%arg9 : memref<200x128xf32, #tpu.memory_space<vmem>>)
      %mul3A_144 = arith.constant 200 : i32
      %mul3A_145 = arith.muli %add3A_133, %mul3A_144 : i32
      %get3A = arith.constant 0 : index
      %get3A_146 = tpu.vector_load %arg6[%get3A] {strides = array<i32>} : memref<128xi32, #tpu.memory_space<vmem>>, vector<16xi32>,
      %get3A_147 = vector.shape_cast %get3A_146 : vector<16xi32> to vector<16xi32>
      %get3A_148 = arith.constant 16 : index
      %get3A_149 = tpu.vector_load %arg6[%get3A_148] {strides = array<i32>} : memref<128xi32, #tpu.memory_space<vmem>>, vector<16xi32>,
      %get3A_150 = vector.shape_cast %get3A_149 : vector<16xi32> to vector<16xi32>
      %get3A_151 = arith.constant 32 : index
      %get3A_152 = tpu.vector_load %arg6[%get3A_151] {strides = array<i32>} : memref<128xi32, #tpu.memory_space<vmem>>, vector<16xi32>,
      %get3A_153 = vector.shape_cast %get3A_152 : vector<16xi32> to vector<16xi32>
      %get3A_154 = arith.constant 48 : index
      %get3A_155 = tpu.vector_load %arg6[%get3A_154] {strides = array<i32>} : memref<128xi32, #tpu.memory_space<vmem>>, vector<16xi32>,
      %get3A_156 = vector.shape_cast %get3A_155 : vector<16xi32> to vector<16xi32>
      %get3A_157 = arith.constant 64 : index
      %get3A_158 = tpu.vector_load %arg6[%get3A_157] {strides = array<i32>} : memref<128xi32, #tpu.memory_space<vmem>>, vector<16xi32>,
      %get3A_159 = vector.shape_cast %get3A_158 : vector<16xi32> to vector<16xi32>
      %get3A_160 = arith.constant 80 : index
      %get3A_161 = tpu.vector_load %arg6[%get3A_160] {strides = array<i32>} : memref<128xi32, #tpu.memory_space<vmem>>, vector<16xi32>,
      %get3A_162 = vector.shape_cast %get3A_161 : vector<16xi32> to vector<16xi32>
      %get3A_163 = arith.constant 96 : index
      %get3A_164 = tpu.vector_load %arg6[%get3A_163] {strides = array<i32>} : memref<128xi32, #tpu.memory_space<vmem>>, vector<16xi32>,
      %get3A_165 = vector.shape_cast %get3A_164 : vector<16xi32> to vector<16xi32>
      %get3A_166 = arith.constant 112 : index
      %get3A_167 = tpu.vector_load %arg6[%get3A_166] {strides = array<i32>} : memref<128xi32, #tpu.memory_space<vmem>>, vector<16xi32>,
      %get3A_168 = vector.shape_cast %get3A_167 : vector<16xi32> to vector<16xi32>
      %broadcast_in_dim3A_169 = arith.constant 0.000000e+00 : f32
      %broadcast_in_dim3A_170 = vector.broadcast %broadcast_in_dim3A_169 : f32 to vector<16xf32>
      %sub3A = vector.broadcast %mul3A_145 : i32 to vector<16xi32>
      %sub3A_171 = arith.subi %get3A_147, %sub3A : vector<16xi32>
      %ge3A = arith.constant 0 : i32
      %ge3A_172 = vector.broadcast %ge3A : i32 to vector<16xi32>
      %ge3A_173 = arith.cmpi sge, %sub3A_171, %ge3A_172 : vector<16xi32>
      %lt3A = arith.constant 200 : i32
      %lt3A_174 = vector.broadcast %lt3A : i32 to vector<16xi32>
      %lt3A_175 = arith.cmpi slt, %sub3A_171, %lt3A_174 : vector<16xi32>
      %and3A = arith.andi %ge3A_173, %lt3A_175 : vector<16xi1>
      %jit3A = arith.constant 1.000000e+00 : f32
      %jit3A_176 = arith.constant 0.000000e+00 : f32
      %broadcast_in_dim3A_177 = vector.broadcast %jit3A : f32 to vector<16xf32>
      %broadcast_in_dim3A_178 = vector.broadcast %jit3A_176 : f32 to vector<16xf32>
      %select_n3A = arith.select %and3A, %broadcast_in_dim3A_177, %broadcast_in_dim3A_178 : vector<16xi1>, vector<16xf32>
      %add3A_179 = arith.addf %broadcast_in_dim3A_170, %select_n3A : vector<16xf32>
      %sub3A_180 = vector.broadcast %mul3A_145 : i32 to vector<16xi32>
      %sub3A_181 = arith.subi %get3A_150, %sub3A_180 : vector<16xi32>
      %ge3A_182 = arith.constant 0 : i32
      %ge3A_183 = vector.broadcast %ge3A_182 : i32 to vector<16xi32>
      %ge3A_184 = arith.cmpi sge, %sub3A_181, %ge3A_183 : vector<16xi32>
      %lt3A_185 = arith.constant 200 : i32
      %lt3A_186 = vector.broadcast %lt3A_185 : i32 to vector<16xi32>
      %lt3A_187 = arith.cmpi slt, %sub3A_181, %lt3A_186 : vector<16xi32>
      %and3A_188 = arith.andi %ge3A_184, %lt3A_187 : vector<16xi1>
      %jit3A_189 = arith.constant 1.000000e+00 : f32
      %jit3A_190 = arith.constant 0.000000e+00 : f32
      %broadcast_in_dim3A_191 = vector.broadcast %jit3A_189 : f32 to vector<16xf32>
      %broadcast_in_dim3A_192 = vector.broadcast %jit3A_190 : f32 to vector<16xf32>
      %select_n3A_193 = arith.select %and3A_188, %broadcast_in_dim3A_191, %broadcast_in_dim3A_192 : vector<16xi1>, vector<16xf32>
      %add3A_194 = arith.addf %add3A_179, %select_n3A_193 : vector<16xf32>
      %sub3A_195 = vector.broadcast %mul3A_145 : i32 to vector<16xi32>
      %sub3A_196 = arith.subi %get3A_153, %sub3A_195 : vector<16xi32>
      %ge3A_197 = arith.constant 0 : i32
      %ge3A_198 = vector.broadcast %ge3A_197 : i32 to vector<16xi32>
      %ge3A_199 = arith.cmpi sge, %sub3A_196, %ge3A_198 : vector<16xi32>
      %lt3A_200 = arith.constant 200 : i32
      %lt3A_201 = vector.broadcast %lt3A_200 : i32 to vector<16xi32>
      %lt3A_202 = arith.cmpi slt, %sub3A_196, %lt3A_201 : vector<16xi32>
      %and3A_203 = arith.andi %ge3A_199, %lt3A_202 : vector<16xi1>
      %jit3A_204 = arith.constant 1.000000e+00 : f32
      %jit3A_205 = arith.constant 0.000000e+00 : f32
      %broadcast_in_dim3A_206 = vector.broadcast %jit3A_204 : f32 to vector<16xf32>
      %broadcast_in_dim3A_207 = vector.broadcast %jit3A_205 : f32 to vector<16xf32>
      %select_n3A_208 = arith.select %and3A_203, %broadcast_in_dim3A_206, %broadcast_in_dim3A_207 : vector<16xi1>, vector<16xf32>
      %add3A_209 = arith.addf %add3A_194, %select_n3A_208 : vector<16xf32>
      %sub3A_210 = vector.broadcast %mul3A_145 : i32 to vector<16xi32>
      %sub3A_211 = arith.subi %get3A_156, %sub3A_210 : vector<16xi32>
      %ge3A_212 = arith.constant 0 : i32
      %ge3A_213 = vector.broadcast %ge3A_212 : i32 to vector<16xi32>
      %ge3A_214 = arith.cmpi sge, %sub3A_211, %ge3A_213 : vector<16xi32>
      %lt3A_215 = arith.constant 200 : i32
      %lt3A_216 = vector.broadcast %lt3A_215 : i32 to vector<16xi32>
      %lt3A_217 = arith.cmpi slt, %sub3A_211, %lt3A_216 : vector<16xi32>
      %and3A_218 = arith.andi %ge3A_214, %lt3A_217 : vector<16xi1>
      %jit3A_219 = arith.constant 1.000000e+00 : f32
      %jit3A_220 = arith.constant 0.000000e+00 : f32
      %broadcast_in_dim3A_221 = vector.broadcast %jit3A_219 : f32 to vector<16xf32>
      %broadcast_in_dim3A_222 = vector.broadcast %jit3A_220 : f32 to vector<16xf32>
      %select_n3A_223 = arith.select %and3A_218, %broadcast_in_dim3A_221, %broadcast_in_dim3A_222 : vector<16xi1>, vector<16xf32>
      %add3A_224 = arith.addf %add3A_209, %select_n3A_223 : vector<16xf32>
      %sub3A_225 = vector.broadcast %mul3A_145 : i32 to vector<16xi32>
      %sub3A_226 = arith.subi %get3A_159, %sub3A_225 : vector<16xi32>
      %ge3A_227 = arith.constant 0 : i32
      %ge3A_228 = vector.broadcast %ge3A_227 : i32 to vector<16xi32>
      %ge3A_229 = arith.cmpi sge, %sub3A_226, %ge3A_228 : vector<16xi32>
      %lt3A_230 = arith.constant 200 : i32
      %lt3A_231 = vector.broadcast %lt3A_230 : i32 to vector<16xi32>
      %lt3A_232 = arith.cmpi slt, %sub3A_226, %lt3A_231 : vector<16xi32>
      %and3A_233 = arith.andi %ge3A_229, %lt3A_232 : vector<16xi1>
      %jit3A_234 = arith.constant 1.000000e+00 : f32
      %jit3A_235 = arith.constant 0.000000e+00 : f32
      %broadcast_in_dim3A_236 = vector.broadcast %jit3A_234 : f32 to vector<16xf32>
      %broadcast_in_dim3A_237 = vector.broadcast %jit3A_235 : f32 to vector<16xf32>
      %select_n3A_238 = arith.select %and3A_233, %broadcast_in_dim3A_236, %broadcast_in_dim3A_237 : vector<16xi1>, vector<16xf32>
      %add3A_239 = arith.addf %add3A_224, %select_n3A_238 : vector<16xf32>
      %sub3A_240 = vector.broadcast %mul3A_145 : i32 to vector<16xi32>
      %sub3A_241 = arith.subi %get3A_162, %sub3A_240 : vector<16xi32>
      %ge3A_242 = arith.constant 0 : i32
      %ge3A_243 = vector.broadcast %ge3A_242 : i32 to vector<16xi32>
      %ge3A_244 = arith.cmpi sge, %sub3A_241, %ge3A_243 : vector<16xi32>
      %lt3A_245 = arith.constant 200 : i32
      %lt3A_246 = vector.broadcast %lt3A_245 : i32 to vector<16xi32>
      %lt3A_247 = arith.cmpi slt, %sub3A_241, %lt3A_246 : vector<16xi32>
      %and3A_248 = arith.andi %ge3A_244, %lt3A_247 : vector<16xi1>
      %jit3A_249 = arith.constant 1.000000e+00 : f32
      %jit3A_250 = arith.constant 0.000000e+00 : f32
      %broadcast_in_dim3A_251 = vector.broadcast %jit3A_249 : f32 to vector<16xf32>
      %broadcast_in_dim3A_252 = vector.broadcast %jit3A_250 : f32 to vector<16xf32>
      %select_n3A_253 = arith.select %and3A_248, %broadcast_in_dim3A_251, %broadcast_in_dim3A_252 : vector<16xi1>, vector<16xf32>
      %add3A_254 = arith.addf %add3A_239, %select_n3A_253 : vector<16xf32>
      %sub3A_255 = vector.broadcast %mul3A_145 : i32 to vector<16xi32>
      %sub3A_256 = arith.subi %get3A_165, %sub3A_255 : vector<16xi32>
      %ge3A_257 = arith.constant 0 : i32
      %ge3A_258 = vector.broadcast %ge3A_257 : i32 to vector<16xi32>
      %ge3A_259 = arith.cmpi sge, %sub3A_256, %ge3A_258 : vector<16xi32>
      %lt3A_260 = arith.constant 200 : i32
      %lt3A_261 = vector.broadcast %lt3A_260 : i32 to vector<16xi32>
      %lt3A_262 = arith.cmpi slt, %sub3A_256, %lt3A_261 : vector<16xi32>
      %and3A_263 = arith.andi %ge3A_259, %lt3A_262 : vector<16xi1>
      %jit3A_264 = arith.constant 1.000000e+00 : f32
      %jit3A_265 = arith.constant 0.000000e+00 : f32
      %broadcast_in_dim3A_266 = vector.broadcast %jit3A_264 : f32 to vector<16xf32>
      %broadcast_in_dim3A_267 = vector.broadcast %jit3A_265 : f32 to vector<16xf32>
      %select_n3A_268 = arith.select %and3A_263, %broadcast_in_dim3A_266, %broadcast_in_dim3A_267 : vector<16xi1>, vector<16xf32>
      %add3A_269 = arith.addf %add3A_254, %select_n3A_268 : vector<16xf32>
      %sub3A_270 = vector.broadcast %mul3A_145 : i32 to vector<16xi32>
      %sub3A_271 = arith.subi %get3A_168, %sub3A_270 : vector<16xi32>
      %ge3A_272 = arith.constant 0 : i32
      %ge3A_273 = vector.broadcast %ge3A_272 : i32 to vector<16xi32>
      %ge3A_274 = arith.cmpi sge, %sub3A_271, %ge3A_273 : vector<16xi32>
      %lt3A_275 = arith.constant 200 : i32
      %lt3A_276 = vector.broadcast %lt3A_275 : i32 to vector<16xi32>
      %lt3A_277 = arith.cmpi slt, %sub3A_271, %lt3A_276 : vector<16xi32>
      %and3A_278 = arith.andi %ge3A_274, %lt3A_277 : vector<16xi1>
      %jit3A_279 = arith.constant 1.000000e+00 : f32
      %jit3A_280 = arith.constant 0.000000e+00 : f32
      %broadcast_in_dim3A_281 = vector.broadcast %jit3A_279 : f32 to vector<16xf32>
      %broadcast_in_dim3A_282 = vector.broadcast %jit3A_280 : f32 to vector<16xf32>
      %select_n3A_283 = arith.select %and3A_278, %broadcast_in_dim3A_281, %broadcast_in_dim3A_282 : vector<16xi1>, vector<16xf32>
      %add3A_284 = arith.addf %add3A_269, %select_n3A_283 : vector<16xf32>
      %xor3A = arith.constant 8 : i32
      %xor3A_285 = vector.broadcast %xor3A : i32 to vector<16xi32>
      %xor3A_286 = arith.xori %iota3A, %xor3A_285 : vector<16xi32>
      %reshape3A = vector.shape_cast %xor3A_286 : vector<16xi32> to vector<16x1xi32>
      %gather3A = vector.shape_cast %reshape3A : vector<16x1xi32> to vector<16xi32>
      %gather3A_287 = tpu.dynamic_gather %add3A_284[%gather3A] in [0] : vector<16xf32>, vector<16xi32> -> vector<16xf32>
      %max3A = arith.maximumf %add3A_284, %gather3A_287 : vector<16xf32>
      %xor3A_288 = arith.constant 4 : i32
      %xor3A_289 = vector.broadcast %xor3A_288 : i32 to vector<16xi32>
      %xor3A_290 = arith.xori %iota3A, %xor3A_289 : vector<16xi32>
      %reshape3A_291 = vector.shape_cast %xor3A_290 : vector<16xi32> to vector<16x1xi32>
      %gather3A_292 = vector.shape_cast %reshape3A_291 : vector<16x1xi32> to vector<16xi32>
      %gather3A_293 = tpu.dynamic_gather %max3A[%gather3A_292] in [0] : vector<16xf32>, vector<16xi32> -> vector<16xf32>
      %max3A_294 = arith.maximumf %max3A, %gather3A_293 : vector<16xf32>
      %xor3A_295 = arith.constant 2 : i32
      %xor3A_296 = vector.broadcast %xor3A_295 : i32 to vector<16xi32>
      %xor3A_297 = arith.xori %iota3A, %xor3A_296 : vector<16xi32>
      %reshape3A_298 = vector.shape_cast %xor3A_297 : vector<16xi32> to vector<16x1xi32>
      %gather3A_299 = vector.shape_cast %reshape3A_298 : vector<16x1xi32> to vector<16xi32>
      %gather3A_300 = tpu.dynamic_gather %max3A_294[%gather3A_299] in [0] : vector<16xf32>, vector<16xi32> -> vector<16xf32>
      %max3A_301 = arith.maximumf %max3A_294, %gather3A_300 : vector<16xf32>
      %xor3A_302 = arith.constant 1 : i32
      %xor3A_303 = vector.broadcast %xor3A_302 : i32 to vector<16xi32>
      %xor3A_304 = arith.xori %iota3A, %xor3A_303 : vector<16xi32>
      %reshape3A_305 = vector.shape_cast %xor3A_304 : vector<16xi32> to vector<16x1xi32>
      %gather3A_306 = vector.shape_cast %reshape3A_305 : vector<16x1xi32> to vector<16xi32>
      %gather3A_307 = tpu.dynamic_gather %max3A_301[%gather3A_306] in [0] : vector<16xf32>, vector<16xi32> -> vector<16xf32>
      %max3A_308 = arith.maximumf %max3A_301, %gather3A_307 : vector<16xf32>
      %slice3A = vector.extract_strided_slice %max3A_308 {offsets = [0], sizes = [1], strides = [1]} : vector<16xf32> to vector<1xf32>
      %squeeze3A = vector.extract %slice3A[0] : f32 from vector<1xf32>
      %gt3A = arith.constant 5.000000e-01 : f32
      %gt3A_309 = arith.cmpf ogt, %squeeze3A, %gt3A : f32
      %not3A = arith.constant true
      %not3A_310 = arith.xori %gt3A_309, %not3A : i1
      %convert_element_type3A = arith.extui %not3A_310 : i1 to i32
      %cond3A = arith.constant 0 : i32
      %cond3A_311 = arith.cmpi ne, %convert_element_type3A, %cond3A : i32
      scf.if %cond3A_311 {
        %get3A_947 = arith.constant 0 : index
        %get3A_948 = tpu.vector_load %arg7[%get3A_947] {strides = array<i32>} : memref<128xf32, #tpu.memory_space<vmem>>, vector<16xf32>,
        %get3A_949 = vector.shape_cast %get3A_948 : vector<16xf32> to vector<16xf32>
        %get3A_950 = arith.constant 16 : index
        %get3A_951 = tpu.vector_load %arg7[%get3A_950] {strides = array<i32>} : memref<128xf32, #tpu.memory_space<vmem>>, vector<16xf32>,
        %get3A_952 = vector.shape_cast %get3A_951 : vector<16xf32> to vector<16xf32>
        %get3A_953 = arith.constant 32 : index
        %get3A_954 = tpu.vector_load %arg7[%get3A_953] {strides = array<i32>} : memref<128xf32, #tpu.memory_space<vmem>>, vector<16xf32>,
        %get3A_955 = vector.shape_cast %get3A_954 : vector<16xf32> to vector<16xf32>
        %get3A_956 = arith.constant 48 : index
        %get3A_957 = tpu.vector_load %arg7[%get3A_956] {strides = array<i32>} : memref<128xf32, #tpu.memory_space<vmem>>, vector<16xf32>,
        %get3A_958 = vector.shape_cast %get3A_957 : vector<16xf32> to vector<16xf32>
        %get3A_959 = arith.constant 64 : index
        %get3A_960 = tpu.vector_load %arg7[%get3A_959] {strides = array<i32>} : memref<128xf32, #tpu.memory_space<vmem>>, vector<16xf32>,
        %get3A_961 = vector.shape_cast %get3A_960 : vector<16xf32> to vector<16xf32>
        %get3A_962 = arith.constant 80 : index
        %get3A_963 = tpu.vector_load %arg7[%get3A_962] {strides = array<i32>} : memref<128xf32, #tpu.memory_space<vmem>>, vector<16xf32>,
        %get3A_964 = vector.shape_cast %get3A_963 : vector<16xf32> to vector<16xf32>
        %get3A_965 = arith.constant 96 : index
        %get3A_966 = tpu.vector_load %arg7[%get3A_965] {strides = array<i32>} : memref<128xf32, #tpu.memory_space<vmem>>, vector<16xf32>,
        %get3A_967 = vector.shape_cast %get3A_966 : vector<16xf32> to vector<16xf32>
        %get3A_968 = arith.constant 112 : index
        %get3A_969 = tpu.vector_load %arg7[%get3A_968] {strides = array<i32>} : memref<128xf32, #tpu.memory_space<vmem>>, vector<16xf32>,
        %get3A_970 = vector.shape_cast %get3A_969 : vector<16xf32> to vector<16xf32>
        %parallel_loop3A = arith.constant 0 : i32
        %parallel_loop3A_971 = arith.constant 200 : i32
        %parallel_loop3A_972 = arith.constant 1 : i32
        %parallel_loop3A_973:8 = scf.for %parallel_loop3A_1006 = %parallel_loop3A to %parallel_loop3A_971 step %parallel_loop3A_972 iter_args(%parallel_loop3A_1007 = %get3A_949, %parallel_loop3A_1008 = %get3A_952, %parallel_loop3A_1009 = %get3A_955, %parallel_loop3A_1010 = %get3A_958, %parallel_loop3A_1011 = %get3A_961, %parallel_loop3A_1012 = %get3A_964, %parallel_loop3A_1013 = %get3A_967, %parallel_loop3A_1014 = %get3A_970) -> (vector<16xf32>, vector<16xf32>, vector<16xf32>, vector<16xf32>, vector<16xf32>, vector<16xf32>, vector<16xf32>, vector<16xf32>)  : i32 {
          %parallel_loop3A_1015 = arith.index_cast %parallel_loop3A_1006 : i32 to index
          %parallel_loop3A_1016 = arith.constant 0 : index
          %parallel_loop3A_1017 = tpu.vector_load %arg9[%parallel_loop3A_1015, %parallel_loop3A_1016] {strides = array<i32>} : memref<200x128xf32, #tpu.memory_space<vmem>>, vector<1x16xf32>,
          %parallel_loop3A_1018 = vector.shape_cast %parallel_loop3A_1017 : vector<1x16xf32> to vector<16xf32>
          %parallel_loop3A_1019 = arith.maximumf %parallel_loop3A_1007, %parallel_loop3A_1018 : vector<16xf32>
          %parallel_loop3A_1020 = arith.index_cast %parallel_loop3A_1006 : i32 to index
          %parallel_loop3A_1021 = arith.constant 16 : index
          %parallel_loop3A_1022 = tpu.vector_load %arg9[%parallel_loop3A_1020, %parallel_loop3A_1021] {strides = array<i32>} : memref<200x128xf32, #tpu.memory_space<vmem>>, vector<1x16xf32>,
          %parallel_loop3A_1023 = vector.shape_cast %parallel_loop3A_1022 : vector<1x16xf32> to vector<16xf32>
          %parallel_loop3A_1024 = arith.maximumf %parallel_loop3A_1008, %parallel_loop3A_1023 : vector<16xf32>
          %parallel_loop3A_1025 = arith.index_cast %parallel_loop3A_1006 : i32 to index
          %parallel_loop3A_1026 = arith.constant 32 : index
          %parallel_loop3A_1027 = tpu.vector_load %arg9[%parallel_loop3A_1025, %parallel_loop3A_1026] {strides = array<i32>} : memref<200x128xf32, #tpu.memory_space<vmem>>, vector<1x16xf32>,
          %parallel_loop3A_1028 = vector.shape_cast %parallel_loop3A_1027 : vector<1x16xf32> to vector<16xf32>
          %parallel_loop3A_1029 = arith.maximumf %parallel_loop3A_1009, %parallel_loop3A_1028 : vector<16xf32>
          %parallel_loop3A_1030 = arith.index_cast %parallel_loop3A_1006 : i32 to index
          %parallel_loop3A_1031 = arith.constant 48 : index
          %parallel_loop3A_1032 = tpu.vector_load %arg9[%parallel_loop3A_1030, %parallel_loop3A_1031] {strides = array<i32>} : memref<200x128xf32, #tpu.memory_space<vmem>>, vector<1x16xf32>,
          %parallel_loop3A_1033 = vector.shape_cast %parallel_loop3A_1032 : vector<1x16xf32> to vector<16xf32>
          %parallel_loop3A_1034 = arith.maximumf %parallel_loop3A_1010, %parallel_loop3A_1033 : vector<16xf32>
          %parallel_loop3A_1035 = arith.index_cast %parallel_loop3A_1006 : i32 to index
          %parallel_loop3A_1036 = arith.constant 64 : index
          %parallel_loop3A_1037 = tpu.vector_load %arg9[%parallel_loop3A_1035, %parallel_loop3A_1036] {strides = array<i32>} : memref<200x128xf32, #tpu.memory_space<vmem>>, vector<1x16xf32>,
          %parallel_loop3A_1038 = vector.shape_cast %parallel_loop3A_1037 : vector<1x16xf32> to vector<16xf32>
          %parallel_loop3A_1039 = arith.maximumf %parallel_loop3A_1011, %parallel_loop3A_1038 : vector<16xf32>
          %parallel_loop3A_1040 = arith.index_cast %parallel_loop3A_1006 : i32 to index
          %parallel_loop3A_1041 = arith.constant 80 : index
          %parallel_loop3A_1042 = tpu.vector_load %arg9[%parallel_loop3A_1040, %parallel_loop3A_1041] {strides = array<i32>} : memref<200x128xf32, #tpu.memory_space<vmem>>, vector<1x16xf32>,
          %parallel_loop3A_1043 = vector.shape_cast %parallel_loop3A_1042 : vector<1x16xf32> to vector<16xf32>
          %parallel_loop3A_1044 = arith.maximumf %parallel_loop3A_1012, %parallel_loop3A_1043 : vector<16xf32>
          %parallel_loop3A_1045 = arith.index_cast %parallel_loop3A_1006 : i32 to index
          %parallel_loop3A_1046 = arith.constant 96 : index
          %parallel_loop3A_1047 = tpu.vector_load %arg9[%parallel_loop3A_1045, %parallel_loop3A_1046] {strides = array<i32>} : memref<200x128xf32, #tpu.memory_space<vmem>>, vector<1x16xf32>,
          %parallel_loop3A_1048 = vector.shape_cast %parallel_loop3A_1047 : vector<1x16xf32> to vector<16xf32>
          %parallel_loop3A_1049 = arith.maximumf %parallel_loop3A_1013, %parallel_loop3A_1048 : vector<16xf32>
          %parallel_loop3A_1050 = arith.index_cast %parallel_loop3A_1006 : i32 to index
          %parallel_loop3A_1051 = arith.constant 112 : index
          %parallel_loop3A_1052 = tpu.vector_load %arg9[%parallel_loop3A_1050, %parallel_loop3A_1051] {strides = array<i32>} : memref<200x128xf32, #tpu.memory_space<vmem>>, vector<1x16xf32>,
          %parallel_loop3A_1053 = vector.shape_cast %parallel_loop3A_1052 : vector<1x16xf32> to vector<16xf32>
          %parallel_loop3A_1054 = arith.maximumf %parallel_loop3A_1014, %parallel_loop3A_1053 : vector<16xf32>
          scf.yield %parallel_loop3A_1019, %parallel_loop3A_1024, %parallel_loop3A_1029, %parallel_loop3A_1034, %parallel_loop3A_1039, %parallel_loop3A_1044, %parallel_loop3A_1049, %parallel_loop3A_1054 : vector<16xf32>, vector<16xf32>, vector<16xf32>, vector<16xf32>, vector<16xf32>, vector<16xf32>, vector<16xf32>, vector<16xf32>
        } {sc.loop_unroll_factor = 2 : i64, sc.parallel_access}
        %swap3A_974 = arith.constant 0 : index
        %swap3A_975 = tpu.vector_load %arg7[%swap3A_974] {strides = array<i32>} : memref<128xf32, #tpu.memory_space<vmem>>, vector<16xf32>,
        %swap3A_976 = vector.shape_cast %swap3A_975 : vector<16xf32> to vector<16xf32>
        %swap3A_977 = vector.shape_cast %parallel_loop3A_973#0 : vector<16xf32> to vector<16xf32>
        tpu.vector_store %arg7[%swap3A_974], %swap3A_977 {strides = array<i32>} : memref<128xf32, #tpu.memory_space<vmem>>, vector<16xf32>,
        %swap3A_978 = arith.constant 16 : index
        %swap3A_979 = tpu.vector_load %arg7[%swap3A_978] {strides = array<i32>} : memref<128xf32, #tpu.memory_space<vmem>>, vector<16xf32>,
        %swap3A_980 = vector.shape_cast %swap3A_979 : vector<16xf32> to vector<16xf32>
        %swap3A_981 = vector.shape_cast %parallel_loop3A_973#1 : vector<16xf32> to vector<16xf32>
        tpu.vector_store %arg7[%swap3A_978], %swap3A_981 {strides = array<i32>} : memref<128xf32, #tpu.memory_space<vmem>>, vector<16xf32>,
        %swap3A_982 = arith.constant 32 : index
        %swap3A_983 = tpu.vector_load %arg7[%swap3A_982] {strides = array<i32>} : memref<128xf32, #tpu.memory_space<vmem>>, vector<16xf32>,
        %swap3A_984 = vector.shape_cast %swap3A_983 : vector<16xf32> to vector<16xf32>
        %swap3A_985 = vector.shape_cast %parallel_loop3A_973#2 : vector<16xf32> to vector<16xf32>
        tpu.vector_store %arg7[%swap3A_982], %swap3A_985 {strides = array<i32>} : memref<128xf32, #tpu.memory_space<vmem>>, vector<16xf32>,
        %swap3A_986 = arith.constant 48 : index
        %swap3A_987 = tpu.vector_load %arg7[%swap3A_986] {strides = array<i32>} : memref<128xf32, #tpu.memory_space<vmem>>, vector<16xf32>,
        %swap3A_988 = vector.shape_cast %swap3A_987 : vector<16xf32> to vector<16xf32>
        %swap3A_989 = vector.shape_cast %parallel_loop3A_973#3 : vector<16xf32> to vector<16xf32>
        tpu.vector_store %arg7[%swap3A_986], %swap3A_989 {strides = array<i32>} : memref<128xf32, #tpu.memory_space<vmem>>, vector<16xf32>,
        %swap3A_990 = arith.constant 64 : index
        %swap3A_991 = tpu.vector_load %arg7[%swap3A_990] {strides = array<i32>} : memref<128xf32, #tpu.memory_space<vmem>>, vector<16xf32>,
        %swap3A_992 = vector.shape_cast %swap3A_991 : vector<16xf32> to vector<16xf32>
        %swap3A_993 = vector.shape_cast %parallel_loop3A_973#4 : vector<16xf32> to vector<16xf32>
        tpu.vector_store %arg7[%swap3A_990], %swap3A_993 {strides = array<i32>} : memref<128xf32, #tpu.memory_space<vmem>>, vector<16xf32>,
        %swap3A_994 = arith.constant 80 : index
        %swap3A_995 = tpu.vector_load %arg7[%swap3A_994] {strides = array<i32>} : memref<128xf32, #tpu.memory_space<vmem>>, vector<16xf32>,
        %swap3A_996 = vector.shape_cast %swap3A_995 : vector<16xf32> to vector<16xf32>
        %swap3A_997 = vector.shape_cast %parallel_loop3A_973#5 : vector<16xf32> to vector<16xf32>
        tpu.vector_store %arg7[%swap3A_994], %swap3A_997 {strides = array<i32>} : memref<128xf32, #tpu.memory_space<vmem>>, vector<16xf32>,
        %swap3A_998 = arith.constant 96 : index
        %swap3A_999 = tpu.vector_load %arg7[%swap3A_998] {strides = array<i32>} : memref<128xf32, #tpu.memory_space<vmem>>, vector<16xf32>,
        %swap3A_1000 = vector.shape_cast %swap3A_999 : vector<16xf32> to vector<16xf32>
        %swap3A_1001 = vector.shape_cast %parallel_loop3A_973#6 : vector<16xf32> to vector<16xf32>
        tpu.vector_store %arg7[%swap3A_998], %swap3A_1001 {strides = array<i32>} : memref<128xf32, #tpu.memory_space<vmem>>, vector<16xf32>,
        %swap3A_1002 = arith.constant 112 : index
        %swap3A_1003 = tpu.vector_load %arg7[%swap3A_1002] {strides = array<i32>} : memref<128xf32, #tpu.memory_space<vmem>>, vector<16xf32>,
        %swap3A_1004 = vector.shape_cast %swap3A_1003 : vector<16xf32> to vector<16xf32>
        %swap3A_1005 = vector.shape_cast %parallel_loop3A_973#7 : vector<16xf32> to vector<16xf32>
        tpu.vector_store %arg7[%swap3A_1002], %swap3A_1005 {strides = array<i32>} : memref<128xf32, #tpu.memory_space<vmem>>, vector<16xf32>,
      } else {
      }
      %convert_element_type3A_312 = arith.extui %gt3A_309 : i1 to i32
      %cond3A_313 = arith.constant 0 : i32
      %cond3A_314 = arith.cmpi ne, %convert_element_type3A_312, %cond3A_313 : i32
      scf.if %cond3A_314 {
        %get3A_947 = arith.constant 0 : index
        %get3A_948 = tpu.vector_load %arg7[%get3A_947] {strides = array<i32>} : memref<128xf32, #tpu.memory_space<vmem>>, vector<16xf32>,
        %get3A_949 = vector.shape_cast %get3A_948 : vector<16xf32> to vector<16xf32>
        %get3A_950 = arith.constant 16 : index
        %get3A_951 = tpu.vector_load %arg7[%get3A_950] {strides = array<i32>} : memref<128xf32, #tpu.memory_space<vmem>>, vector<16xf32>,
        %get3A_952 = vector.shape_cast %get3A_951 : vector<16xf32> to vector<16xf32>
        %get3A_953 = arith.constant 32 : index
        %get3A_954 = tpu.vector_load %arg7[%get3A_953] {strides = array<i32>} : memref<128xf32, #tpu.memory_space<vmem>>, vector<16xf32>,
        %get3A_955 = vector.shape_cast %get3A_954 : vector<16xf32> to vector<16xf32>
        %get3A_956 = arith.constant 48 : index
        %get3A_957 = tpu.vector_load %arg7[%get3A_956] {strides = array<i32>} : memref<128xf32, #tpu.memory_space<vmem>>, vector<16xf32>,
        %get3A_958 = vector.shape_cast %get3A_957 : vector<16xf32> to vector<16xf32>
        %get3A_959 = arith.constant 64 : index
        %get3A_960 = tpu.vector_load %arg7[%get3A_959] {strides = array<i32>} : memref<128xf32, #tpu.memory_space<vmem>>, vector<16xf32>,
        %get3A_961 = vector.shape_cast %get3A_960 : vector<16xf32> to vector<16xf32>
        %get3A_962 = arith.constant 80 : index
        %get3A_963 = tpu.vector_load %arg7[%get3A_962] {strides = array<i32>} : memref<128xf32, #tpu.memory_space<vmem>>, vector<16xf32>,
        %get3A_964 = vector.shape_cast %get3A_963 : vector<16xf32> to vector<16xf32>
        %get3A_965 = arith.constant 96 : index
        %get3A_966 = tpu.vector_load %arg7[%get3A_965] {strides = array<i32>} : memref<128xf32, #tpu.memory_space<vmem>>, vector<16xf32>,
        %get3A_967 = vector.shape_cast %get3A_966 : vector<16xf32> to vector<16xf32>
        %get3A_968 = arith.constant 112 : index
        %get3A_969 = tpu.vector_load %arg7[%get3A_968] {strides = array<i32>} : memref<128xf32, #tpu.memory_space<vmem>>, vector<16xf32>,
        %get3A_970 = vector.shape_cast %get3A_969 : vector<16xf32> to vector<16xf32>
        %get3A_971 = arith.constant 0 : index
        %get3A_972 = tpu.vector_load %arg8[%get3A_971] {strides = array<i32>} : memref<128xf32, #tpu.memory_space<vmem>>, vector<16xf32>,
        %get3A_973 = vector.shape_cast %get3A_972 : vector<16xf32> to vector<16xf32>
        %get3A_974 = arith.constant 16 : index
        %get3A_975 = tpu.vector_load %arg8[%get3A_974] {strides = array<i32>} : memref<128xf32, #tpu.memory_space<vmem>>, vector<16xf32>,
        %get3A_976 = vector.shape_cast %get3A_975 : vector<16xf32> to vector<16xf32>
        %get3A_977 = arith.constant 32 : index
        %get3A_978 = tpu.vector_load %arg8[%get3A_977] {strides = array<i32>} : memref<128xf32, #tpu.memory_space<vmem>>, vector<16xf32>,
        %get3A_979 = vector.shape_cast %get3A_978 : vector<16xf32> to vector<16xf32>
        %get3A_980 = arith.constant 48 : index
        %get3A_981 = tpu.vector_load %arg8[%get3A_980] {strides = array<i32>} : memref<128xf32, #tpu.memory_space<vmem>>, vector<16xf32>,
        %get3A_982 = vector.shape_cast %get3A_981 : vector<16xf32> to vector<16xf32>
        %get3A_983 = arith.constant 64 : index
        %get3A_984 = tpu.vector_load %arg8[%get3A_983] {strides = array<i32>} : memref<128xf32, #tpu.memory_space<vmem>>, vector<16xf32>,
        %get3A_985 = vector.shape_cast %get3A_984 : vector<16xf32> to vector<16xf32>
        %get3A_986 = arith.constant 80 : index
        %get3A_987 = tpu.vector_load %arg8[%get3A_986] {strides = array<i32>} : memref<128xf32, #tpu.memory_space<vmem>>, vector<16xf32>,
        %get3A_988 = vector.shape_cast %get3A_987 : vector<16xf32> to vector<16xf32>
        %get3A_989 = arith.constant 96 : index
        %get3A_990 = tpu.vector_load %arg8[%get3A_989] {strides = array<i32>} : memref<128xf32, #tpu.memory_space<vmem>>, vector<16xf32>,
        %get3A_991 = vector.shape_cast %get3A_990 : vector<16xf32> to vector<16xf32>
        %get3A_992 = arith.constant 112 : index
        %get3A_993 = tpu.vector_load %arg8[%get3A_992] {strides = array<i32>} : memref<128xf32, #tpu.memory_space<vmem>>, vector<16xf32>,
        %get3A_994 = vector.shape_cast %get3A_993 : vector<16xf32> to vector<16xf32>
        %parallel_loop3A = arith.constant 0 : i32
        %parallel_loop3A_995 = arith.constant 200 : i32
        %parallel_loop3A_996 = arith.constant 1 : i32
        %parallel_loop3A_997:16 = scf.for %parallel_loop3A_1062 = %parallel_loop3A to %parallel_loop3A_995 step %parallel_loop3A_996 iter_args(%parallel_loop3A_1063 = %get3A_949, %parallel_loop3A_1064 = %get3A_952, %parallel_loop3A_1065 = %get3A_955, %parallel_loop3A_1066 = %get3A_958, %parallel_loop3A_1067 = %get3A_961, %parallel_loop3A_1068 = %get3A_964, %parallel_loop3A_1069 = %get3A_967, %parallel_loop3A_1070 = %get3A_970, %parallel_loop3A_1071 = %get3A_973, %parallel_loop3A_1072 = %get3A_976, %parallel_loop3A_1073 = %get3A_979, %parallel_loop3A_1074 = %get3A_982, %parallel_loop3A_1075 = %get3A_985, %parallel_loop3A_1076 = %get3A_988, %parallel_loop3A_1077 = %get3A_991, %parallel_loop3A_1078 = %get3A_994) -> (vector<16xf32>, vector<16xf32>, vector<16xf32>, vector<16xf32>, vector<16xf32>, vector<16xf32>, vector<16xf32>, vector<16xf32>, vector<16xf32>, vector<16xf32>, vector<16xf32>, vector<16xf32>, vector<16xf32>, vector<16xf32>, vector<16xf32>, vector<16xf32>)  : i32 {
          %parallel_loop3A_1079 = arith.addi %mul3A_145, %parallel_loop3A_1062 : i32
          %parallel_loop3A_1080 = vector.broadcast %parallel_loop3A_1079 : i32 to vector<16xi32>
          %parallel_loop3A_1081 = arith.index_cast %parallel_loop3A_1062 : i32 to index
          %parallel_loop3A_1082 = arith.constant 0 : index
          %parallel_loop3A_1083 = tpu.vector_load %arg9[%parallel_loop3A_1081, %parallel_loop3A_1082] {strides = array<i32>} : memref<200x128xf32, #tpu.memory_space<vmem>>, vector<1x16xf32>,
          %parallel_loop3A_1084 = vector.shape_cast %parallel_loop3A_1083 : vector<1x16xf32> to vector<16xf32>
          %parallel_loop3A_1085 = arith.cmpi eq, %get3A_147, %parallel_loop3A_1080 : vector<16xi32>
          %parallel_loop3A_1086 = arith.select %parallel_loop3A_1085, %broadcast_in_dim3A_135, %parallel_loop3A_1084 : vector<16xi1>, vector<16xf32>
          %parallel_loop3A_1087 = arith.maximumf %parallel_loop3A_1063, %parallel_loop3A_1086 : vector<16xf32>
          %parallel_loop3A_1088 = arith.select %parallel_loop3A_1085, %parallel_loop3A_1084, %broadcast_in_dim3A_135 : vector<16xi1>, vector<16xf32>
          %parallel_loop3A_1089 = arith.maximumf %parallel_loop3A_1071, %parallel_loop3A_1088 : vector<16xf32>
          %parallel_loop3A_1090 = arith.index_cast %parallel_loop3A_1062 : i32 to index
          %parallel_loop3A_1091 = arith.constant 16 : index
          %parallel_loop3A_1092 = tpu.vector_load %arg9[%parallel_loop3A_1090, %parallel_loop3A_1091] {strides = array<i32>} : memref<200x128xf32, #tpu.memory_space<vmem>>, vector<1x16xf32>,
          %parallel_loop3A_1093 = vector.shape_cast %parallel_loop3A_1092 : vector<1x16xf32> to vector<16xf32>
          %parallel_loop3A_1094 = arith.cmpi eq, %get3A_150, %parallel_loop3A_1080 : vector<16xi32>
          %parallel_loop3A_1095 = arith.select %parallel_loop3A_1094, %broadcast_in_dim3A_135, %parallel_loop3A_1093 : vector<16xi1>, vector<16xf32>
          %parallel_loop3A_1096 = arith.maximumf %parallel_loop3A_1064, %parallel_loop3A_1095 : vector<16xf32>
          %parallel_loop3A_1097 = arith.select %parallel_loop3A_1094, %parallel_loop3A_1093, %broadcast_in_dim3A_135 : vector<16xi1>, vector<16xf32>
          %parallel_loop3A_1098 = arith.maximumf %parallel_loop3A_1072, %parallel_loop3A_1097 : vector<16xf32>
          %parallel_loop3A_1099 = arith.index_cast %parallel_loop3A_1062 : i32 to index
          %parallel_loop3A_1100 = arith.constant 32 : index
          %parallel_loop3A_1101 = tpu.vector_load %arg9[%parallel_loop3A_1099, %parallel_loop3A_1100] {strides = array<i32>} : memref<200x128xf32, #tpu.memory_space<vmem>>, vector<1x16xf32>,
          %parallel_loop3A_1102 = vector.shape_cast %parallel_loop3A_1101 : vector<1x16xf32> to vector<16xf32>
          %parallel_loop3A_1103 = arith.cmpi eq, %get3A_153, %parallel_loop3A_1080 : vector<16xi32>
          %parallel_loop3A_1104 = arith.select %parallel_loop3A_1103, %broadcast_in_dim3A_135, %parallel_loop3A_1102 : vector<16xi1>, vector<16xf32>
          %parallel_loop3A_1105 = arith.maximumf %parallel_loop3A_1065, %parallel_loop3A_1104 : vector<16xf32>
          %parallel_loop3A_1106 = arith.select %parallel_loop3A_1103, %parallel_loop3A_1102, %broadcast_in_dim3A_135 : vector<16xi1>, vector<16xf32>
          %parallel_loop3A_1107 = arith.maximumf %parallel_loop3A_1073, %parallel_loop3A_1106 : vector<16xf32>
          %parallel_loop3A_1108 = arith.index_cast %parallel_loop3A_1062 : i32 to index
          %parallel_loop3A_1109 = arith.constant 48 : index
          %parallel_loop3A_1110 = tpu.vector_load %arg9[%parallel_loop3A_1108, %parallel_loop3A_1109] {strides = array<i32>} : memref<200x128xf32, #tpu.memory_space<vmem>>, vector<1x16xf32>,
          %parallel_loop3A_1111 = vector.shape_cast %parallel_loop3A_1110 : vector<1x16xf32> to vector<16xf32>
          %parallel_loop3A_1112 = arith.cmpi eq, %get3A_156, %parallel_loop3A_1080 : vector<16xi32>
          %parallel_loop3A_1113 = arith.select %parallel_loop3A_1112, %broadcast_in_dim3A_135, %parallel_loop3A_1111 : vector<16xi1>, vector<16xf32>
          %parallel_loop3A_1114 = arith.maximumf %parallel_loop3A_1066, %parallel_loop3A_1113 : vector<16xf32>
          %parallel_loop3A_1115 = arith.select %parallel_loop3A_1112, %parallel_loop3A_1111, %broadcast_in_dim3A_135 : vector<16xi1>, vector<16xf32>
          %parallel_loop3A_1116 = arith.maximumf %parallel_loop3A_1074, %parallel_loop3A_1115 : vector<16xf32>
          %parallel_loop3A_1117 = arith.index_cast %parallel_loop3A_1062 : i32 to index
          %parallel_loop3A_1118 = arith.constant 64 : index
          %parallel_loop3A_1119 = tpu.vector_load %arg9[%parallel_loop3A_1117, %parallel_loop3A_1118] {strides = array<i32>} : memref<200x128xf32, #tpu.memory_space<vmem>>, vector<1x16xf32>,
          %parallel_loop3A_1120 = vector.shape_cast %parallel_loop3A_1119 : vector<1x16xf32> to vector<16xf32>
          %parallel_loop3A_1121 = arith.cmpi eq, %get3A_159, %parallel_loop3A_1080 : vector<16xi32>
          %parallel_loop3A_1122 = arith.select %parallel_loop3A_1121, %broadcast_in_dim3A_135, %parallel_loop3A_1120 : vector<16xi1>, vector<16xf32>
          %parallel_loop3A_1123 = arith.maximumf %parallel_loop3A_1067, %parallel_loop3A_1122 : vector<16xf32>
          %parallel_loop3A_1124 = arith.select %parallel_loop3A_1121, %parallel_loop3A_1120, %broadcast_in_dim3A_135 : vector<16xi1>, vector<16xf32>
          %parallel_loop3A_1125 = arith.maximumf %parallel_loop3A_1075, %parallel_loop3A_1124 : vector<16xf32>
          %parallel_loop3A_1126 = arith.index_cast %parallel_loop3A_1062 : i32 to index
          %parallel_loop3A_1127 = arith.constant 80 : index
          %parallel_loop3A_1128 = tpu.vector_load %arg9[%parallel_loop3A_1126, %parallel_loop3A_1127] {strides = array<i32>} : memref<200x128xf32, #tpu.memory_space<vmem>>, vector<1x16xf32>,
          %parallel_loop3A_1129 = vector.shape_cast %parallel_loop3A_1128 : vector<1x16xf32> to vector<16xf32>
          %parallel_loop3A_1130 = arith.cmpi eq, %get3A_162, %parallel_loop3A_1080 : vector<16xi32>
          %parallel_loop3A_1131 = arith.select %parallel_loop3A_1130, %broadcast_in_dim3A_135, %parallel_loop3A_1129 : vector<16xi1>, vector<16xf32>
          %parallel_loop3A_1132 = arith.maximumf %parallel_loop3A_1068, %parallel_loop3A_1131 : vector<16xf32>
          %parallel_loop3A_1133 = arith.select %parallel_loop3A_1130, %parallel_loop3A_1129, %broadcast_in_dim3A_135 : vector<16xi1>, vector<16xf32>
          %parallel_loop3A_1134 = arith.maximumf %parallel_loop3A_1076, %parallel_loop3A_1133 : vector<16xf32>
          %parallel_loop3A_1135 = arith.index_cast %parallel_loop3A_1062 : i32 to index
          %parallel_loop3A_1136 = arith.constant 96 : index
          %parallel_loop3A_1137 = tpu.vector_load %arg9[%parallel_loop3A_1135, %parallel_loop3A_1136] {strides = array<i32>} : memref<200x128xf32, #tpu.memory_space<vmem>>, vector<1x16xf32>,
          %parallel_loop3A_1138 = vector.shape_cast %parallel_loop3A_1137 : vector<1x16xf32> to vector<16xf32>
          %parallel_loop3A_1139 = arith.cmpi eq, %get3A_165, %parallel_loop3A_1080 : vector<16xi32>
          %parallel_loop3A_1140 = arith.select %parallel_loop3A_1139, %broadcast_in_dim3A_135, %parallel_loop3A_1138 : vector<16xi1>, vector<16xf32>
          %parallel_loop3A_1141 = arith.maximumf %parallel_loop3A_1069, %parallel_loop3A_1140 : vector<16xf32>
          %parallel_loop3A_1142 = arith.select %parallel_loop3A_1139, %parallel_loop3A_1138, %broadcast_in_dim3A_135 : vector<16xi1>, vector<16xf32>
          %parallel_loop3A_1143 = arith.maximumf %parallel_loop3A_1077, %parallel_loop3A_1142 : vector<16xf32>
          %parallel_loop3A_1144 = arith.index_cast %parallel_loop3A_1062 : i32 to index
          %parallel_loop3A_1145 = arith.constant 112 : index
          %parallel_loop3A_1146 = tpu.vector_load %arg9[%parallel_loop3A_1144, %parallel_loop3A_1145] {strides = array<i32>} : memref<200x128xf32, #tpu.memory_space<vmem>>, vector<1x16xf32>,
          %parallel_loop3A_1147 = vector.shape_cast %parallel_loop3A_1146 : vector<1x16xf32> to vector<16xf32>
          %parallel_loop3A_1148 = arith.cmpi eq, %get3A_168, %parallel_loop3A_1080 : vector<16xi32>
          %parallel_loop3A_1149 = arith.select %parallel_loop3A_1148, %broadcast_in_dim3A_135, %parallel_loop3A_1147 : vector<16xi1>, vector<16xf32>
          %parallel_loop3A_1150 = arith.maximumf %parallel_loop3A_1070, %parallel_loop3A_1149 : vector<16xf32>
          %parallel_loop3A_1151 = arith.select %parallel_loop3A_1148, %parallel_loop3A_1147, %broadcast_in_dim3A_135 : vector<16xi1>, vector<16xf32>
          %parallel_loop3A_1152 = arith.maximumf %parallel_loop3A_1078, %parallel_loop3A_1151 : vector<16xf32>
          scf.yield %parallel_loop3A_1087, %parallel_loop3A_1096, %parallel_loop3A_1105, %parallel_loop3A_1114, %parallel_loop3A_1123, %parallel_loop3A_1132, %parallel_loop3A_1141, %parallel_loop3A_1150, %parallel_loop3A_1089, %parallel_loop3A_1098, %parallel_loop3A_1107, %parallel_loop3A_1116, %parallel_loop3A_1125, %parallel_loop3A_1134, %parallel_loop3A_1143, %parallel_loop3A_1152 : vector<16xf32>, vector<16xf32>, vector<16xf32>, vector<16xf32>, vector<16xf32>, vector<16xf32>, vector<16xf32>, vector<16xf32>, vector<16xf32>, vector<16xf32>, vector<16xf32>, vector<16xf32>, vector<16xf32>, vector<16xf32>, vector<16xf32>, vector<16xf32>
        } {sc.loop_unroll_factor = 1 : i64, sc.parallel_access}
        %swap3A_998 = arith.constant 0 : index
        %swap3A_999 = tpu.vector_load %arg7[%swap3A_998] {strides = array<i32>} : memref<128xf32, #tpu.memory_space<vmem>>, vector<16xf32>,
        %swap3A_1000 = vector.shape_cast %swap3A_999 : vector<16xf32> to vector<16xf32>
        %swap3A_1001 = vector.shape_cast %parallel_loop3A_997#0 : vector<16xf32> to vector<16xf32>
        tpu.vector_store %arg7[%swap3A_998], %swap3A_1001 {strides = array<i32>} : memref<128xf32, #tpu.memory_space<vmem>>, vector<16xf32>,
        %swap3A_1002 = arith.constant 0 : index
        %swap3A_1003 = tpu.vector_load %arg8[%swap3A_1002] {strides = array<i32>} : memref<128xf32, #tpu.memory_space<vmem>>, vector<16xf32>,
        %swap3A_1004 = vector.shape_cast %swap3A_1003 : vector<16xf32> to vector<16xf32>
        %swap3A_1005 = vector.shape_cast %parallel_loop3A_997#8 : vector<16xf32> to vector<16xf32>
        tpu.vector_store %arg8[%swap3A_1002], %swap3A_1005 {strides = array<i32>} : memref<128xf32, #tpu.memory_space<vmem>>, vector<16xf32>,
        %swap3A_1006 = arith.constant 16 : index
        %swap3A_1007 = tpu.vector_load %arg7[%swap3A_1006] {strides = array<i32>} : memref<128xf32, #tpu.memory_space<vmem>>, vector<16xf32>,
        %swap3A_1008 = vector.shape_cast %swap3A_1007 : vector<16xf32> to vector<16xf32>
        %swap3A_1009 = vector.shape_cast %parallel_loop3A_997#1 : vector<16xf32> to vector<16xf32>
        tpu.vector_store %arg7[%swap3A_1006], %swap3A_1009 {strides = array<i32>} : memref<128xf32, #tpu.memory_space<vmem>>, vector<16xf32>,
        %swap3A_1010 = arith.constant 16 : index
        %swap3A_1011 = tpu.vector_load %arg8[%swap3A_1010] {strides = array<i32>} : memref<128xf32, #tpu.memory_space<vmem>>, vector<16xf32>,
        %swap3A_1012 = vector.shape_cast %swap3A_1011 : vector<16xf32> to vector<16xf32>
        %swap3A_1013 = vector.shape_cast %parallel_loop3A_997#9 : vector<16xf32> to vector<16xf32>
        tpu.vector_store %arg8[%swap3A_1010], %swap3A_1013 {strides = array<i32>} : memref<128xf32, #tpu.memory_space<vmem>>, vector<16xf32>,
        %swap3A_1014 = arith.constant 32 : index
        %swap3A_1015 = tpu.vector_load %arg7[%swap3A_1014] {strides = array<i32>} : memref<128xf32, #tpu.memory_space<vmem>>, vector<16xf32>,
        %swap3A_1016 = vector.shape_cast %swap3A_1015 : vector<16xf32> to vector<16xf32>
        %swap3A_1017 = vector.shape_cast %parallel_loop3A_997#2 : vector<16xf32> to vector<16xf32>
        tpu.vector_store %arg7[%swap3A_1014], %swap3A_1017 {strides = array<i32>} : memref<128xf32, #tpu.memory_space<vmem>>, vector<16xf32>,
        %swap3A_1018 = arith.constant 32 : index
        %swap3A_1019 = tpu.vector_load %arg8[%swap3A_1018] {strides = array<i32>} : memref<128xf32, #tpu.memory_space<vmem>>, vector<16xf32>,
        %swap3A_1020 = vector.shape_cast %swap3A_1019 : vector<16xf32> to vector<16xf32>
        %swap3A_1021 = vector.shape_cast %parallel_loop3A_997#10 : vector<16xf32> to vector<16xf32>
        tpu.vector_store %arg8[%swap3A_1018], %swap3A_1021 {strides = array<i32>} : memref<128xf32, #tpu.memory_space<vmem>>, vector<16xf32>,
        %swap3A_1022 = arith.constant 48 : index
        %swap3A_1023 = tpu.vector_load %arg7[%swap3A_1022] {strides = array<i32>} : memref<128xf32, #tpu.memory_space<vmem>>, vector<16xf32>,
        %swap3A_1024 = vector.shape_cast %swap3A_1023 : vector<16xf32> to vector<16xf32>
        %swap3A_1025 = vector.shape_cast %parallel_loop3A_997#3 : vector<16xf32> to vector<16xf32>
        tpu.vector_store %arg7[%swap3A_1022], %swap3A_1025 {strides = array<i32>} : memref<128xf32, #tpu.memory_space<vmem>>, vector<16xf32>,
        %swap3A_1026 = arith.constant 48 : index
        %swap3A_1027 = tpu.vector_load %arg8[%swap3A_1026] {strides = array<i32>} : memref<128xf32, #tpu.memory_space<vmem>>, vector<16xf32>,
        %swap3A_1028 = vector.shape_cast %swap3A_1027 : vector<16xf32> to vector<16xf32>
        %swap3A_1029 = vector.shape_cast %parallel_loop3A_997#11 : vector<16xf32> to vector<16xf32>
        tpu.vector_store %arg8[%swap3A_1026], %swap3A_1029 {strides = array<i32>} : memref<128xf32, #tpu.memory_space<vmem>>, vector<16xf32>,
        %swap3A_1030 = arith.constant 64 : index
        %swap3A_1031 = tpu.vector_load %arg7[%swap3A_1030] {strides = array<i32>} : memref<128xf32, #tpu.memory_space<vmem>>, vector<16xf32>,
        %swap3A_1032 = vector.shape_cast %swap3A_1031 : vector<16xf32> to vector<16xf32>
        %swap3A_1033 = vector.shape_cast %parallel_loop3A_997#4 : vector<16xf32> to vector<16xf32>
        tpu.vector_store %arg7[%swap3A_1030], %swap3A_1033 {strides = array<i32>} : memref<128xf32, #tpu.memory_space<vmem>>, vector<16xf32>,
        %swap3A_1034 = arith.constant 64 : index
        %swap3A_1035 = tpu.vector_load %arg8[%swap3A_1034] {strides = array<i32>} : memref<128xf32, #tpu.memory_space<vmem>>, vector<16xf32>,
        %swap3A_1036 = vector.shape_cast %swap3A_1035 : vector<16xf32> to vector<16xf32>
        %swap3A_1037 = vector.shape_cast %parallel_loop3A_997#12 : vector<16xf32> to vector<16xf32>
        tpu.vector_store %arg8[%swap3A_1034], %swap3A_1037 {strides = array<i32>} : memref<128xf32, #tpu.memory_space<vmem>>, vector<16xf32>,
        %swap3A_1038 = arith.constant 80 : index
        %swap3A_1039 = tpu.vector_load %arg7[%swap3A_1038] {strides = array<i32>} : memref<128xf32, #tpu.memory_space<vmem>>, vector<16xf32>,
        %swap3A_1040 = vector.shape_cast %swap3A_1039 : vector<16xf32> to vector<16xf32>
        %swap3A_1041 = vector.shape_cast %parallel_loop3A_997#5 : vector<16xf32> to vector<16xf32>
        tpu.vector_store %arg7[%swap3A_1038], %swap3A_1041 {strides = array<i32>} : memref<128xf32, #tpu.memory_space<vmem>>, vector<16xf32>,
        %swap3A_1042 = arith.constant 80 : index
        %swap3A_1043 = tpu.vector_load %arg8[%swap3A_1042] {strides = array<i32>} : memref<128xf32, #tpu.memory_space<vmem>>, vector<16xf32>,
        %swap3A_1044 = vector.shape_cast %swap3A_1043 : vector<16xf32> to vector<16xf32>
        %swap3A_1045 = vector.shape_cast %parallel_loop3A_997#13 : vector<16xf32> to vector<16xf32>
        tpu.vector_store %arg8[%swap3A_1042], %swap3A_1045 {strides = array<i32>} : memref<128xf32, #tpu.memory_space<vmem>>, vector<16xf32>,
        %swap3A_1046 = arith.constant 96 : index
        %swap3A_1047 = tpu.vector_load %arg7[%swap3A_1046] {strides = array<i32>} : memref<128xf32, #tpu.memory_space<vmem>>, vector<16xf32>,
        %swap3A_1048 = vector.shape_cast %swap3A_1047 : vector<16xf32> to vector<16xf32>
        %swap3A_1049 = vector.shape_cast %parallel_loop3A_997#6 : vector<16xf32> to vector<16xf32>
        tpu.vector_store %arg7[%swap3A_1046], %swap3A_1049 {strides = array<i32>} : memref<128xf32, #tpu.memory_space<vmem>>, vector<16xf32>,
        %swap3A_1050 = arith.constant 96 : index
        %swap3A_1051 = tpu.vector_load %arg8[%swap3A_1050] {strides = array<i32>} : memref<128xf32, #tpu.memory_space<vmem>>, vector<16xf32>,
        %swap3A_1052 = vector.shape_cast %swap3A_1051 : vector<16xf32> to vector<16xf32>
        %swap3A_1053 = vector.shape_cast %parallel_loop3A_997#14 : vector<16xf32> to vector<16xf32>
        tpu.vector_store %arg8[%swap3A_1050], %swap3A_1053 {strides = array<i32>} : memref<128xf32, #tpu.memory_space<vmem>>, vector<16xf32>,
        %swap3A_1054 = arith.constant 112 : index
        %swap3A_1055 = tpu.vector_load %arg7[%swap3A_1054] {strides = array<i32>} : memref<128xf32, #tpu.memory_space<vmem>>, vector<16xf32>,
        %swap3A_1056 = vector.shape_cast %swap3A_1055 : vector<16xf32> to vector<16xf32>
        %swap3A_1057 = vector.shape_cast %parallel_loop3A_997#7 : vector<16xf32> to vector<16xf32>
        tpu.vector_store %arg7[%swap3A_1054], %swap3A_1057 {strides = array<i32>} : memref<128xf32, #tpu.memory_space<vmem>>, vector<16xf32>,
        %swap3A_1058 = arith.constant 112 : index
        %swap3A_1059 = tpu.vector_load %arg8[%swap3A_1058] {strides = array<i32>} : memref<128xf32, #tpu.memory_space<vmem>>, vector<16xf32>,
        %swap3A_1060 = vector.shape_cast %swap3A_1059 : vector<16xf32> to vector<16xf32>
        %swap3A_1061 = vector.shape_cast %parallel_loop3A_997#15 : vector<16xf32> to vector<16xf32>
        tpu.vector_store %arg8[%swap3A_1058], %swap3A_1061 {strides = array<i32>} : memref<128xf32, #tpu.memory_space<vmem>>, vector<16xf32>,
      } else {
      }
      %lt3A_315 = arith.constant 268 : i32
      %lt3A_316 = arith.cmpi slt, %add3A_133, %lt3A_315 : i32
      %convert_element_type3A_317 = arith.extui %lt3A_316 : i1 to i32
      %cond3A_318 = arith.constant 0 : i32
      %cond3A_319 = arith.cmpi ne, %convert_element_type3A_317, %cond3A_318 : i32
      scf.if %cond3A_319 {
        %add3A_947 = arith.constant 4 : i32
        %add3A_948 = arith.addi %add3A_133, %add3A_947 : i32
        %mul3A_949 = arith.constant 200 : i32
        %mul3A_950 = arith.muli %add3A_948, %mul3A_949 : i32
        %multiple_of3A_951 = tpu.assume_multiple %mul3A_950, 8 : i32
        %dma_start3A_952 = arith.constant 0 : i32
        %dma_start3A_953 = tpu.memref_slice %arg2[%multiple_of3A_951, %multiple_of3A] : memref<100000x4096xf32, #tpu.memory_space<hbm>> -> memref<200x128xf32, #tpu.memory_space<hbm>>
        %dma_start3A_954 = tpu.memref_slice %arg13[%dma_start3A_952] : memref<4x!tpu.dma_semaphore, #tpu.memory_space<semaphore_mem>> -> memref<1x!tpu.dma_semaphore, #tpu.memory_space<semaphore_mem>>
        %dma_start3A_955 = tpu.memref_squeeze %dma_start3A_954 : memref<1x!tpu.dma_semaphore, #tpu.memory_space<semaphore_mem>> -> memref<!tpu.dma_semaphore, #tpu.memory_space<semaphore_mem>>
        %dma_start3A_956 = tpu.memref_slice %arg2[%multiple_of3A_951, %multiple_of3A] : memref<100000x4096xf32, #tpu.memory_space<hbm>> -> memref<200x128xf32, #tpu.memory_space<hbm>>
        tpu.enqueue_dma source(%dma_start3A_956 : memref<200x128xf32, #tpu.memory_space<hbm>>) target(%arg9 : memref<200x128xf32, #tpu.memory_space<vmem>>) target_semaphore(%dma_start3A_955 : memref<!tpu.dma_semaphore, #tpu.memory_space<semaphore_mem>>)
      } else {
      }
      %mul3A_320 = arith.constant 4 : i32
      %mul3A_321 = arith.muli %scan3A_129, %mul3A_320 : i32
      %add3A_322 = arith.constant 1 : i32
      %add3A_323 = arith.addi %mul3A_321, %add3A_322 : i32
      %iota3A_324 = tpu.iota {dimensions = array<i32: 0>} : vector<16xi32>
      %broadcast_in_dim3A_325 = arith.constant -1.000000e+10 : f32
      %broadcast_in_dim3A_326 = vector.broadcast %broadcast_in_dim3A_325 : f32 to vector<16xf32>
      %dma_wait3A_327 = arith.constant 1 : i32
      %dma_wait3A_328 = arith.constant 0 : i32
      %dma_wait3A_329 = arith.constant 0 : i32
      %dma_wait3A_330 = tpu.memref_slice %arg2[%dma_wait3A_328, %dma_wait3A_329] : memref<100000x4096xf32, #tpu.memory_space<hbm>> -> memref<200x128xf32, #tpu.memory_space<hbm>>
      %dma_wait3A_331 = tpu.memref_slice %arg13[%dma_wait3A_327] : memref<4x!tpu.dma_semaphore, #tpu.memory_space<semaphore_mem>> -> memref<1x!tpu.dma_semaphore, #tpu.memory_space<semaphore_mem>>
      %dma_wait3A_332 = tpu.memref_squeeze %dma_wait3A_331 : memref<1x!tpu.dma_semaphore, #tpu.memory_space<semaphore_mem>> -> memref<!tpu.dma_semaphore, #tpu.memory_space<semaphore_mem>>
      %dma_wait3A_333 = arith.constant 0 : i32
      %dma_wait3A_334 = arith.constant 0 : i32
      %dma_wait3A_335 = tpu.memref_slice %arg2[%dma_wait3A_333, %dma_wait3A_334] : memref<100000x4096xf32, #tpu.memory_space<hbm>> -> memref<200x128xf32, #tpu.memory_space<hbm>>
      tpu.wait_dma2 semaphore(%dma_wait3A_332 : memref<!tpu.dma_semaphore, #tpu.memory_space<semaphore_mem>>) src(%dma_wait3A_335 : memref<200x128xf32, #tpu.memory_space<hbm>>) dst(%arg10 : memref<200x128xf32, #tpu.memory_space<vmem>>)
      %mul3A_336 = arith.constant 200 : i32
      %mul3A_337 = arith.muli %add3A_323, %mul3A_336 : i32
      %get3A_338 = arith.constant 0 : index
      %get3A_339 = tpu.vector_load %arg6[%get3A_338] {strides = array<i32>} : memref<128xi32, #tpu.memory_space<vmem>>, vector<16xi32>,
      %get3A_340 = vector.shape_cast %get3A_339 : vector<16xi32> to vector<16xi32>
      %get3A_341 = arith.constant 16 : index
      %get3A_342 = tpu.vector_load %arg6[%get3A_341] {strides = array<i32>} : memref<128xi32, #tpu.memory_space<vmem>>, vector<16xi32>,
      %get3A_343 = vector.shape_cast %get3A_342 : vector<16xi32> to vector<16xi32>
      %get3A_344 = arith.constant 32 : index
      %get3A_345 = tpu.vector_load %arg6[%get3A_344] {strides = array<i32>} : memref<128xi32, #tpu.memory_space<vmem>>, vector<16xi32>,
      %get3A_346 = vector.shape_cast %get3A_345 : vector<16xi32> to vector<16xi32>
      %get3A_347 = arith.constant 48 : index
      %get3A_348 = tpu.vector_load %arg6[%get3A_347] {strides = array<i32>} : memref<128xi32, #tpu.memory_space<vmem>>, vector<16xi32>,
      %get3A_349 = vector.shape_cast %get3A_348 : vector<16xi32> to vector<16xi32>
      %get3A_350 = arith.constant 64 : index
      %get3A_351 = tpu.vector_load %arg6[%get3A_350] {strides = array<i32>} : memref<128xi32, #tpu.memory_space<vmem>>, vector<16xi32>,
      %get3A_352 = vector.shape_cast %get3A_351 : vector<16xi32> to vector<16xi32>
      %get3A_353 = arith.constant 80 : index
      %get3A_354 = tpu.vector_load %arg6[%get3A_353] {strides = array<i32>} : memref<128xi32, #tpu.memory_space<vmem>>, vector<16xi32>,
      %get3A_355 = vector.shape_cast %get3A_354 : vector<16xi32> to vector<16xi32>
      %get3A_356 = arith.constant 96 : index
      %get3A_357 = tpu.vector_load %arg6[%get3A_356] {strides = array<i32>} : memref<128xi32, #tpu.memory_space<vmem>>, vector<16xi32>,
      %get3A_358 = vector.shape_cast %get3A_357 : vector<16xi32> to vector<16xi32>
      %get3A_359 = arith.constant 112 : index
      %get3A_360 = tpu.vector_load %arg6[%get3A_359] {strides = array<i32>} : memref<128xi32, #tpu.memory_space<vmem>>, vector<16xi32>,
      %get3A_361 = vector.shape_cast %get3A_360 : vector<16xi32> to vector<16xi32>
      %broadcast_in_dim3A_362 = arith.constant 0.000000e+00 : f32
      %broadcast_in_dim3A_363 = vector.broadcast %broadcast_in_dim3A_362 : f32 to vector<16xf32>
      %sub3A_364 = vector.broadcast %mul3A_337 : i32 to vector<16xi32>
      %sub3A_365 = arith.subi %get3A_340, %sub3A_364 : vector<16xi32>
      %ge3A_366 = arith.constant 0 : i32
      %ge3A_367 = vector.broadcast %ge3A_366 : i32 to vector<16xi32>
      %ge3A_368 = arith.cmpi sge, %sub3A_365, %ge3A_367 : vector<16xi32>
      %lt3A_369 = arith.constant 200 : i32
      %lt3A_370 = vector.broadcast %lt3A_369 : i32 to vector<16xi32>
      %lt3A_371 = arith.cmpi slt, %sub3A_365, %lt3A_370 : vector<16xi32>
      %and3A_372 = arith.andi %ge3A_368, %lt3A_371 : vector<16xi1>
      %jit3A_373 = arith.constant 1.000000e+00 : f32
      %jit3A_374 = arith.constant 0.000000e+00 : f32
      %broadcast_in_dim3A_375 = vector.broadcast %jit3A_373 : f32 to vector<16xf32>
      %broadcast_in_dim3A_376 = vector.broadcast %jit3A_374 : f32 to vector<16xf32>
      %select_n3A_377 = arith.select %and3A_372, %broadcast_in_dim3A_375, %broadcast_in_dim3A_376 : vector<16xi1>, vector<16xf32>
      %add3A_378 = arith.addf %broadcast_in_dim3A_363, %select_n3A_377 : vector<16xf32>
      %sub3A_379 = vector.broadcast %mul3A_337 : i32 to vector<16xi32>
      %sub3A_380 = arith.subi %get3A_343, %sub3A_379 : vector<16xi32>
      %ge3A_381 = arith.constant 0 : i32
      %ge3A_382 = vector.broadcast %ge3A_381 : i32 to vector<16xi32>
      %ge3A_383 = arith.cmpi sge, %sub3A_380, %ge3A_382 : vector<16xi32>
      %lt3A_384 = arith.constant 200 : i32
      %lt3A_385 = vector.broadcast %lt3A_384 : i32 to vector<16xi32>
      %lt3A_386 = arith.cmpi slt, %sub3A_380, %lt3A_385 : vector<16xi32>
      %and3A_387 = arith.andi %ge3A_383, %lt3A_386 : vector<16xi1>
      %jit3A_388 = arith.constant 1.000000e+00 : f32
      %jit3A_389 = arith.constant 0.000000e+00 : f32
      %broadcast_in_dim3A_390 = vector.broadcast %jit3A_388 : f32 to vector<16xf32>
      %broadcast_in_dim3A_391 = vector.broadcast %jit3A_389 : f32 to vector<16xf32>
      %select_n3A_392 = arith.select %and3A_387, %broadcast_in_dim3A_390, %broadcast_in_dim3A_391 : vector<16xi1>, vector<16xf32>
      %add3A_393 = arith.addf %add3A_378, %select_n3A_392 : vector<16xf32>
      %sub3A_394 = vector.broadcast %mul3A_337 : i32 to vector<16xi32>
      %sub3A_395 = arith.subi %get3A_346, %sub3A_394 : vector<16xi32>
      %ge3A_396 = arith.constant 0 : i32
      %ge3A_397 = vector.broadcast %ge3A_396 : i32 to vector<16xi32>
      %ge3A_398 = arith.cmpi sge, %sub3A_395, %ge3A_397 : vector<16xi32>
      %lt3A_399 = arith.constant 200 : i32
      %lt3A_400 = vector.broadcast %lt3A_399 : i32 to vector<16xi32>
      %lt3A_401 = arith.cmpi slt, %sub3A_395, %lt3A_400 : vector<16xi32>
      %and3A_402 = arith.andi %ge3A_398, %lt3A_401 : vector<16xi1>
      %jit3A_403 = arith.constant 1.000000e+00 : f32
      %jit3A_404 = arith.constant 0.000000e+00 : f32
      %broadcast_in_dim3A_405 = vector.broadcast %jit3A_403 : f32 to vector<16xf32>
      %broadcast_in_dim3A_406 = vector.broadcast %jit3A_404 : f32 to vector<16xf32>
      %select_n3A_407 = arith.select %and3A_402, %broadcast_in_dim3A_405, %broadcast_in_dim3A_406 : vector<16xi1>, vector<16xf32>
      %add3A_408 = arith.addf %add3A_393, %select_n3A_407 : vector<16xf32>
      %sub3A_409 = vector.broadcast %mul3A_337 : i32 to vector<16xi32>
      %sub3A_410 = arith.subi %get3A_349, %sub3A_409 : vector<16xi32>
      %ge3A_411 = arith.constant 0 : i32
      %ge3A_412 = vector.broadcast %ge3A_411 : i32 to vector<16xi32>
      %ge3A_413 = arith.cmpi sge, %sub3A_410, %ge3A_412 : vector<16xi32>
      %lt3A_414 = arith.constant 200 : i32
      %lt3A_415 = vector.broadcast %lt3A_414 : i32 to vector<16xi32>
      %lt3A_416 = arith.cmpi slt, %sub3A_410, %lt3A_415 : vector<16xi32>
      %and3A_417 = arith.andi %ge3A_413, %lt3A_416 : vector<16xi1>
      %jit3A_418 = arith.constant 1.000000e+00 : f32
      %jit3A_419 = arith.constant 0.000000e+00 : f32
      %broadcast_in_dim3A_420 = vector.broadcast %jit3A_418 : f32 to vector<16xf32>
      %broadcast_in_dim3A_421 = vector.broadcast %jit3A_419 : f32 to vector<16xf32>
      %select_n3A_422 = arith.select %and3A_417, %broadcast_in_dim3A_420, %broadcast_in_dim3A_421 : vector<16xi1>, vector<16xf32>
      %add3A_423 = arith.addf %add3A_408, %select_n3A_422 : vector<16xf32>
      %sub3A_424 = vector.broadcast %mul3A_337 : i32 to vector<16xi32>
      %sub3A_425 = arith.subi %get3A_352, %sub3A_424 : vector<16xi32>
      %ge3A_426 = arith.constant 0 : i32
      %ge3A_427 = vector.broadcast %ge3A_426 : i32 to vector<16xi32>
      %ge3A_428 = arith.cmpi sge, %sub3A_425, %ge3A_427 : vector<16xi32>
      %lt3A_429 = arith.constant 200 : i32
      %lt3A_430 = vector.broadcast %lt3A_429 : i32 to vector<16xi32>
      %lt3A_431 = arith.cmpi slt, %sub3A_425, %lt3A_430 : vector<16xi32>
      %and3A_432 = arith.andi %ge3A_428, %lt3A_431 : vector<16xi1>
      %jit3A_433 = arith.constant 1.000000e+00 : f32
      %jit3A_434 = arith.constant 0.000000e+00 : f32
      %broadcast_in_dim3A_435 = vector.broadcast %jit3A_433 : f32 to vector<16xf32>
      %broadcast_in_dim3A_436 = vector.broadcast %jit3A_434 : f32 to vector<16xf32>
      %select_n3A_437 = arith.select %and3A_432, %broadcast_in_dim3A_435, %broadcast_in_dim3A_436 : vector<16xi1>, vector<16xf32>
      %add3A_438 = arith.addf %add3A_423, %select_n3A_437 : vector<16xf32>
      %sub3A_439 = vector.broadcast %mul3A_337 : i32 to vector<16xi32>
      %sub3A_440 = arith.subi %get3A_355, %sub3A_439 : vector<16xi32>
      %ge3A_441 = arith.constant 0 : i32
      %ge3A_442 = vector.broadcast %ge3A_441 : i32 to vector<16xi32>
      %ge3A_443 = arith.cmpi sge, %sub3A_440, %ge3A_442 : vector<16xi32>
      %lt3A_444 = arith.constant 200 : i32
      %lt3A_445 = vector.broadcast %lt3A_444 : i32 to vector<16xi32>
      %lt3A_446 = arith.cmpi slt, %sub3A_440, %lt3A_445 : vector<16xi32>
      %and3A_447 = arith.andi %ge3A_443, %lt3A_446 : vector<16xi1>
      %jit3A_448 = arith.constant 1.000000e+00 : f32
      %jit3A_449 = arith.constant 0.000000e+00 : f32
      %broadcast_in_dim3A_450 = vector.broadcast %jit3A_448 : f32 to vector<16xf32>
      %broadcast_in_dim3A_451 = vector.broadcast %jit3A_449 : f32 to vector<16xf32>
      %select_n3A_452 = arith.select %and3A_447, %broadcast_in_dim3A_450, %broadcast_in_dim3A_451 : vector<16xi1>, vector<16xf32>
      %add3A_453 = arith.addf %add3A_438, %select_n3A_452 : vector<16xf32>
      %sub3A_454 = vector.broadcast %mul3A_337 : i32 to vector<16xi32>
      %sub3A_455 = arith.subi %get3A_358, %sub3A_454 : vector<16xi32>
      %ge3A_456 = arith.constant 0 : i32
      %ge3A_457 = vector.broadcast %ge3A_456 : i32 to vector<16xi32>
      %ge3A_458 = arith.cmpi sge, %sub3A_455, %ge3A_457 : vector<16xi32>
      %lt3A_459 = arith.constant 200 : i32
      %lt3A_460 = vector.broadcast %lt3A_459 : i32 to vector<16xi32>
      %lt3A_461 = arith.cmpi slt, %sub3A_455, %lt3A_460 : vector<16xi32>
      %and3A_462 = arith.andi %ge3A_458, %lt3A_461 : vector<16xi1>
      %jit3A_463 = arith.constant 1.000000e+00 : f32
      %jit3A_464 = arith.constant 0.000000e+00 : f32
      %broadcast_in_dim3A_465 = vector.broadcast %jit3A_463 : f32 to vector<16xf32>
      %broadcast_in_dim3A_466 = vector.broadcast %jit3A_464 : f32 to vector<16xf32>
      %select_n3A_467 = arith.select %and3A_462, %broadcast_in_dim3A_465, %broadcast_in_dim3A_466 : vector<16xi1>, vector<16xf32>
      %add3A_468 = arith.addf %add3A_453, %select_n3A_467 : vector<16xf32>
      %sub3A_469 = vector.broadcast %mul3A_337 : i32 to vector<16xi32>
      %sub3A_470 = arith.subi %get3A_361, %sub3A_469 : vector<16xi32>
      %ge3A_471 = arith.constant 0 : i32
      %ge3A_472 = vector.broadcast %ge3A_471 : i32 to vector<16xi32>
      %ge3A_473 = arith.cmpi sge, %sub3A_470, %ge3A_472 : vector<16xi32>
      %lt3A_474 = arith.constant 200 : i32
      %lt3A_475 = vector.broadcast %lt3A_474 : i32 to vector<16xi32>
      %lt3A_476 = arith.cmpi slt, %sub3A_470, %lt3A_475 : vector<16xi32>
      %and3A_477 = arith.andi %ge3A_473, %lt3A_476 : vector<16xi1>
      %jit3A_478 = arith.constant 1.000000e+00 : f32
      %jit3A_479 = arith.constant 0.000000e+00 : f32
      %broadcast_in_dim3A_480 = vector.broadcast %jit3A_478 : f32 to vector<16xf32>
      %broadcast_in_dim3A_481 = vector.broadcast %jit3A_479 : f32 to vector<16xf32>
      %select_n3A_482 = arith.select %and3A_477, %broadcast_in_dim3A_480, %broadcast_in_dim3A_481 : vector<16xi1>, vector<16xf32>
      %add3A_483 = arith.addf %add3A_468, %select_n3A_482 : vector<16xf32>
      %xor3A_484 = arith.constant 8 : i32
      %xor3A_485 = vector.broadcast %xor3A_484 : i32 to vector<16xi32>
      %xor3A_486 = arith.xori %iota3A_324, %xor3A_485 : vector<16xi32>
      %reshape3A_487 = vector.shape_cast %xor3A_486 : vector<16xi32> to vector<16x1xi32>
      %gather3A_488 = vector.shape_cast %reshape3A_487 : vector<16x1xi32> to vector<16xi32>
      %gather3A_489 = tpu.dynamic_gather %add3A_483[%gather3A_488] in [0] : vector<16xf32>, vector<16xi32> -> vector<16xf32>
      %max3A_490 = arith.maximumf %add3A_483, %gather3A_489 : vector<16xf32>
      %xor3A_491 = arith.constant 4 : i32
      %xor3A_492 = vector.broadcast %xor3A_491 : i32 to vector<16xi32>
      %xor3A_493 = arith.xori %iota3A_324, %xor3A_492 : vector<16xi32>
      %reshape3A_494 = vector.shape_cast %xor3A_493 : vector<16xi32> to vector<16x1xi32>
      %gather3A_495 = vector.shape_cast %reshape3A_494 : vector<16x1xi32> to vector<16xi32>
      %gather3A_496 = tpu.dynamic_gather %max3A_490[%gather3A_495] in [0] : vector<16xf32>, vector<16xi32> -> vector<16xf32>
      %max3A_497 = arith.maximumf %max3A_490, %gather3A_496 : vector<16xf32>
      %xor3A_498 = arith.constant 2 : i32
      %xor3A_499 = vector.broadcast %xor3A_498 : i32 to vector<16xi32>
      %xor3A_500 = arith.xori %iota3A_324, %xor3A_499 : vector<16xi32>
      %reshape3A_501 = vector.shape_cast %xor3A_500 : vector<16xi32> to vector<16x1xi32>
      %gather3A_502 = vector.shape_cast %reshape3A_501 : vector<16x1xi32> to vector<16xi32>
      %gather3A_503 = tpu.dynamic_gather %max3A_497[%gather3A_502] in [0] : vector<16xf32>, vector<16xi32> -> vector<16xf32>
      %max3A_504 = arith.maximumf %max3A_497, %gather3A_503 : vector<16xf32>
      %xor3A_505 = arith.constant 1 : i32
      %xor3A_506 = vector.broadcast %xor3A_505 : i32 to vector<16xi32>
      %xor3A_507 = arith.xori %iota3A_324, %xor3A_506 : vector<16xi32>
      %reshape3A_508 = vector.shape_cast %xor3A_507 : vector<16xi32> to vector<16x1xi32>
      %gather3A_509 = vector.shape_cast %reshape3A_508 : vector<16x1xi32> to vector<16xi32>
      %gather3A_510 = tpu.dynamic_gather %max3A_504[%gather3A_509] in [0] : vector<16xf32>, vector<16xi32> -> vector<16xf32>
      %max3A_511 = arith.maximumf %max3A_504, %gather3A_510 : vector<16xf32>
      %slice3A_512 = vector.extract_strided_slice %max3A_511 {offsets = [0], sizes = [1], strides = [1]} : vector<16xf32> to vector<1xf32>
      %squeeze3A_513 = vector.extract %slice3A_512[0] : f32 from vector<1xf32>
      %gt3A_514 = arith.constant 5.000000e-01 : f32
      %gt3A_515 = arith.cmpf ogt, %squeeze3A_513, %gt3A_514 : f32
      %not3A_516 = arith.constant true
      %not3A_517 = arith.xori %gt3A_515, %not3A_516 : i1
      %convert_element_type3A_518 = arith.extui %not3A_517 : i1 to i32
      %cond3A_519 = arith.constant 0 : i32
      %cond3A_520 = arith.cmpi ne, %convert_element_type3A_518, %cond3A_519 : i32
      scf.if %cond3A_520 {
        %get3A_947 = arith.constant 0 : index
        %get3A_948 = tpu.vector_load %arg7[%get3A_947] {strides = array<i32>} : memref<128xf32, #tpu.memory_space<vmem>>, vector<16xf32>,
        %get3A_949 = vector.shape_cast %get3A_948 : vector<16xf32> to vector<16xf32>
        %get3A_950 = arith.constant 16 : index
        %get3A_951 = tpu.vector_load %arg7[%get3A_950] {strides = array<i32>} : memref<128xf32, #tpu.memory_space<vmem>>, vector<16xf32>,
        %get3A_952 = vector.shape_cast %get3A_951 : vector<16xf32> to vector<16xf32>
        %get3A_953 = arith.constant 32 : index
        %get3A_954 = tpu.vector_load %arg7[%get3A_953] {strides = array<i32>} : memref<128xf32, #tpu.memory_space<vmem>>, vector<16xf32>,
        %get3A_955 = vector.shape_cast %get3A_954 : vector<16xf32> to vector<16xf32>
        %get3A_956 = arith.constant 48 : index
        %get3A_957 = tpu.vector_load %arg7[%get3A_956] {strides = array<i32>} : memref<128xf32, #tpu.memory_space<vmem>>, vector<16xf32>,
        %get3A_958 = vector.shape_cast %get3A_957 : vector<16xf32> to vector<16xf32>
        %get3A_959 = arith.constant 64 : index
        %get3A_960 = tpu.vector_load %arg7[%get3A_959] {strides = array<i32>} : memref<128xf32, #tpu.memory_space<vmem>>, vector<16xf32>,
        %get3A_961 = vector.shape_cast %get3A_960 : vector<16xf32> to vector<16xf32>
        %get3A_962 = arith.constant 80 : index
        %get3A_963 = tpu.vector_load %arg7[%get3A_962] {strides = array<i32>} : memref<128xf32, #tpu.memory_space<vmem>>, vector<16xf32>,
        %get3A_964 = vector.shape_cast %get3A_963 : vector<16xf32> to vector<16xf32>
        %get3A_965 = arith.constant 96 : index
        %get3A_966 = tpu.vector_load %arg7[%get3A_965] {strides = array<i32>} : memref<128xf32, #tpu.memory_space<vmem>>, vector<16xf32>,
        %get3A_967 = vector.shape_cast %get3A_966 : vector<16xf32> to vector<16xf32>
        %get3A_968 = arith.constant 112 : index
        %get3A_969 = tpu.vector_load %arg7[%get3A_968] {strides = array<i32>} : memref<128xf32, #tpu.memory_space<vmem>>, vector<16xf32>,
        %get3A_970 = vector.shape_cast %get3A_969 : vector<16xf32> to vector<16xf32>
        %parallel_loop3A = arith.constant 0 : i32
        %parallel_loop3A_971 = arith.constant 200 : i32
        %parallel_loop3A_972 = arith.constant 1 : i32
        %parallel_loop3A_973:8 = scf.for %parallel_loop3A_1006 = %parallel_loop3A to %parallel_loop3A_971 step %parallel_loop3A_972 iter_args(%parallel_loop3A_1007 = %get3A_949, %parallel_loop3A_1008 = %get3A_952, %parallel_loop3A_1009 = %get3A_955, %parallel_loop3A_1010 = %get3A_958, %parallel_loop3A_1011 = %get3A_961, %parallel_loop3A_1012 = %get3A_964, %parallel_loop3A_1013 = %get3A_967, %parallel_loop3A_1014 = %get3A_970) -> (vector<16xf32>, vector<16xf32>, vector<16xf32>, vector<16xf32>, vector<16xf32>, vector<16xf32>, vector<16xf32>, vector<16xf32>)  : i32 {
          %parallel_loop3A_1015 = arith.index_cast %parallel_loop3A_1006 : i32 to index
          %parallel_loop3A_1016 = arith.constant 0 : index
          %parallel_loop3A_1017 = tpu.vector_load %arg10[%parallel_loop3A_1015, %parallel_loop3A_1016] {strides = array<i32>} : memref<200x128xf32, #tpu.memory_space<vmem>>, vector<1x16xf32>,
          %parallel_loop3A_1018 = vector.shape_cast %parallel_loop3A_1017 : vector<1x16xf32> to vector<16xf32>
          %parallel_loop3A_1019 = arith.maximumf %parallel_loop3A_1007, %parallel_loop3A_1018 : vector<16xf32>
          %parallel_loop3A_1020 = arith.index_cast %parallel_loop3A_1006 : i32 to index
          %parallel_loop3A_1021 = arith.constant 16 : index
          %parallel_loop3A_1022 = tpu.vector_load %arg10[%parallel_loop3A_1020, %parallel_loop3A_1021] {strides = array<i32>} : memref<200x128xf32, #tpu.memory_space<vmem>>, vector<1x16xf32>,
          %parallel_loop3A_1023 = vector.shape_cast %parallel_loop3A_1022 : vector<1x16xf32> to vector<16xf32>
          %parallel_loop3A_1024 = arith.maximumf %parallel_loop3A_1008, %parallel_loop3A_1023 : vector<16xf32>
          %parallel_loop3A_1025 = arith.index_cast %parallel_loop3A_1006 : i32 to index
          %parallel_loop3A_1026 = arith.constant 32 : index
          %parallel_loop3A_1027 = tpu.vector_load %arg10[%parallel_loop3A_1025, %parallel_loop3A_1026] {strides = array<i32>} : memref<200x128xf32, #tpu.memory_space<vmem>>, vector<1x16xf32>,
          %parallel_loop3A_1028 = vector.shape_cast %parallel_loop3A_1027 : vector<1x16xf32> to vector<16xf32>
          %parallel_loop3A_1029 = arith.maximumf %parallel_loop3A_1009, %parallel_loop3A_1028 : vector<16xf32>
          %parallel_loop3A_1030 = arith.index_cast %parallel_loop3A_1006 : i32 to index
          %parallel_loop3A_1031 = arith.constant 48 : index
          %parallel_loop3A_1032 = tpu.vector_load %arg10[%parallel_loop3A_1030, %parallel_loop3A_1031] {strides = array<i32>} : memref<200x128xf32, #tpu.memory_space<vmem>>, vector<1x16xf32>,
          %parallel_loop3A_1033 = vector.shape_cast %parallel_loop3A_1032 : vector<1x16xf32> to vector<16xf32>
          %parallel_loop3A_1034 = arith.maximumf %parallel_loop3A_1010, %parallel_loop3A_1033 : vector<16xf32>
          %parallel_loop3A_1035 = arith.index_cast %parallel_loop3A_1006 : i32 to index
          %parallel_loop3A_1036 = arith.constant 64 : index
          %parallel_loop3A_1037 = tpu.vector_load %arg10[%parallel_loop3A_1035, %parallel_loop3A_1036] {strides = array<i32>} : memref<200x128xf32, #tpu.memory_space<vmem>>, vector<1x16xf32>,
          %parallel_loop3A_1038 = vector.shape_cast %parallel_loop3A_1037 : vector<1x16xf32> to vector<16xf32>
          %parallel_loop3A_1039 = arith.maximumf %parallel_loop3A_1011, %parallel_loop3A_1038 : vector<16xf32>
          %parallel_loop3A_1040 = arith.index_cast %parallel_loop3A_1006 : i32 to index
          %parallel_loop3A_1041 = arith.constant 80 : index
          %parallel_loop3A_1042 = tpu.vector_load %arg10[%parallel_loop3A_1040, %parallel_loop3A_1041] {strides = array<i32>} : memref<200x128xf32, #tpu.memory_space<vmem>>, vector<1x16xf32>,
          %parallel_loop3A_1043 = vector.shape_cast %parallel_loop3A_1042 : vector<1x16xf32> to vector<16xf32>
          %parallel_loop3A_1044 = arith.maximumf %parallel_loop3A_1012, %parallel_loop3A_1043 : vector<16xf32>
          %parallel_loop3A_1045 = arith.index_cast %parallel_loop3A_1006 : i32 to index
          %parallel_loop3A_1046 = arith.constant 96 : index
          %parallel_loop3A_1047 = tpu.vector_load %arg10[%parallel_loop3A_1045, %parallel_loop3A_1046] {strides = array<i32>} : memref<200x128xf32, #tpu.memory_space<vmem>>, vector<1x16xf32>,
          %parallel_loop3A_1048 = vector.shape_cast %parallel_loop3A_1047 : vector<1x16xf32> to vector<16xf32>
          %parallel_loop3A_1049 = arith.maximumf %parallel_loop3A_1013, %parallel_loop3A_1048 : vector<16xf32>
          %parallel_loop3A_1050 = arith.index_cast %parallel_loop3A_1006 : i32 to index
          %parallel_loop3A_1051 = arith.constant 112 : index
          %parallel_loop3A_1052 = tpu.vector_load %arg10[%parallel_loop3A_1050, %parallel_loop3A_1051] {strides = array<i32>} : memref<200x128xf32, #tpu.memory_space<vmem>>, vector<1x16xf32>,
          %parallel_loop3A_1053 = vector.shape_cast %parallel_loop3A_1052 : vector<1x16xf32> to vector<16xf32>
          %parallel_loop3A_1054 = arith.maximumf %parallel_loop3A_1014, %parallel_loop3A_1053 : vector<16xf32>
          scf.yield %parallel_loop3A_1019, %parallel_loop3A_1024, %parallel_loop3A_1029, %parallel_loop3A_1034, %parallel_loop3A_1039, %parallel_loop3A_1044, %parallel_loop3A_1049, %parallel_loop3A_1054 : vector<16xf32>, vector<16xf32>, vector<16xf32>, vector<16xf32>, vector<16xf32>, vector<16xf32>, vector<16xf32>, vector<16xf32>
        } {sc.loop_unroll_factor = 2 : i64, sc.parallel_access}
        %swap3A_974 = arith.constant 0 : index
        %swap3A_975 = tpu.vector_load %arg7[%swap3A_974] {strides = array<i32>} : memref<128xf32, #tpu.memory_space<vmem>>, vector<16xf32>,
        %swap3A_976 = vector.shape_cast %swap3A_975 : vector<16xf32> to vector<16xf32>
        %swap3A_977 = vector.shape_cast %parallel_loop3A_973#0 : vector<16xf32> to vector<16xf32>
        tpu.vector_store %arg7[%swap3A_974], %swap3A_977 {strides = array<i32>} : memref<128xf32, #tpu.memory_space<vmem>>, vector<16xf32>,
        %swap3A_978 = arith.constant 16 : index
        %swap3A_979 = tpu.vector_load %arg7[%swap3A_978] {strides = array<i32>} : memref<128xf32, #tpu.memory_space<vmem>>, vector<16xf32>,
        %swap3A_980 = vector.shape_cast %swap3A_979 : vector<16xf32> to vector<16xf32>
        %swap3A_981 = vector.shape_cast %parallel_loop3A_973#1 : vector<16xf32> to vector<16xf32>
        tpu.vector_store %arg7[%swap3A_978], %swap3A_981 {strides = array<i32>} : memref<128xf32, #tpu.memory_space<vmem>>, vector<16xf32>,
        %swap3A_982 = arith.constant 32 : index
        %swap3A_983 = tpu.vector_load %arg7[%swap3A_982] {strides = array<i32>} : memref<128xf32, #tpu.memory_space<vmem>>, vector<16xf32>,
        %swap3A_984 = vector.shape_cast %swap3A_983 : vector<16xf32> to vector<16xf32>
        %swap3A_985 = vector.shape_cast %parallel_loop3A_973#2 : vector<16xf32> to vector<16xf32>
        tpu.vector_store %arg7[%swap3A_982], %swap3A_985 {strides = array<i32>} : memref<128xf32, #tpu.memory_space<vmem>>, vector<16xf32>,
        %swap3A_986 = arith.constant 48 : index
        %swap3A_987 = tpu.vector_load %arg7[%swap3A_986] {strides = array<i32>} : memref<128xf32, #tpu.memory_space<vmem>>, vector<16xf32>,
        %swap3A_988 = vector.shape_cast %swap3A_987 : vector<16xf32> to vector<16xf32>
        %swap3A_989 = vector.shape_cast %parallel_loop3A_973#3 : vector<16xf32> to vector<16xf32>
        tpu.vector_store %arg7[%swap3A_986], %swap3A_989 {strides = array<i32>} : memref<128xf32, #tpu.memory_space<vmem>>, vector<16xf32>,
        %swap3A_990 = arith.constant 64 : index
        %swap3A_991 = tpu.vector_load %arg7[%swap3A_990] {strides = array<i32>} : memref<128xf32, #tpu.memory_space<vmem>>, vector<16xf32>,
        %swap3A_992 = vector.shape_cast %swap3A_991 : vector<16xf32> to vector<16xf32>
        %swap3A_993 = vector.shape_cast %parallel_loop3A_973#4 : vector<16xf32> to vector<16xf32>
        tpu.vector_store %arg7[%swap3A_990], %swap3A_993 {strides = array<i32>} : memref<128xf32, #tpu.memory_space<vmem>>, vector<16xf32>,
        %swap3A_994 = arith.constant 80 : index
        %swap3A_995 = tpu.vector_load %arg7[%swap3A_994] {strides = array<i32>} : memref<128xf32, #tpu.memory_space<vmem>>, vector<16xf32>,
        %swap3A_996 = vector.shape_cast %swap3A_995 : vector<16xf32> to vector<16xf32>
        %swap3A_997 = vector.shape_cast %parallel_loop3A_973#5 : vector<16xf32> to vector<16xf32>
        tpu.vector_store %arg7[%swap3A_994], %swap3A_997 {strides = array<i32>} : memref<128xf32, #tpu.memory_space<vmem>>, vector<16xf32>,
        %swap3A_998 = arith.constant 96 : index
        %swap3A_999 = tpu.vector_load %arg7[%swap3A_998] {strides = array<i32>} : memref<128xf32, #tpu.memory_space<vmem>>, vector<16xf32>,
        %swap3A_1000 = vector.shape_cast %swap3A_999 : vector<16xf32> to vector<16xf32>
        %swap3A_1001 = vector.shape_cast %parallel_loop3A_973#6 : vector<16xf32> to vector<16xf32>
        tpu.vector_store %arg7[%swap3A_998], %swap3A_1001 {strides = array<i32>} : memref<128xf32, #tpu.memory_space<vmem>>, vector<16xf32>,
        %swap3A_1002 = arith.constant 112 : index
        %swap3A_1003 = tpu.vector_load %arg7[%swap3A_1002] {strides = array<i32>} : memref<128xf32, #tpu.memory_space<vmem>>, vector<16xf32>,
        %swap3A_1004 = vector.shape_cast %swap3A_1003 : vector<16xf32> to vector<16xf32>
        %swap3A_1005 = vector.shape_cast %parallel_loop3A_973#7 : vector<16xf32> to vector<16xf32>
        tpu.vector_store %arg7[%swap3A_1002], %swap3A_1005 {strides = array<i32>} : memref<128xf32, #tpu.memory_space<vmem>>, vector<16xf32>,
      } else {
      }
      %convert_element_type3A_521 = arith.extui %gt3A_515 : i1 to i32
      %cond3A_522 = arith.constant 0 : i32
      %cond3A_523 = arith.cmpi ne, %convert_element_type3A_521, %cond3A_522 : i32
      scf.if %cond3A_523 {
        %get3A_947 = arith.constant 0 : index
        %get3A_948 = tpu.vector_load %arg7[%get3A_947] {strides = array<i32>} : memref<128xf32, #tpu.memory_space<vmem>>, vector<16xf32>,
        %get3A_949 = vector.shape_cast %get3A_948 : vector<16xf32> to vector<16xf32>
        %get3A_950 = arith.constant 16 : index
        %get3A_951 = tpu.vector_load %arg7[%get3A_950] {strides = array<i32>} : memref<128xf32, #tpu.memory_space<vmem>>, vector<16xf32>,
        %get3A_952 = vector.shape_cast %get3A_951 : vector<16xf32> to vector<16xf32>
        %get3A_953 = arith.constant 32 : index
        %get3A_954 = tpu.vector_load %arg7[%get3A_953] {strides = array<i32>} : memref<128xf32, #tpu.memory_space<vmem>>, vector<16xf32>,
        %get3A_955 = vector.shape_cast %get3A_954 : vector<16xf32> to vector<16xf32>
        %get3A_956 = arith.constant 48 : index
        %get3A_957 = tpu.vector_load %arg7[%get3A_956] {strides = array<i32>} : memref<128xf32, #tpu.memory_space<vmem>>, vector<16xf32>,
        %get3A_958 = vector.shape_cast %get3A_957 : vector<16xf32> to vector<16xf32>
        %get3A_959 = arith.constant 64 : index
        %get3A_960 = tpu.vector_load %arg7[%get3A_959] {strides = array<i32>} : memref<128xf32, #tpu.memory_space<vmem>>, vector<16xf32>,
        %get3A_961 = vector.shape_cast %get3A_960 : vector<16xf32> to vector<16xf32>
        %get3A_962 = arith.constant 80 : index
        %get3A_963 = tpu.vector_load %arg7[%get3A_962] {strides = array<i32>} : memref<128xf32, #tpu.memory_space<vmem>>, vector<16xf32>,
        %get3A_964 = vector.shape_cast %get3A_963 : vector<16xf32> to vector<16xf32>
        %get3A_965 = arith.constant 96 : index
        %get3A_966 = tpu.vector_load %arg7[%get3A_965] {strides = array<i32>} : memref<128xf32, #tpu.memory_space<vmem>>, vector<16xf32>,
        %get3A_967 = vector.shape_cast %get3A_966 : vector<16xf32> to vector<16xf32>
        %get3A_968 = arith.constant 112 : index
        %get3A_969 = tpu.vector_load %arg7[%get3A_968] {strides = array<i32>} : memref<128xf32, #tpu.memory_space<vmem>>, vector<16xf32>,
        %get3A_970 = vector.shape_cast %get3A_969 : vector<16xf32> to vector<16xf32>
        %get3A_971 = arith.constant 0 : index
        %get3A_972 = tpu.vector_load %arg8[%get3A_971] {strides = array<i32>} : memref<128xf32, #tpu.memory_space<vmem>>, vector<16xf32>,
        %get3A_973 = vector.shape_cast %get3A_972 : vector<16xf32> to vector<16xf32>
        %get3A_974 = arith.constant 16 : index
        %get3A_975 = tpu.vector_load %arg8[%get3A_974] {strides = array<i32>} : memref<128xf32, #tpu.memory_space<vmem>>, vector<16xf32>,
        %get3A_976 = vector.shape_cast %get3A_975 : vector<16xf32> to vector<16xf32>
        %get3A_977 = arith.constant 32 : index
        %get3A_978 = tpu.vector_load %arg8[%get3A_977] {strides = array<i32>} : memref<128xf32, #tpu.memory_space<vmem>>, vector<16xf32>,
        %get3A_979 = vector.shape_cast %get3A_978 : vector<16xf32> to vector<16xf32>
        %get3A_980 = arith.constant 48 : index
        %get3A_981 = tpu.vector_load %arg8[%get3A_980] {strides = array<i32>} : memref<128xf32, #tpu.memory_space<vmem>>, vector<16xf32>,
        %get3A_982 = vector.shape_cast %get3A_981 : vector<16xf32> to vector<16xf32>
        %get3A_983 = arith.constant 64 : index
        %get3A_984 = tpu.vector_load %arg8[%get3A_983] {strides = array<i32>} : memref<128xf32, #tpu.memory_space<vmem>>, vector<16xf32>,
        %get3A_985 = vector.shape_cast %get3A_984 : vector<16xf32> to vector<16xf32>
        %get3A_986 = arith.constant 80 : index
        %get3A_987 = tpu.vector_load %arg8[%get3A_986] {strides = array<i32>} : memref<128xf32, #tpu.memory_space<vmem>>, vector<16xf32>,
        %get3A_988 = vector.shape_cast %get3A_987 : vector<16xf32> to vector<16xf32>
        %get3A_989 = arith.constant 96 : index
        %get3A_990 = tpu.vector_load %arg8[%get3A_989] {strides = array<i32>} : memref<128xf32, #tpu.memory_space<vmem>>, vector<16xf32>,
        %get3A_991 = vector.shape_cast %get3A_990 : vector<16xf32> to vector<16xf32>
        %get3A_992 = arith.constant 112 : index
        %get3A_993 = tpu.vector_load %arg8[%get3A_992] {strides = array<i32>} : memref<128xf32, #tpu.memory_space<vmem>>, vector<16xf32>,
        %get3A_994 = vector.shape_cast %get3A_993 : vector<16xf32> to vector<16xf32>
        %parallel_loop3A = arith.constant 0 : i32
        %parallel_loop3A_995 = arith.constant 200 : i32
        %parallel_loop3A_996 = arith.constant 1 : i32
        %parallel_loop3A_997:16 = scf.for %parallel_loop3A_1062 = %parallel_loop3A to %parallel_loop3A_995 step %parallel_loop3A_996 iter_args(%parallel_loop3A_1063 = %get3A_949, %parallel_loop3A_1064 = %get3A_952, %parallel_loop3A_1065 = %get3A_955, %parallel_loop3A_1066 = %get3A_958, %parallel_loop3A_1067 = %get3A_961, %parallel_loop3A_1068 = %get3A_964, %parallel_loop3A_1069 = %get3A_967, %parallel_loop3A_1070 = %get3A_970, %parallel_loop3A_1071 = %get3A_973, %parallel_loop3A_1072 = %get3A_976, %parallel_loop3A_1073 = %get3A_979, %parallel_loop3A_1074 = %get3A_982, %parallel_loop3A_1075 = %get3A_985, %parallel_loop3A_1076 = %get3A_988, %parallel_loop3A_1077 = %get3A_991, %parallel_loop3A_1078 = %get3A_994) -> (vector<16xf32>, vector<16xf32>, vector<16xf32>, vector<16xf32>, vector<16xf32>, vector<16xf32>, vector<16xf32>, vector<16xf32>, vector<16xf32>, vector<16xf32>, vector<16xf32>, vector<16xf32>, vector<16xf32>, vector<16xf32>, vector<16xf32>, vector<16xf32>)  : i32 {
          %parallel_loop3A_1079 = arith.addi %mul3A_337, %parallel_loop3A_1062 : i32
          %parallel_loop3A_1080 = vector.broadcast %parallel_loop3A_1079 : i32 to vector<16xi32>
          %parallel_loop3A_1081 = arith.index_cast %parallel_loop3A_1062 : i32 to index
          %parallel_loop3A_1082 = arith.constant 0 : index
          %parallel_loop3A_1083 = tpu.vector_load %arg10[%parallel_loop3A_1081, %parallel_loop3A_1082] {strides = array<i32>} : memref<200x128xf32, #tpu.memory_space<vmem>>, vector<1x16xf32>,
          %parallel_loop3A_1084 = vector.shape_cast %parallel_loop3A_1083 : vector<1x16xf32> to vector<16xf32>
          %parallel_loop3A_1085 = arith.cmpi eq, %get3A_340, %parallel_loop3A_1080 : vector<16xi32>
          %parallel_loop3A_1086 = arith.select %parallel_loop3A_1085, %broadcast_in_dim3A_326, %parallel_loop3A_1084 : vector<16xi1>, vector<16xf32>
          %parallel_loop3A_1087 = arith.maximumf %parallel_loop3A_1063, %parallel_loop3A_1086 : vector<16xf32>
          %parallel_loop3A_1088 = arith.select %parallel_loop3A_1085, %parallel_loop3A_1084, %broadcast_in_dim3A_326 : vector<16xi1>, vector<16xf32>
          %parallel_loop3A_1089 = arith.maximumf %parallel_loop3A_1071, %parallel_loop3A_1088 : vector<16xf32>
          %parallel_loop3A_1090 = arith.index_cast %parallel_loop3A_1062 : i32 to index
          %parallel_loop3A_1091 = arith.constant 16 : index
          %parallel_loop3A_1092 = tpu.vector_load %arg10[%parallel_loop3A_1090, %parallel_loop3A_1091] {strides = array<i32>} : memref<200x128xf32, #tpu.memory_space<vmem>>, vector<1x16xf32>,
          %parallel_loop3A_1093 = vector.shape_cast %parallel_loop3A_1092 : vector<1x16xf32> to vector<16xf32>
          %parallel_loop3A_1094 = arith.cmpi eq, %get3A_343, %parallel_loop3A_1080 : vector<16xi32>
          %parallel_loop3A_1095 = arith.select %parallel_loop3A_1094, %broadcast_in_dim3A_326, %parallel_loop3A_1093 : vector<16xi1>, vector<16xf32>
          %parallel_loop3A_1096 = arith.maximumf %parallel_loop3A_1064, %parallel_loop3A_1095 : vector<16xf32>
          %parallel_loop3A_1097 = arith.select %parallel_loop3A_1094, %parallel_loop3A_1093, %broadcast_in_dim3A_326 : vector<16xi1>, vector<16xf32>
          %parallel_loop3A_1098 = arith.maximumf %parallel_loop3A_1072, %parallel_loop3A_1097 : vector<16xf32>
          %parallel_loop3A_1099 = arith.index_cast %parallel_loop3A_1062 : i32 to index
          %parallel_loop3A_1100 = arith.constant 32 : index
          %parallel_loop3A_1101 = tpu.vector_load %arg10[%parallel_loop3A_1099, %parallel_loop3A_1100] {strides = array<i32>} : memref<200x128xf32, #tpu.memory_space<vmem>>, vector<1x16xf32>,
          %parallel_loop3A_1102 = vector.shape_cast %parallel_loop3A_1101 : vector<1x16xf32> to vector<16xf32>
          %parallel_loop3A_1103 = arith.cmpi eq, %get3A_346, %parallel_loop3A_1080 : vector<16xi32>
          %parallel_loop3A_1104 = arith.select %parallel_loop3A_1103, %broadcast_in_dim3A_326, %parallel_loop3A_1102 : vector<16xi1>, vector<16xf32>
          %parallel_loop3A_1105 = arith.maximumf %parallel_loop3A_1065, %parallel_loop3A_1104 : vector<16xf32>
          %parallel_loop3A_1106 = arith.select %parallel_loop3A_1103, %parallel_loop3A_1102, %broadcast_in_dim3A_326 : vector<16xi1>, vector<16xf32>
          %parallel_loop3A_1107 = arith.maximumf %parallel_loop3A_1073, %parallel_loop3A_1106 : vector<16xf32>
          %parallel_loop3A_1108 = arith.index_cast %parallel_loop3A_1062 : i32 to index
          %parallel_loop3A_1109 = arith.constant 48 : index
          %parallel_loop3A_1110 = tpu.vector_load %arg10[%parallel_loop3A_1108, %parallel_loop3A_1109] {strides = array<i32>} : memref<200x128xf32, #tpu.memory_space<vmem>>, vector<1x16xf32>,
          %parallel_loop3A_1111 = vector.shape_cast %parallel_loop3A_1110 : vector<1x16xf32> to vector<16xf32>
          %parallel_loop3A_1112 = arith.cmpi eq, %get3A_349, %parallel_loop3A_1080 : vector<16xi32>
          %parallel_loop3A_1113 = arith.select %parallel_loop3A_1112, %broadcast_in_dim3A_326, %parallel_loop3A_1111 : vector<16xi1>, vector<16xf32>
          %parallel_loop3A_1114 = arith.maximumf %parallel_loop3A_1066, %parallel_loop3A_1113 : vector<16xf32>
          %parallel_loop3A_1115 = arith.select %parallel_loop3A_1112, %parallel_loop3A_1111, %broadcast_in_dim3A_326 : vector<16xi1>, vector<16xf32>
          %parallel_loop3A_1116 = arith.maximumf %parallel_loop3A_1074, %parallel_loop3A_1115 : vector<16xf32>
          %parallel_loop3A_1117 = arith.index_cast %parallel_loop3A_1062 : i32 to index
          %parallel_loop3A_1118 = arith.constant 64 : index
          %parallel_loop3A_1119 = tpu.vector_load %arg10[%parallel_loop3A_1117, %parallel_loop3A_1118] {strides = array<i32>} : memref<200x128xf32, #tpu.memory_space<vmem>>, vector<1x16xf32>,
          %parallel_loop3A_1120 = vector.shape_cast %parallel_loop3A_1119 : vector<1x16xf32> to vector<16xf32>
          %parallel_loop3A_1121 = arith.cmpi eq, %get3A_352, %parallel_loop3A_1080 : vector<16xi32>
          %parallel_loop3A_1122 = arith.select %parallel_loop3A_1121, %broadcast_in_dim3A_326, %parallel_loop3A_1120 : vector<16xi1>, vector<16xf32>
          %parallel_loop3A_1123 = arith.maximumf %parallel_loop3A_1067, %parallel_loop3A_1122 : vector<16xf32>
          %parallel_loop3A_1124 = arith.select %parallel_loop3A_1121, %parallel_loop3A_1120, %broadcast_in_dim3A_326 : vector<16xi1>, vector<16xf32>
          %parallel_loop3A_1125 = arith.maximumf %parallel_loop3A_1075, %parallel_loop3A_1124 : vector<16xf32>
          %parallel_loop3A_1126 = arith.index_cast %parallel_loop3A_1062 : i32 to index
          %parallel_loop3A_1127 = arith.constant 80 : index
          %parallel_loop3A_1128 = tpu.vector_load %arg10[%parallel_loop3A_1126, %parallel_loop3A_1127] {strides = array<i32>} : memref<200x128xf32, #tpu.memory_space<vmem>>, vector<1x16xf32>,
          %parallel_loop3A_1129 = vector.shape_cast %parallel_loop3A_1128 : vector<1x16xf32> to vector<16xf32>
          %parallel_loop3A_1130 = arith.cmpi eq, %get3A_355, %parallel_loop3A_1080 : vector<16xi32>
          %parallel_loop3A_1131 = arith.select %parallel_loop3A_1130, %broadcast_in_dim3A_326, %parallel_loop3A_1129 : vector<16xi1>, vector<16xf32>
          %parallel_loop3A_1132 = arith.maximumf %parallel_loop3A_1068, %parallel_loop3A_1131 : vector<16xf32>
          %parallel_loop3A_1133 = arith.select %parallel_loop3A_1130, %parallel_loop3A_1129, %broadcast_in_dim3A_326 : vector<16xi1>, vector<16xf32>
          %parallel_loop3A_1134 = arith.maximumf %parallel_loop3A_1076, %parallel_loop3A_1133 : vector<16xf32>
          %parallel_loop3A_1135 = arith.index_cast %parallel_loop3A_1062 : i32 to index
          %parallel_loop3A_1136 = arith.constant 96 : index
          %parallel_loop3A_1137 = tpu.vector_load %arg10[%parallel_loop3A_1135, %parallel_loop3A_1136] {strides = array<i32>} : memref<200x128xf32, #tpu.memory_space<vmem>>, vector<1x16xf32>,
          %parallel_loop3A_1138 = vector.shape_cast %parallel_loop3A_1137 : vector<1x16xf32> to vector<16xf32>
          %parallel_loop3A_1139 = arith.cmpi eq, %get3A_358, %parallel_loop3A_1080 : vector<16xi32>
          %parallel_loop3A_1140 = arith.select %parallel_loop3A_1139, %broadcast_in_dim3A_326, %parallel_loop3A_1138 : vector<16xi1>, vector<16xf32>
          %parallel_loop3A_1141 = arith.maximumf %parallel_loop3A_1069, %parallel_loop3A_1140 : vector<16xf32>
          %parallel_loop3A_1142 = arith.select %parallel_loop3A_1139, %parallel_loop3A_1138, %broadcast_in_dim3A_326 : vector<16xi1>, vector<16xf32>
          %parallel_loop3A_1143 = arith.maximumf %parallel_loop3A_1077, %parallel_loop3A_1142 : vector<16xf32>
          %parallel_loop3A_1144 = arith.index_cast %parallel_loop3A_1062 : i32 to index
          %parallel_loop3A_1145 = arith.constant 112 : index
          %parallel_loop3A_1146 = tpu.vector_load %arg10[%parallel_loop3A_1144, %parallel_loop3A_1145] {strides = array<i32>} : memref<200x128xf32, #tpu.memory_space<vmem>>, vector<1x16xf32>,
          %parallel_loop3A_1147 = vector.shape_cast %parallel_loop3A_1146 : vector<1x16xf32> to vector<16xf32>
          %parallel_loop3A_1148 = arith.cmpi eq, %get3A_361, %parallel_loop3A_1080 : vector<16xi32>
          %parallel_loop3A_1149 = arith.select %parallel_loop3A_1148, %broadcast_in_dim3A_326, %parallel_loop3A_1147 : vector<16xi1>, vector<16xf32>
          %parallel_loop3A_1150 = arith.maximumf %parallel_loop3A_1070, %parallel_loop3A_1149 : vector<16xf32>
          %parallel_loop3A_1151 = arith.select %parallel_loop3A_1148, %parallel_loop3A_1147, %broadcast_in_dim3A_326 : vector<16xi1>, vector<16xf32>
          %parallel_loop3A_1152 = arith.maximumf %parallel_loop3A_1078, %parallel_loop3A_1151 : vector<16xf32>
          scf.yield %parallel_loop3A_1087, %parallel_loop3A_1096, %parallel_loop3A_1105, %parallel_loop3A_1114, %parallel_loop3A_1123, %parallel_loop3A_1132, %parallel_loop3A_1141, %parallel_loop3A_1150, %parallel_loop3A_1089, %parallel_loop3A_1098, %parallel_loop3A_1107, %parallel_loop3A_1116, %parallel_loop3A_1125, %parallel_loop3A_1134, %parallel_loop3A_1143, %parallel_loop3A_1152 : vector<16xf32>, vector<16xf32>, vector<16xf32>, vector<16xf32>, vector<16xf32>, vector<16xf32>, vector<16xf32>, vector<16xf32>, vector<16xf32>, vector<16xf32>, vector<16xf32>, vector<16xf32>, vector<16xf32>, vector<16xf32>, vector<16xf32>, vector<16xf32>
        } {sc.loop_unroll_factor = 1 : i64, sc.parallel_access}
        %swap3A_998 = arith.constant 0 : index
        %swap3A_999 = tpu.vector_load %arg7[%swap3A_998] {strides = array<i32>} : memref<128xf32, #tpu.memory_space<vmem>>, vector<16xf32>,
        %swap3A_1000 = vector.shape_cast %swap3A_999 : vector<16xf32> to vector<16xf32>
        %swap3A_1001 = vector.shape_cast %parallel_loop3A_997#0 : vector<16xf32> to vector<16xf32>
        tpu.vector_store %arg7[%swap3A_998], %swap3A_1001 {strides = array<i32>} : memref<128xf32, #tpu.memory_space<vmem>>, vector<16xf32>,
        %swap3A_1002 = arith.constant 0 : index
        %swap3A_1003 = tpu.vector_load %arg8[%swap3A_1002] {strides = array<i32>} : memref<128xf32, #tpu.memory_space<vmem>>, vector<16xf32>,
        %swap3A_1004 = vector.shape_cast %swap3A_1003 : vector<16xf32> to vector<16xf32>
        %swap3A_1005 = vector.shape_cast %parallel_loop3A_997#8 : vector<16xf32> to vector<16xf32>
        tpu.vector_store %arg8[%swap3A_1002], %swap3A_1005 {strides = array<i32>} : memref<128xf32, #tpu.memory_space<vmem>>, vector<16xf32>,
        %swap3A_1006 = arith.constant 16 : index
        %swap3A_1007 = tpu.vector_load %arg7[%swap3A_1006] {strides = array<i32>} : memref<128xf32, #tpu.memory_space<vmem>>, vector<16xf32>,
        %swap3A_1008 = vector.shape_cast %swap3A_1007 : vector<16xf32> to vector<16xf32>
        %swap3A_1009 = vector.shape_cast %parallel_loop3A_997#1 : vector<16xf32> to vector<16xf32>
        tpu.vector_store %arg7[%swap3A_1006], %swap3A_1009 {strides = array<i32>} : memref<128xf32, #tpu.memory_space<vmem>>, vector<16xf32>,
        %swap3A_1010 = arith.constant 16 : index
        %swap3A_1011 = tpu.vector_load %arg8[%swap3A_1010] {strides = array<i32>} : memref<128xf32, #tpu.memory_space<vmem>>, vector<16xf32>,
        %swap3A_1012 = vector.shape_cast %swap3A_1011 : vector<16xf32> to vector<16xf32>
        %swap3A_1013 = vector.shape_cast %parallel_loop3A_997#9 : vector<16xf32> to vector<16xf32>
        tpu.vector_store %arg8[%swap3A_1010], %swap3A_1013 {strides = array<i32>} : memref<128xf32, #tpu.memory_space<vmem>>, vector<16xf32>,
        %swap3A_1014 = arith.constant 32 : index
        %swap3A_1015 = tpu.vector_load %arg7[%swap3A_1014] {strides = array<i32>} : memref<128xf32, #tpu.memory_space<vmem>>, vector<16xf32>,
        %swap3A_1016 = vector.shape_cast %swap3A_1015 : vector<16xf32> to vector<16xf32>
        %swap3A_1017 = vector.shape_cast %parallel_loop3A_997#2 : vector<16xf32> to vector<16xf32>
        tpu.vector_store %arg7[%swap3A_1014], %swap3A_1017 {strides = array<i32>} : memref<128xf32, #tpu.memory_space<vmem>>, vector<16xf32>,
        %swap3A_1018 = arith.constant 32 : index
        %swap3A_1019 = tpu.vector_load %arg8[%swap3A_1018] {strides = array<i32>} : memref<128xf32, #tpu.memory_space<vmem>>, vector<16xf32>,
        %swap3A_1020 = vector.shape_cast %swap3A_1019 : vector<16xf32> to vector<16xf32>
        %swap3A_1021 = vector.shape_cast %parallel_loop3A_997#10 : vector<16xf32> to vector<16xf32>
        tpu.vector_store %arg8[%swap3A_1018], %swap3A_1021 {strides = array<i32>} : memref<128xf32, #tpu.memory_space<vmem>>, vector<16xf32>,
        %swap3A_1022 = arith.constant 48 : index
        %swap3A_1023 = tpu.vector_load %arg7[%swap3A_1022] {strides = array<i32>} : memref<128xf32, #tpu.memory_space<vmem>>, vector<16xf32>,
        %swap3A_1024 = vector.shape_cast %swap3A_1023 : vector<16xf32> to vector<16xf32>
        %swap3A_1025 = vector.shape_cast %parallel_loop3A_997#3 : vector<16xf32> to vector<16xf32>
        tpu.vector_store %arg7[%swap3A_1022], %swap3A_1025 {strides = array<i32>} : memref<128xf32, #tpu.memory_space<vmem>>, vector<16xf32>,
        %swap3A_1026 = arith.constant 48 : index
        %swap3A_1027 = tpu.vector_load %arg8[%swap3A_1026] {strides = array<i32>} : memref<128xf32, #tpu.memory_space<vmem>>, vector<16xf32>,
        %swap3A_1028 = vector.shape_cast %swap3A_1027 : vector<16xf32> to vector<16xf32>
        %swap3A_1029 = vector.shape_cast %parallel_loop3A_997#11 : vector<16xf32> to vector<16xf32>
        tpu.vector_store %arg8[%swap3A_1026], %swap3A_1029 {strides = array<i32>} : memref<128xf32, #tpu.memory_space<vmem>>, vector<16xf32>,
        %swap3A_1030 = arith.constant 64 : index
        %swap3A_1031 = tpu.vector_load %arg7[%swap3A_1030] {strides = array<i32>} : memref<128xf32, #tpu.memory_space<vmem>>, vector<16xf32>,
        %swap3A_1032 = vector.shape_cast %swap3A_1031 : vector<16xf32> to vector<16xf32>
        %swap3A_1033 = vector.shape_cast %parallel_loop3A_997#4 : vector<16xf32> to vector<16xf32>
        tpu.vector_store %arg7[%swap3A_1030], %swap3A_1033 {strides = array<i32>} : memref<128xf32, #tpu.memory_space<vmem>>, vector<16xf32>,
        %swap3A_1034 = arith.constant 64 : index
        %swap3A_1035 = tpu.vector_load %arg8[%swap3A_1034] {strides = array<i32>} : memref<128xf32, #tpu.memory_space<vmem>>, vector<16xf32>,
        %swap3A_1036 = vector.shape_cast %swap3A_1035 : vector<16xf32> to vector<16xf32>
        %swap3A_1037 = vector.shape_cast %parallel_loop3A_997#12 : vector<16xf32> to vector<16xf32>
        tpu.vector_store %arg8[%swap3A_1034], %swap3A_1037 {strides = array<i32>} : memref<128xf32, #tpu.memory_space<vmem>>, vector<16xf32>,
        %swap3A_1038 = arith.constant 80 : index
        %swap3A_1039 = tpu.vector_load %arg7[%swap3A_1038] {strides = array<i32>} : memref<128xf32, #tpu.memory_space<vmem>>, vector<16xf32>,
        %swap3A_1040 = vector.shape_cast %swap3A_1039 : vector<16xf32> to vector<16xf32>
        %swap3A_1041 = vector.shape_cast %parallel_loop3A_997#5 : vector<16xf32> to vector<16xf32>
        tpu.vector_store %arg7[%swap3A_1038], %swap3A_1041 {strides = array<i32>} : memref<128xf32, #tpu.memory_space<vmem>>, vector<16xf32>,
        %swap3A_1042 = arith.constant 80 : index
        %swap3A_1043 = tpu.vector_load %arg8[%swap3A_1042] {strides = array<i32>} : memref<128xf32, #tpu.memory_space<vmem>>, vector<16xf32>,
        %swap3A_1044 = vector.shape_cast %swap3A_1043 : vector<16xf32> to vector<16xf32>
        %swap3A_1045 = vector.shape_cast %parallel_loop3A_997#13 : vector<16xf32> to vector<16xf32>
        tpu.vector_store %arg8[%swap3A_1042], %swap3A_1045 {strides = array<i32>} : memref<128xf32, #tpu.memory_space<vmem>>, vector<16xf32>,
        %swap3A_1046 = arith.constant 96 : index
        %swap3A_1047 = tpu.vector_load %arg7[%swap3A_1046] {strides = array<i32>} : memref<128xf32, #tpu.memory_space<vmem>>, vector<16xf32>,
        %swap3A_1048 = vector.shape_cast %swap3A_1047 : vector<16xf32> to vector<16xf32>
        %swap3A_1049 = vector.shape_cast %parallel_loop3A_997#6 : vector<16xf32> to vector<16xf32>
        tpu.vector_store %arg7[%swap3A_1046], %swap3A_1049 {strides = array<i32>} : memref<128xf32, #tpu.memory_space<vmem>>, vector<16xf32>,
        %swap3A_1050 = arith.constant 96 : index
        %swap3A_1051 = tpu.vector_load %arg8[%swap3A_1050] {strides = array<i32>} : memref<128xf32, #tpu.memory_space<vmem>>, vector<16xf32>,
        %swap3A_1052 = vector.shape_cast %swap3A_1051 : vector<16xf32> to vector<16xf32>
        %swap3A_1053 = vector.shape_cast %parallel_loop3A_997#14 : vector<16xf32> to vector<16xf32>
        tpu.vector_store %arg8[%swap3A_1050], %swap3A_1053 {strides = array<i32>} : memref<128xf32, #tpu.memory_space<vmem>>, vector<16xf32>,
        %swap3A_1054 = arith.constant 112 : index
        %swap3A_1055 = tpu.vector_load %arg7[%swap3A_1054] {strides = array<i32>} : memref<128xf32, #tpu.memory_space<vmem>>, vector<16xf32>,
        %swap3A_1056 = vector.shape_cast %swap3A_1055 : vector<16xf32> to vector<16xf32>
        %swap3A_1057 = vector.shape_cast %parallel_loop3A_997#7 : vector<16xf32> to vector<16xf32>
        tpu.vector_store %arg7[%swap3A_1054], %swap3A_1057 {strides = array<i32>} : memref<128xf32, #tpu.memory_space<vmem>>, vector<16xf32>,
        %swap3A_1058 = arith.constant 112 : index
        %swap3A_1059 = tpu.vector_load %arg8[%swap3A_1058] {strides = array<i32>} : memref<128xf32, #tpu.memory_space<vmem>>, vector<16xf32>,
        %swap3A_1060 = vector.shape_cast %swap3A_1059 : vector<16xf32> to vector<16xf32>
        %swap3A_1061 = vector.shape_cast %parallel_loop3A_997#15 : vector<16xf32> to vector<16xf32>
        tpu.vector_store %arg8[%swap3A_1058], %swap3A_1061 {strides = array<i32>} : memref<128xf32, #tpu.memory_space<vmem>>, vector<16xf32>,
      } else {
      }
      %lt3A_524 = arith.constant 268 : i32
      %lt3A_525 = arith.cmpi slt, %add3A_323, %lt3A_524 : i32
      %convert_element_type3A_526 = arith.extui %lt3A_525 : i1 to i32
      %cond3A_527 = arith.constant 0 : i32
      %cond3A_528 = arith.cmpi ne, %convert_element_type3A_526, %cond3A_527 : i32
      scf.if %cond3A_528 {
        %add3A_947 = arith.constant 4 : i32
        %add3A_948 = arith.addi %add3A_323, %add3A_947 : i32
        %mul3A_949 = arith.constant 200 : i32
        %mul3A_950 = arith.muli %add3A_948, %mul3A_949 : i32
        %multiple_of3A_951 = tpu.assume_multiple %mul3A_950, 8 : i32
        %dma_start3A_952 = arith.constant 1 : i32
        %dma_start3A_953 = tpu.memref_slice %arg2[%multiple_of3A_951, %multiple_of3A] : memref<100000x4096xf32, #tpu.memory_space<hbm>> -> memref<200x128xf32, #tpu.memory_space<hbm>>
        %dma_start3A_954 = tpu.memref_slice %arg13[%dma_start3A_952] : memref<4x!tpu.dma_semaphore, #tpu.memory_space<semaphore_mem>> -> memref<1x!tpu.dma_semaphore, #tpu.memory_space<semaphore_mem>>
        %dma_start3A_955 = tpu.memref_squeeze %dma_start3A_954 : memref<1x!tpu.dma_semaphore, #tpu.memory_space<semaphore_mem>> -> memref<!tpu.dma_semaphore, #tpu.memory_space<semaphore_mem>>
        %dma_start3A_956 = tpu.memref_slice %arg2[%multiple_of3A_951, %multiple_of3A] : memref<100000x4096xf32, #tpu.memory_space<hbm>> -> memref<200x128xf32, #tpu.memory_space<hbm>>
        tpu.enqueue_dma source(%dma_start3A_956 : memref<200x128xf32, #tpu.memory_space<hbm>>) target(%arg10 : memref<200x128xf32, #tpu.memory_space<vmem>>) target_semaphore(%dma_start3A_955 : memref<!tpu.dma_semaphore, #tpu.memory_space<semaphore_mem>>)
      } else {
      }
      %mul3A_529 = arith.constant 4 : i32
      %mul3A_530 = arith.muli %scan3A_129, %mul3A_529 : i32
      %add3A_531 = arith.constant 2 : i32
      %add3A_532 = arith.addi %mul3A_530, %add3A_531 : i32
      %iota3A_533 = tpu.iota {dimensions = array<i32: 0>} : vector<16xi32>
      %broadcast_in_dim3A_534 = arith.constant -1.000000e+10 : f32
      %broadcast_in_dim3A_535 = vector.broadcast %broadcast_in_dim3A_534 : f32 to vector<16xf32>
      %dma_wait3A_536 = arith.constant 2 : i32
      %dma_wait3A_537 = arith.constant 0 : i32
      %dma_wait3A_538 = arith.constant 0 : i32
      %dma_wait3A_539 = tpu.memref_slice %arg2[%dma_wait3A_537, %dma_wait3A_538] : memref<100000x4096xf32, #tpu.memory_space<hbm>> -> memref<200x128xf32, #tpu.memory_space<hbm>>
      %dma_wait3A_540 = tpu.memref_slice %arg13[%dma_wait3A_536] : memref<4x!tpu.dma_semaphore, #tpu.memory_space<semaphore_mem>> -> memref<1x!tpu.dma_semaphore, #tpu.memory_space<semaphore_mem>>
      %dma_wait3A_541 = tpu.memref_squeeze %dma_wait3A_540 : memref<1x!tpu.dma_semaphore, #tpu.memory_space<semaphore_mem>> -> memref<!tpu.dma_semaphore, #tpu.memory_space<semaphore_mem>>
      %dma_wait3A_542 = arith.constant 0 : i32
      %dma_wait3A_543 = arith.constant 0 : i32
      %dma_wait3A_544 = tpu.memref_slice %arg2[%dma_wait3A_542, %dma_wait3A_543] : memref<100000x4096xf32, #tpu.memory_space<hbm>> -> memref<200x128xf32, #tpu.memory_space<hbm>>
      tpu.wait_dma2 semaphore(%dma_wait3A_541 : memref<!tpu.dma_semaphore, #tpu.memory_space<semaphore_mem>>) src(%dma_wait3A_544 : memref<200x128xf32, #tpu.memory_space<hbm>>) dst(%arg11 : memref<200x128xf32, #tpu.memory_space<vmem>>)
      %mul3A_545 = arith.constant 200 : i32
      %mul3A_546 = arith.muli %add3A_532, %mul3A_545 : i32
      %get3A_547 = arith.constant 0 : index
      %get3A_548 = tpu.vector_load %arg6[%get3A_547] {strides = array<i32>} : memref<128xi32, #tpu.memory_space<vmem>>, vector<16xi32>,
      %get3A_549 = vector.shape_cast %get3A_548 : vector<16xi32> to vector<16xi32>
      %get3A_550 = arith.constant 16 : index
      %get3A_551 = tpu.vector_load %arg6[%get3A_550] {strides = array<i32>} : memref<128xi32, #tpu.memory_space<vmem>>, vector<16xi32>,
      %get3A_552 = vector.shape_cast %get3A_551 : vector<16xi32> to vector<16xi32>
      %get3A_553 = arith.constant 32 : index
      %get3A_554 = tpu.vector_load %arg6[%get3A_553] {strides = array<i32>} : memref<128xi32, #tpu.memory_space<vmem>>, vector<16xi32>,
      %get3A_555 = vector.shape_cast %get3A_554 : vector<16xi32> to vector<16xi32>
      %get3A_556 = arith.constant 48 : index
      %get3A_557 = tpu.vector_load %arg6[%get3A_556] {strides = array<i32>} : memref<128xi32, #tpu.memory_space<vmem>>, vector<16xi32>,
      %get3A_558 = vector.shape_cast %get3A_557 : vector<16xi32> to vector<16xi32>
      %get3A_559 = arith.constant 64 : index
      %get3A_560 = tpu.vector_load %arg6[%get3A_559] {strides = array<i32>} : memref<128xi32, #tpu.memory_space<vmem>>, vector<16xi32>,
      %get3A_561 = vector.shape_cast %get3A_560 : vector<16xi32> to vector<16xi32>
      %get3A_562 = arith.constant 80 : index
      %get3A_563 = tpu.vector_load %arg6[%get3A_562] {strides = array<i32>} : memref<128xi32, #tpu.memory_space<vmem>>, vector<16xi32>,
      %get3A_564 = vector.shape_cast %get3A_563 : vector<16xi32> to vector<16xi32>
      %get3A_565 = arith.constant 96 : index
      %get3A_566 = tpu.vector_load %arg6[%get3A_565] {strides = array<i32>} : memref<128xi32, #tpu.memory_space<vmem>>, vector<16xi32>,
      %get3A_567 = vector.shape_cast %get3A_566 : vector<16xi32> to vector<16xi32>
      %get3A_568 = arith.constant 112 : index
      %get3A_569 = tpu.vector_load %arg6[%get3A_568] {strides = array<i32>} : memref<128xi32, #tpu.memory_space<vmem>>, vector<16xi32>,
      %get3A_570 = vector.shape_cast %get3A_569 : vector<16xi32> to vector<16xi32>
      %broadcast_in_dim3A_571 = arith.constant 0.000000e+00 : f32
      %broadcast_in_dim3A_572 = vector.broadcast %broadcast_in_dim3A_571 : f32 to vector<16xf32>
      %sub3A_573 = vector.broadcast %mul3A_546 : i32 to vector<16xi32>
      %sub3A_574 = arith.subi %get3A_549, %sub3A_573 : vector<16xi32>
      %ge3A_575 = arith.constant 0 : i32
      %ge3A_576 = vector.broadcast %ge3A_575 : i32 to vector<16xi32>
      %ge3A_577 = arith.cmpi sge, %sub3A_574, %ge3A_576 : vector<16xi32>
      %lt3A_578 = arith.constant 200 : i32
      %lt3A_579 = vector.broadcast %lt3A_578 : i32 to vector<16xi32>
      %lt3A_580 = arith.cmpi slt, %sub3A_574, %lt3A_579 : vector<16xi32>
      %and3A_581 = arith.andi %ge3A_577, %lt3A_580 : vector<16xi1>
      %jit3A_582 = arith.constant 1.000000e+00 : f32
      %jit3A_583 = arith.constant 0.000000e+00 : f32
      %broadcast_in_dim3A_584 = vector.broadcast %jit3A_582 : f32 to vector<16xf32>
      %broadcast_in_dim3A_585 = vector.broadcast %jit3A_583 : f32 to vector<16xf32>
      %select_n3A_586 = arith.select %and3A_581, %broadcast_in_dim3A_584, %broadcast_in_dim3A_585 : vector<16xi1>, vector<16xf32>
      %add3A_587 = arith.addf %broadcast_in_dim3A_572, %select_n3A_586 : vector<16xf32>
      %sub3A_588 = vector.broadcast %mul3A_546 : i32 to vector<16xi32>
      %sub3A_589 = arith.subi %get3A_552, %sub3A_588 : vector<16xi32>
      %ge3A_590 = arith.constant 0 : i32
      %ge3A_591 = vector.broadcast %ge3A_590 : i32 to vector<16xi32>
      %ge3A_592 = arith.cmpi sge, %sub3A_589, %ge3A_591 : vector<16xi32>
      %lt3A_593 = arith.constant 200 : i32
      %lt3A_594 = vector.broadcast %lt3A_593 : i32 to vector<16xi32>
      %lt3A_595 = arith.cmpi slt, %sub3A_589, %lt3A_594 : vector<16xi32>
      %and3A_596 = arith.andi %ge3A_592, %lt3A_595 : vector<16xi1>
      %jit3A_597 = arith.constant 1.000000e+00 : f32
      %jit3A_598 = arith.constant 0.000000e+00 : f32
      %broadcast_in_dim3A_599 = vector.broadcast %jit3A_597 : f32 to vector<16xf32>
      %broadcast_in_dim3A_600 = vector.broadcast %jit3A_598 : f32 to vector<16xf32>
      %select_n3A_601 = arith.select %and3A_596, %broadcast_in_dim3A_599, %broadcast_in_dim3A_600 : vector<16xi1>, vector<16xf32>
      %add3A_602 = arith.addf %add3A_587, %select_n3A_601 : vector<16xf32>
      %sub3A_603 = vector.broadcast %mul3A_546 : i32 to vector<16xi32>
      %sub3A_604 = arith.subi %get3A_555, %sub3A_603 : vector<16xi32>
      %ge3A_605 = arith.constant 0 : i32
      %ge3A_606 = vector.broadcast %ge3A_605 : i32 to vector<16xi32>
      %ge3A_607 = arith.cmpi sge, %sub3A_604, %ge3A_606 : vector<16xi32>
      %lt3A_608 = arith.constant 200 : i32
      %lt3A_609 = vector.broadcast %lt3A_608 : i32 to vector<16xi32>
      %lt3A_610 = arith.cmpi slt, %sub3A_604, %lt3A_609 : vector<16xi32>
      %and3A_611 = arith.andi %ge3A_607, %lt3A_610 : vector<16xi1>
      %jit3A_612 = arith.constant 1.000000e+00 : f32
      %jit3A_613 = arith.constant 0.000000e+00 : f32
      %broadcast_in_dim3A_614 = vector.broadcast %jit3A_612 : f32 to vector<16xf32>
      %broadcast_in_dim3A_615 = vector.broadcast %jit3A_613 : f32 to vector<16xf32>
      %select_n3A_616 = arith.select %and3A_611, %broadcast_in_dim3A_614, %broadcast_in_dim3A_615 : vector<16xi1>, vector<16xf32>
      %add3A_617 = arith.addf %add3A_602, %select_n3A_616 : vector<16xf32>
      %sub3A_618 = vector.broadcast %mul3A_546 : i32 to vector<16xi32>
      %sub3A_619 = arith.subi %get3A_558, %sub3A_618 : vector<16xi32>
      %ge3A_620 = arith.constant 0 : i32
      %ge3A_621 = vector.broadcast %ge3A_620 : i32 to vector<16xi32>
      %ge3A_622 = arith.cmpi sge, %sub3A_619, %ge3A_621 : vector<16xi32>
      %lt3A_623 = arith.constant 200 : i32
      %lt3A_624 = vector.broadcast %lt3A_623 : i32 to vector<16xi32>
      %lt3A_625 = arith.cmpi slt, %sub3A_619, %lt3A_624 : vector<16xi32>
      %and3A_626 = arith.andi %ge3A_622, %lt3A_625 : vector<16xi1>
      %jit3A_627 = arith.constant 1.000000e+00 : f32
      %jit3A_628 = arith.constant 0.000000e+00 : f32
      %broadcast_in_dim3A_629 = vector.broadcast %jit3A_627 : f32 to vector<16xf32>
      %broadcast_in_dim3A_630 = vector.broadcast %jit3A_628 : f32 to vector<16xf32>
      %select_n3A_631 = arith.select %and3A_626, %broadcast_in_dim3A_629, %broadcast_in_dim3A_630 : vector<16xi1>, vector<16xf32>
      %add3A_632 = arith.addf %add3A_617, %select_n3A_631 : vector<16xf32>
      %sub3A_633 = vector.broadcast %mul3A_546 : i32 to vector<16xi32>
      %sub3A_634 = arith.subi %get3A_561, %sub3A_633 : vector<16xi32>
      %ge3A_635 = arith.constant 0 : i32
      %ge3A_636 = vector.broadcast %ge3A_635 : i32 to vector<16xi32>
      %ge3A_637 = arith.cmpi sge, %sub3A_634, %ge3A_636 : vector<16xi32>
      %lt3A_638 = arith.constant 200 : i32
      %lt3A_639 = vector.broadcast %lt3A_638 : i32 to vector<16xi32>
      %lt3A_640 = arith.cmpi slt, %sub3A_634, %lt3A_639 : vector<16xi32>
      %and3A_641 = arith.andi %ge3A_637, %lt3A_640 : vector<16xi1>
      %jit3A_642 = arith.constant 1.000000e+00 : f32
      %jit3A_643 = arith.constant 0.000000e+00 : f32
      %broadcast_in_dim3A_644 = vector.broadcast %jit3A_642 : f32 to vector<16xf32>
      %broadcast_in_dim3A_645 = vector.broadcast %jit3A_643 : f32 to vector<16xf32>
      %select_n3A_646 = arith.select %and3A_641, %broadcast_in_dim3A_644, %broadcast_in_dim3A_645 : vector<16xi1>, vector<16xf32>
      %add3A_647 = arith.addf %add3A_632, %select_n3A_646 : vector<16xf32>
      %sub3A_648 = vector.broadcast %mul3A_546 : i32 to vector<16xi32>
      %sub3A_649 = arith.subi %get3A_564, %sub3A_648 : vector<16xi32>
      %ge3A_650 = arith.constant 0 : i32
      %ge3A_651 = vector.broadcast %ge3A_650 : i32 to vector<16xi32>
      %ge3A_652 = arith.cmpi sge, %sub3A_649, %ge3A_651 : vector<16xi32>
      %lt3A_653 = arith.constant 200 : i32
      %lt3A_654 = vector.broadcast %lt3A_653 : i32 to vector<16xi32>
      %lt3A_655 = arith.cmpi slt, %sub3A_649, %lt3A_654 : vector<16xi32>
      %and3A_656 = arith.andi %ge3A_652, %lt3A_655 : vector<16xi1>
      %jit3A_657 = arith.constant 1.000000e+00 : f32
      %jit3A_658 = arith.constant 0.000000e+00 : f32
      %broadcast_in_dim3A_659 = vector.broadcast %jit3A_657 : f32 to vector<16xf32>
      %broadcast_in_dim3A_660 = vector.broadcast %jit3A_658 : f32 to vector<16xf32>
      %select_n3A_661 = arith.select %and3A_656, %broadcast_in_dim3A_659, %broadcast_in_dim3A_660 : vector<16xi1>, vector<16xf32>
      %add3A_662 = arith.addf %add3A_647, %select_n3A_661 : vector<16xf32>
      %sub3A_663 = vector.broadcast %mul3A_546 : i32 to vector<16xi32>
      %sub3A_664 = arith.subi %get3A_567, %sub3A_663 : vector<16xi32>
      %ge3A_665 = arith.constant 0 : i32
      %ge3A_666 = vector.broadcast %ge3A_665 : i32 to vector<16xi32>
      %ge3A_667 = arith.cmpi sge, %sub3A_664, %ge3A_666 : vector<16xi32>
      %lt3A_668 = arith.constant 200 : i32
      %lt3A_669 = vector.broadcast %lt3A_668 : i32 to vector<16xi32>
      %lt3A_670 = arith.cmpi slt, %sub3A_664, %lt3A_669 : vector<16xi32>
      %and3A_671 = arith.andi %ge3A_667, %lt3A_670 : vector<16xi1>
      %jit3A_672 = arith.constant 1.000000e+00 : f32
      %jit3A_673 = arith.constant 0.000000e+00 : f32
      %broadcast_in_dim3A_674 = vector.broadcast %jit3A_672 : f32 to vector<16xf32>
      %broadcast_in_dim3A_675 = vector.broadcast %jit3A_673 : f32 to vector<16xf32>
      %select_n3A_676 = arith.select %and3A_671, %broadcast_in_dim3A_674, %broadcast_in_dim3A_675 : vector<16xi1>, vector<16xf32>
      %add3A_677 = arith.addf %add3A_662, %select_n3A_676 : vector<16xf32>
      %sub3A_678 = vector.broadcast %mul3A_546 : i32 to vector<16xi32>
      %sub3A_679 = arith.subi %get3A_570, %sub3A_678 : vector<16xi32>
      %ge3A_680 = arith.constant 0 : i32
      %ge3A_681 = vector.broadcast %ge3A_680 : i32 to vector<16xi32>
      %ge3A_682 = arith.cmpi sge, %sub3A_679, %ge3A_681 : vector<16xi32>
      %lt3A_683 = arith.constant 200 : i32
      %lt3A_684 = vector.broadcast %lt3A_683 : i32 to vector<16xi32>
      %lt3A_685 = arith.cmpi slt, %sub3A_679, %lt3A_684 : vector<16xi32>
      %and3A_686 = arith.andi %ge3A_682, %lt3A_685 : vector<16xi1>
      %jit3A_687 = arith.constant 1.000000e+00 : f32
      %jit3A_688 = arith.constant 0.000000e+00 : f32
      %broadcast_in_dim3A_689 = vector.broadcast %jit3A_687 : f32 to vector<16xf32>
      %broadcast_in_dim3A_690 = vector.broadcast %jit3A_688 : f32 to vector<16xf32>
      %select_n3A_691 = arith.select %and3A_686, %broadcast_in_dim3A_689, %broadcast_in_dim3A_690 : vector<16xi1>, vector<16xf32>
      %add3A_692 = arith.addf %add3A_677, %select_n3A_691 : vector<16xf32>
      %xor3A_693 = arith.constant 8 : i32
      %xor3A_694 = vector.broadcast %xor3A_693 : i32 to vector<16xi32>
      %xor3A_695 = arith.xori %iota3A_533, %xor3A_694 : vector<16xi32>
      %reshape3A_696 = vector.shape_cast %xor3A_695 : vector<16xi32> to vector<16x1xi32>
      %gather3A_697 = vector.shape_cast %reshape3A_696 : vector<16x1xi32> to vector<16xi32>
      %gather3A_698 = tpu.dynamic_gather %add3A_692[%gather3A_697] in [0] : vector<16xf32>, vector<16xi32> -> vector<16xf32>
      %max3A_699 = arith.maximumf %add3A_692, %gather3A_698 : vector<16xf32>
      %xor3A_700 = arith.constant 4 : i32
      %xor3A_701 = vector.broadcast %xor3A_700 : i32 to vector<16xi32>
      %xor3A_702 = arith.xori %iota3A_533, %xor3A_701 : vector<16xi32>
      %reshape3A_703 = vector.shape_cast %xor3A_702 : vector<16xi32> to vector<16x1xi32>
      %gather3A_704 = vector.shape_cast %reshape3A_703 : vector<16x1xi32> to vector<16xi32>
      %gather3A_705 = tpu.dynamic_gather %max3A_699[%gather3A_704] in [0] : vector<16xf32>, vector<16xi32> -> vector<16xf32>
      %max3A_706 = arith.maximumf %max3A_699, %gather3A_705 : vector<16xf32>
      %xor3A_707 = arith.constant 2 : i32
      %xor3A_708 = vector.broadcast %xor3A_707 : i32 to vector<16xi32>
      %xor3A_709 = arith.xori %iota3A_533, %xor3A_708 : vector<16xi32>
      %reshape3A_710 = vector.shape_cast %xor3A_709 : vector<16xi32> to vector<16x1xi32>
      %gather3A_711 = vector.shape_cast %reshape3A_710 : vector<16x1xi32> to vector<16xi32>
      %gather3A_712 = tpu.dynamic_gather %max3A_706[%gather3A_711] in [0] : vector<16xf32>, vector<16xi32> -> vector<16xf32>
      %max3A_713 = arith.maximumf %max3A_706, %gather3A_712 : vector<16xf32>
      %xor3A_714 = arith.constant 1 : i32
      %xor3A_715 = vector.broadcast %xor3A_714 : i32 to vector<16xi32>
      %xor3A_716 = arith.xori %iota3A_533, %xor3A_715 : vector<16xi32>
      %reshape3A_717 = vector.shape_cast %xor3A_716 : vector<16xi32> to vector<16x1xi32>
      %gather3A_718 = vector.shape_cast %reshape3A_717 : vector<16x1xi32> to vector<16xi32>
      %gather3A_719 = tpu.dynamic_gather %max3A_713[%gather3A_718] in [0] : vector<16xf32>, vector<16xi32> -> vector<16xf32>
      %max3A_720 = arith.maximumf %max3A_713, %gather3A_719 : vector<16xf32>
      %slice3A_721 = vector.extract_strided_slice %max3A_720 {offsets = [0], sizes = [1], strides = [1]} : vector<16xf32> to vector<1xf32>
      %squeeze3A_722 = vector.extract %slice3A_721[0] : f32 from vector<1xf32>
      %gt3A_723 = arith.constant 5.000000e-01 : f32
      %gt3A_724 = arith.cmpf ogt, %squeeze3A_722, %gt3A_723 : f32
      %not3A_725 = arith.constant true
      %not3A_726 = arith.xori %gt3A_724, %not3A_725 : i1
      %convert_element_type3A_727 = arith.extui %not3A_726 : i1 to i32
      %cond3A_728 = arith.constant 0 : i32
      %cond3A_729 = arith.cmpi ne, %convert_element_type3A_727, %cond3A_728 : i32
      scf.if %cond3A_729 {
        %get3A_947 = arith.constant 0 : index
        %get3A_948 = tpu.vector_load %arg7[%get3A_947] {strides = array<i32>} : memref<128xf32, #tpu.memory_space<vmem>>, vector<16xf32>,
        %get3A_949 = vector.shape_cast %get3A_948 : vector<16xf32> to vector<16xf32>
        %get3A_950 = arith.constant 16 : index
        %get3A_951 = tpu.vector_load %arg7[%get3A_950] {strides = array<i32>} : memref<128xf32, #tpu.memory_space<vmem>>, vector<16xf32>,
        %get3A_952 = vector.shape_cast %get3A_951 : vector<16xf32> to vector<16xf32>
        %get3A_953 = arith.constant 32 : index
        %get3A_954 = tpu.vector_load %arg7[%get3A_953] {strides = array<i32>} : memref<128xf32, #tpu.memory_space<vmem>>, vector<16xf32>,
        %get3A_955 = vector.shape_cast %get3A_954 : vector<16xf32> to vector<16xf32>
        %get3A_956 = arith.constant 48 : index
        %get3A_957 = tpu.vector_load %arg7[%get3A_956] {strides = array<i32>} : memref<128xf32, #tpu.memory_space<vmem>>, vector<16xf32>,
        %get3A_958 = vector.shape_cast %get3A_957 : vector<16xf32> to vector<16xf32>
        %get3A_959 = arith.constant 64 : index
        %get3A_960 = tpu.vector_load %arg7[%get3A_959] {strides = array<i32>} : memref<128xf32, #tpu.memory_space<vmem>>, vector<16xf32>,
        %get3A_961 = vector.shape_cast %get3A_960 : vector<16xf32> to vector<16xf32>
        %get3A_962 = arith.constant 80 : index
        %get3A_963 = tpu.vector_load %arg7[%get3A_962] {strides = array<i32>} : memref<128xf32, #tpu.memory_space<vmem>>, vector<16xf32>,
        %get3A_964 = vector.shape_cast %get3A_963 : vector<16xf32> to vector<16xf32>
        %get3A_965 = arith.constant 96 : index
        %get3A_966 = tpu.vector_load %arg7[%get3A_965] {strides = array<i32>} : memref<128xf32, #tpu.memory_space<vmem>>, vector<16xf32>,
        %get3A_967 = vector.shape_cast %get3A_966 : vector<16xf32> to vector<16xf32>
        %get3A_968 = arith.constant 112 : index
        %get3A_969 = tpu.vector_load %arg7[%get3A_968] {strides = array<i32>} : memref<128xf32, #tpu.memory_space<vmem>>, vector<16xf32>,
        %get3A_970 = vector.shape_cast %get3A_969 : vector<16xf32> to vector<16xf32>
        %parallel_loop3A = arith.constant 0 : i32
        %parallel_loop3A_971 = arith.constant 200 : i32
        %parallel_loop3A_972 = arith.constant 1 : i32
        %parallel_loop3A_973:8 = scf.for %parallel_loop3A_1006 = %parallel_loop3A to %parallel_loop3A_971 step %parallel_loop3A_972 iter_args(%parallel_loop3A_1007 = %get3A_949, %parallel_loop3A_1008 = %get3A_952, %parallel_loop3A_1009 = %get3A_955, %parallel_loop3A_1010 = %get3A_958, %parallel_loop3A_1011 = %get3A_961, %parallel_loop3A_1012 = %get3A_964, %parallel_loop3A_1013 = %get3A_967, %parallel_loop3A_1014 = %get3A_970) -> (vector<16xf32>, vector<16xf32>, vector<16xf32>, vector<16xf32>, vector<16xf32>, vector<16xf32>, vector<16xf32>, vector<16xf32>)  : i32 {
          %parallel_loop3A_1015 = arith.index_cast %parallel_loop3A_1006 : i32 to index
          %parallel_loop3A_1016 = arith.constant 0 : index
          %parallel_loop3A_1017 = tpu.vector_load %arg11[%parallel_loop3A_1015, %parallel_loop3A_1016] {strides = array<i32>} : memref<200x128xf32, #tpu.memory_space<vmem>>, vector<1x16xf32>,
          %parallel_loop3A_1018 = vector.shape_cast %parallel_loop3A_1017 : vector<1x16xf32> to vector<16xf32>
          %parallel_loop3A_1019 = arith.maximumf %parallel_loop3A_1007, %parallel_loop3A_1018 : vector<16xf32>
          %parallel_loop3A_1020 = arith.index_cast %parallel_loop3A_1006 : i32 to index
          %parallel_loop3A_1021 = arith.constant 16 : index
          %parallel_loop3A_1022 = tpu.vector_load %arg11[%parallel_loop3A_1020, %parallel_loop3A_1021] {strides = array<i32>} : memref<200x128xf32, #tpu.memory_space<vmem>>, vector<1x16xf32>,
          %parallel_loop3A_1023 = vector.shape_cast %parallel_loop3A_1022 : vector<1x16xf32> to vector<16xf32>
          %parallel_loop3A_1024 = arith.maximumf %parallel_loop3A_1008, %parallel_loop3A_1023 : vector<16xf32>
          %parallel_loop3A_1025 = arith.index_cast %parallel_loop3A_1006 : i32 to index
          %parallel_loop3A_1026 = arith.constant 32 : index
          %parallel_loop3A_1027 = tpu.vector_load %arg11[%parallel_loop3A_1025, %parallel_loop3A_1026] {strides = array<i32>} : memref<200x128xf32, #tpu.memory_space<vmem>>, vector<1x16xf32>,
          %parallel_loop3A_1028 = vector.shape_cast %parallel_loop3A_1027 : vector<1x16xf32> to vector<16xf32>
          %parallel_loop3A_1029 = arith.maximumf %parallel_loop3A_1009, %parallel_loop3A_1028 : vector<16xf32>
          %parallel_loop3A_1030 = arith.index_cast %parallel_loop3A_1006 : i32 to index
          %parallel_loop3A_1031 = arith.constant 48 : index
          %parallel_loop3A_1032 = tpu.vector_load %arg11[%parallel_loop3A_1030, %parallel_loop3A_1031] {strides = array<i32>} : memref<200x128xf32, #tpu.memory_space<vmem>>, vector<1x16xf32>,
          %parallel_loop3A_1033 = vector.shape_cast %parallel_loop3A_1032 : vector<1x16xf32> to vector<16xf32>
          %parallel_loop3A_1034 = arith.maximumf %parallel_loop3A_1010, %parallel_loop3A_1033 : vector<16xf32>
          %parallel_loop3A_1035 = arith.index_cast %parallel_loop3A_1006 : i32 to index
          %parallel_loop3A_1036 = arith.constant 64 : index
          %parallel_loop3A_1037 = tpu.vector_load %arg11[%parallel_loop3A_1035, %parallel_loop3A_1036] {strides = array<i32>} : memref<200x128xf32, #tpu.memory_space<vmem>>, vector<1x16xf32>,
          %parallel_loop3A_1038 = vector.shape_cast %parallel_loop3A_1037 : vector<1x16xf32> to vector<16xf32>
          %parallel_loop3A_1039 = arith.maximumf %parallel_loop3A_1011, %parallel_loop3A_1038 : vector<16xf32>
          %parallel_loop3A_1040 = arith.index_cast %parallel_loop3A_1006 : i32 to index
          %parallel_loop3A_1041 = arith.constant 80 : index
          %parallel_loop3A_1042 = tpu.vector_load %arg11[%parallel_loop3A_1040, %parallel_loop3A_1041] {strides = array<i32>} : memref<200x128xf32, #tpu.memory_space<vmem>>, vector<1x16xf32>,
          %parallel_loop3A_1043 = vector.shape_cast %parallel_loop3A_1042 : vector<1x16xf32> to vector<16xf32>
          %parallel_loop3A_1044 = arith.maximumf %parallel_loop3A_1012, %parallel_loop3A_1043 : vector<16xf32>
          %parallel_loop3A_1045 = arith.index_cast %parallel_loop3A_1006 : i32 to index
          %parallel_loop3A_1046 = arith.constant 96 : index
          %parallel_loop3A_1047 = tpu.vector_load %arg11[%parallel_loop3A_1045, %parallel_loop3A_1046] {strides = array<i32>} : memref<200x128xf32, #tpu.memory_space<vmem>>, vector<1x16xf32>,
          %parallel_loop3A_1048 = vector.shape_cast %parallel_loop3A_1047 : vector<1x16xf32> to vector<16xf32>
          %parallel_loop3A_1049 = arith.maximumf %parallel_loop3A_1013, %parallel_loop3A_1048 : vector<16xf32>
          %parallel_loop3A_1050 = arith.index_cast %parallel_loop3A_1006 : i32 to index
          %parallel_loop3A_1051 = arith.constant 112 : index
          %parallel_loop3A_1052 = tpu.vector_load %arg11[%parallel_loop3A_1050, %parallel_loop3A_1051] {strides = array<i32>} : memref<200x128xf32, #tpu.memory_space<vmem>>, vector<1x16xf32>,
          %parallel_loop3A_1053 = vector.shape_cast %parallel_loop3A_1052 : vector<1x16xf32> to vector<16xf32>
          %parallel_loop3A_1054 = arith.maximumf %parallel_loop3A_1014, %parallel_loop3A_1053 : vector<16xf32>
          scf.yield %parallel_loop3A_1019, %parallel_loop3A_1024, %parallel_loop3A_1029, %parallel_loop3A_1034, %parallel_loop3A_1039, %parallel_loop3A_1044, %parallel_loop3A_1049, %parallel_loop3A_1054 : vector<16xf32>, vector<16xf32>, vector<16xf32>, vector<16xf32>, vector<16xf32>, vector<16xf32>, vector<16xf32>, vector<16xf32>
        } {sc.loop_unroll_factor = 2 : i64, sc.parallel_access}
        %swap3A_974 = arith.constant 0 : index
        %swap3A_975 = tpu.vector_load %arg7[%swap3A_974] {strides = array<i32>} : memref<128xf32, #tpu.memory_space<vmem>>, vector<16xf32>,
        %swap3A_976 = vector.shape_cast %swap3A_975 : vector<16xf32> to vector<16xf32>
        %swap3A_977 = vector.shape_cast %parallel_loop3A_973#0 : vector<16xf32> to vector<16xf32>
        tpu.vector_store %arg7[%swap3A_974], %swap3A_977 {strides = array<i32>} : memref<128xf32, #tpu.memory_space<vmem>>, vector<16xf32>,
        %swap3A_978 = arith.constant 16 : index
        %swap3A_979 = tpu.vector_load %arg7[%swap3A_978] {strides = array<i32>} : memref<128xf32, #tpu.memory_space<vmem>>, vector<16xf32>,
        %swap3A_980 = vector.shape_cast %swap3A_979 : vector<16xf32> to vector<16xf32>
        %swap3A_981 = vector.shape_cast %parallel_loop3A_973#1 : vector<16xf32> to vector<16xf32>
        tpu.vector_store %arg7[%swap3A_978], %swap3A_981 {strides = array<i32>} : memref<128xf32, #tpu.memory_space<vmem>>, vector<16xf32>,
        %swap3A_982 = arith.constant 32 : index
        %swap3A_983 = tpu.vector_load %arg7[%swap3A_982] {strides = array<i32>} : memref<128xf32, #tpu.memory_space<vmem>>, vector<16xf32>,
        %swap3A_984 = vector.shape_cast %swap3A_983 : vector<16xf32> to vector<16xf32>
        %swap3A_985 = vector.shape_cast %parallel_loop3A_973#2 : vector<16xf32> to vector<16xf32>
        tpu.vector_store %arg7[%swap3A_982], %swap3A_985 {strides = array<i32>} : memref<128xf32, #tpu.memory_space<vmem>>, vector<16xf32>,
        %swap3A_986 = arith.constant 48 : index
        %swap3A_987 = tpu.vector_load %arg7[%swap3A_986] {strides = array<i32>} : memref<128xf32, #tpu.memory_space<vmem>>, vector<16xf32>,
        %swap3A_988 = vector.shape_cast %swap3A_987 : vector<16xf32> to vector<16xf32>
        %swap3A_989 = vector.shape_cast %parallel_loop3A_973#3 : vector<16xf32> to vector<16xf32>
        tpu.vector_store %arg7[%swap3A_986], %swap3A_989 {strides = array<i32>} : memref<128xf32, #tpu.memory_space<vmem>>, vector<16xf32>,
        %swap3A_990 = arith.constant 64 : index
        %swap3A_991 = tpu.vector_load %arg7[%swap3A_990] {strides = array<i32>} : memref<128xf32, #tpu.memory_space<vmem>>, vector<16xf32>,
        %swap3A_992 = vector.shape_cast %swap3A_991 : vector<16xf32> to vector<16xf32>
        %swap3A_993 = vector.shape_cast %parallel_loop3A_973#4 : vector<16xf32> to vector<16xf32>
        tpu.vector_store %arg7[%swap3A_990], %swap3A_993 {strides = array<i32>} : memref<128xf32, #tpu.memory_space<vmem>>, vector<16xf32>,
        %swap3A_994 = arith.constant 80 : index
        %swap3A_995 = tpu.vector_load %arg7[%swap3A_994] {strides = array<i32>} : memref<128xf32, #tpu.memory_space<vmem>>, vector<16xf32>,
        %swap3A_996 = vector.shape_cast %swap3A_995 : vector<16xf32> to vector<16xf32>
        %swap3A_997 = vector.shape_cast %parallel_loop3A_973#5 : vector<16xf32> to vector<16xf32>
        tpu.vector_store %arg7[%swap3A_994], %swap3A_997 {strides = array<i32>} : memref<128xf32, #tpu.memory_space<vmem>>, vector<16xf32>,
        %swap3A_998 = arith.constant 96 : index
        %swap3A_999 = tpu.vector_load %arg7[%swap3A_998] {strides = array<i32>} : memref<128xf32, #tpu.memory_space<vmem>>, vector<16xf32>,
        %swap3A_1000 = vector.shape_cast %swap3A_999 : vector<16xf32> to vector<16xf32>
        %swap3A_1001 = vector.shape_cast %parallel_loop3A_973#6 : vector<16xf32> to vector<16xf32>
        tpu.vector_store %arg7[%swap3A_998], %swap3A_1001 {strides = array<i32>} : memref<128xf32, #tpu.memory_space<vmem>>, vector<16xf32>,
        %swap3A_1002 = arith.constant 112 : index
        %swap3A_1003 = tpu.vector_load %arg7[%swap3A_1002] {strides = array<i32>} : memref<128xf32, #tpu.memory_space<vmem>>, vector<16xf32>,
        %swap3A_1004 = vector.shape_cast %swap3A_1003 : vector<16xf32> to vector<16xf32>
        %swap3A_1005 = vector.shape_cast %parallel_loop3A_973#7 : vector<16xf32> to vector<16xf32>
        tpu.vector_store %arg7[%swap3A_1002], %swap3A_1005 {strides = array<i32>} : memref<128xf32, #tpu.memory_space<vmem>>, vector<16xf32>,
      } else {
      }
      %convert_element_type3A_730 = arith.extui %gt3A_724 : i1 to i32
      %cond3A_731 = arith.constant 0 : i32
      %cond3A_732 = arith.cmpi ne, %convert_element_type3A_730, %cond3A_731 : i32
      scf.if %cond3A_732 {
        %get3A_947 = arith.constant 0 : index
        %get3A_948 = tpu.vector_load %arg7[%get3A_947] {strides = array<i32>} : memref<128xf32, #tpu.memory_space<vmem>>, vector<16xf32>,
        %get3A_949 = vector.shape_cast %get3A_948 : vector<16xf32> to vector<16xf32>
        %get3A_950 = arith.constant 16 : index
        %get3A_951 = tpu.vector_load %arg7[%get3A_950] {strides = array<i32>} : memref<128xf32, #tpu.memory_space<vmem>>, vector<16xf32>,
        %get3A_952 = vector.shape_cast %get3A_951 : vector<16xf32> to vector<16xf32>
        %get3A_953 = arith.constant 32 : index
        %get3A_954 = tpu.vector_load %arg7[%get3A_953] {strides = array<i32>} : memref<128xf32, #tpu.memory_space<vmem>>, vector<16xf32>,
        %get3A_955 = vector.shape_cast %get3A_954 : vector<16xf32> to vector<16xf32>
        %get3A_956 = arith.constant 48 : index
        %get3A_957 = tpu.vector_load %arg7[%get3A_956] {strides = array<i32>} : memref<128xf32, #tpu.memory_space<vmem>>, vector<16xf32>,
        %get3A_958 = vector.shape_cast %get3A_957 : vector<16xf32> to vector<16xf32>
        %get3A_959 = arith.constant 64 : index
        %get3A_960 = tpu.vector_load %arg7[%get3A_959] {strides = array<i32>} : memref<128xf32, #tpu.memory_space<vmem>>, vector<16xf32>,
        %get3A_961 = vector.shape_cast %get3A_960 : vector<16xf32> to vector<16xf32>
        %get3A_962 = arith.constant 80 : index
        %get3A_963 = tpu.vector_load %arg7[%get3A_962] {strides = array<i32>} : memref<128xf32, #tpu.memory_space<vmem>>, vector<16xf32>,
        %get3A_964 = vector.shape_cast %get3A_963 : vector<16xf32> to vector<16xf32>
        %get3A_965 = arith.constant 96 : index
        %get3A_966 = tpu.vector_load %arg7[%get3A_965] {strides = array<i32>} : memref<128xf32, #tpu.memory_space<vmem>>, vector<16xf32>,
        %get3A_967 = vector.shape_cast %get3A_966 : vector<16xf32> to vector<16xf32>
        %get3A_968 = arith.constant 112 : index
        %get3A_969 = tpu.vector_load %arg7[%get3A_968] {strides = array<i32>} : memref<128xf32, #tpu.memory_space<vmem>>, vector<16xf32>,
        %get3A_970 = vector.shape_cast %get3A_969 : vector<16xf32> to vector<16xf32>
        %get3A_971 = arith.constant 0 : index
        %get3A_972 = tpu.vector_load %arg8[%get3A_971] {strides = array<i32>} : memref<128xf32, #tpu.memory_space<vmem>>, vector<16xf32>,
        %get3A_973 = vector.shape_cast %get3A_972 : vector<16xf32> to vector<16xf32>
        %get3A_974 = arith.constant 16 : index
        %get3A_975 = tpu.vector_load %arg8[%get3A_974] {strides = array<i32>} : memref<128xf32, #tpu.memory_space<vmem>>, vector<16xf32>,
        %get3A_976 = vector.shape_cast %get3A_975 : vector<16xf32> to vector<16xf32>
        %get3A_977 = arith.constant 32 : index
        %get3A_978 = tpu.vector_load %arg8[%get3A_977] {strides = array<i32>} : memref<128xf32, #tpu.memory_space<vmem>>, vector<16xf32>,
        %get3A_979 = vector.shape_cast %get3A_978 : vector<16xf32> to vector<16xf32>
        %get3A_980 = arith.constant 48 : index
        %get3A_981 = tpu.vector_load %arg8[%get3A_980] {strides = array<i32>} : memref<128xf32, #tpu.memory_space<vmem>>, vector<16xf32>,
        %get3A_982 = vector.shape_cast %get3A_981 : vector<16xf32> to vector<16xf32>
        %get3A_983 = arith.constant 64 : index
        %get3A_984 = tpu.vector_load %arg8[%get3A_983] {strides = array<i32>} : memref<128xf32, #tpu.memory_space<vmem>>, vector<16xf32>,
        %get3A_985 = vector.shape_cast %get3A_984 : vector<16xf32> to vector<16xf32>
        %get3A_986 = arith.constant 80 : index
        %get3A_987 = tpu.vector_load %arg8[%get3A_986] {strides = array<i32>} : memref<128xf32, #tpu.memory_space<vmem>>, vector<16xf32>,
        %get3A_988 = vector.shape_cast %get3A_987 : vector<16xf32> to vector<16xf32>
        %get3A_989 = arith.constant 96 : index
        %get3A_990 = tpu.vector_load %arg8[%get3A_989] {strides = array<i32>} : memref<128xf32, #tpu.memory_space<vmem>>, vector<16xf32>,
        %get3A_991 = vector.shape_cast %get3A_990 : vector<16xf32> to vector<16xf32>
        %get3A_992 = arith.constant 112 : index
        %get3A_993 = tpu.vector_load %arg8[%get3A_992] {strides = array<i32>} : memref<128xf32, #tpu.memory_space<vmem>>, vector<16xf32>,
        %get3A_994 = vector.shape_cast %get3A_993 : vector<16xf32> to vector<16xf32>
        %parallel_loop3A = arith.constant 0 : i32
        %parallel_loop3A_995 = arith.constant 200 : i32
        %parallel_loop3A_996 = arith.constant 1 : i32
        %parallel_loop3A_997:16 = scf.for %parallel_loop3A_1062 = %parallel_loop3A to %parallel_loop3A_995 step %parallel_loop3A_996 iter_args(%parallel_loop3A_1063 = %get3A_949, %parallel_loop3A_1064 = %get3A_952, %parallel_loop3A_1065 = %get3A_955, %parallel_loop3A_1066 = %get3A_958, %parallel_loop3A_1067 = %get3A_961, %parallel_loop3A_1068 = %get3A_964, %parallel_loop3A_1069 = %get3A_967, %parallel_loop3A_1070 = %get3A_970, %parallel_loop3A_1071 = %get3A_973, %parallel_loop3A_1072 = %get3A_976, %parallel_loop3A_1073 = %get3A_979, %parallel_loop3A_1074 = %get3A_982, %parallel_loop3A_1075 = %get3A_985, %parallel_loop3A_1076 = %get3A_988, %parallel_loop3A_1077 = %get3A_991, %parallel_loop3A_1078 = %get3A_994) -> (vector<16xf32>, vector<16xf32>, vector<16xf32>, vector<16xf32>, vector<16xf32>, vector<16xf32>, vector<16xf32>, vector<16xf32>, vector<16xf32>, vector<16xf32>, vector<16xf32>, vector<16xf32>, vector<16xf32>, vector<16xf32>, vector<16xf32>, vector<16xf32>)  : i32 {
          %parallel_loop3A_1079 = arith.addi %mul3A_546, %parallel_loop3A_1062 : i32
          %parallel_loop3A_1080 = vector.broadcast %parallel_loop3A_1079 : i32 to vector<16xi32>
          %parallel_loop3A_1081 = arith.index_cast %parallel_loop3A_1062 : i32 to index
          %parallel_loop3A_1082 = arith.constant 0 : index
          %parallel_loop3A_1083 = tpu.vector_load %arg11[%parallel_loop3A_1081, %parallel_loop3A_1082] {strides = array<i32>} : memref<200x128xf32, #tpu.memory_space<vmem>>, vector<1x16xf32>,
          %parallel_loop3A_1084 = vector.shape_cast %parallel_loop3A_1083 : vector<1x16xf32> to vector<16xf32>
          %parallel_loop3A_1085 = arith.cmpi eq, %get3A_549, %parallel_loop3A_1080 : vector<16xi32>
          %parallel_loop3A_1086 = arith.select %parallel_loop3A_1085, %broadcast_in_dim3A_535, %parallel_loop3A_1084 : vector<16xi1>, vector<16xf32>
          %parallel_loop3A_1087 = arith.maximumf %parallel_loop3A_1063, %parallel_loop3A_1086 : vector<16xf32>
          %parallel_loop3A_1088 = arith.select %parallel_loop3A_1085, %parallel_loop3A_1084, %broadcast_in_dim3A_535 : vector<16xi1>, vector<16xf32>
          %parallel_loop3A_1089 = arith.maximumf %parallel_loop3A_1071, %parallel_loop3A_1088 : vector<16xf32>
          %parallel_loop3A_1090 = arith.index_cast %parallel_loop3A_1062 : i32 to index
          %parallel_loop3A_1091 = arith.constant 16 : index
          %parallel_loop3A_1092 = tpu.vector_load %arg11[%parallel_loop3A_1090, %parallel_loop3A_1091] {strides = array<i32>} : memref<200x128xf32, #tpu.memory_space<vmem>>, vector<1x16xf32>,
          %parallel_loop3A_1093 = vector.shape_cast %parallel_loop3A_1092 : vector<1x16xf32> to vector<16xf32>
          %parallel_loop3A_1094 = arith.cmpi eq, %get3A_552, %parallel_loop3A_1080 : vector<16xi32>
          %parallel_loop3A_1095 = arith.select %parallel_loop3A_1094, %broadcast_in_dim3A_535, %parallel_loop3A_1093 : vector<16xi1>, vector<16xf32>
          %parallel_loop3A_1096 = arith.maximumf %parallel_loop3A_1064, %parallel_loop3A_1095 : vector<16xf32>
          %parallel_loop3A_1097 = arith.select %parallel_loop3A_1094, %parallel_loop3A_1093, %broadcast_in_dim3A_535 : vector<16xi1>, vector<16xf32>
          %parallel_loop3A_1098 = arith.maximumf %parallel_loop3A_1072, %parallel_loop3A_1097 : vector<16xf32>
          %parallel_loop3A_1099 = arith.index_cast %parallel_loop3A_1062 : i32 to index
          %parallel_loop3A_1100 = arith.constant 32 : index
          %parallel_loop3A_1101 = tpu.vector_load %arg11[%parallel_loop3A_1099, %parallel_loop3A_1100] {strides = array<i32>} : memref<200x128xf32, #tpu.memory_space<vmem>>, vector<1x16xf32>,
          %parallel_loop3A_1102 = vector.shape_cast %parallel_loop3A_1101 : vector<1x16xf32> to vector<16xf32>
          %parallel_loop3A_1103 = arith.cmpi eq, %get3A_555, %parallel_loop3A_1080 : vector<16xi32>
          %parallel_loop3A_1104 = arith.select %parallel_loop3A_1103, %broadcast_in_dim3A_535, %parallel_loop3A_1102 : vector<16xi1>, vector<16xf32>
          %parallel_loop3A_1105 = arith.maximumf %parallel_loop3A_1065, %parallel_loop3A_1104 : vector<16xf32>
          %parallel_loop3A_1106 = arith.select %parallel_loop3A_1103, %parallel_loop3A_1102, %broadcast_in_dim3A_535 : vector<16xi1>, vector<16xf32>
          %parallel_loop3A_1107 = arith.maximumf %parallel_loop3A_1073, %parallel_loop3A_1106 : vector<16xf32>
          %parallel_loop3A_1108 = arith.index_cast %parallel_loop3A_1062 : i32 to index
          %parallel_loop3A_1109 = arith.constant 48 : index
          %parallel_loop3A_1110 = tpu.vector_load %arg11[%parallel_loop3A_1108, %parallel_loop3A_1109] {strides = array<i32>} : memref<200x128xf32, #tpu.memory_space<vmem>>, vector<1x16xf32>,
          %parallel_loop3A_1111 = vector.shape_cast %parallel_loop3A_1110 : vector<1x16xf32> to vector<16xf32>
          %parallel_loop3A_1112 = arith.cmpi eq, %get3A_558, %parallel_loop3A_1080 : vector<16xi32>
          %parallel_loop3A_1113 = arith.select %parallel_loop3A_1112, %broadcast_in_dim3A_535, %parallel_loop3A_1111 : vector<16xi1>, vector<16xf32>
          %parallel_loop3A_1114 = arith.maximumf %parallel_loop3A_1066, %parallel_loop3A_1113 : vector<16xf32>
          %parallel_loop3A_1115 = arith.select %parallel_loop3A_1112, %parallel_loop3A_1111, %broadcast_in_dim3A_535 : vector<16xi1>, vector<16xf32>
          %parallel_loop3A_1116 = arith.maximumf %parallel_loop3A_1074, %parallel_loop3A_1115 : vector<16xf32>
          %parallel_loop3A_1117 = arith.index_cast %parallel_loop3A_1062 : i32 to index
          %parallel_loop3A_1118 = arith.constant 64 : index
          %parallel_loop3A_1119 = tpu.vector_load %arg11[%parallel_loop3A_1117, %parallel_loop3A_1118] {strides = array<i32>} : memref<200x128xf32, #tpu.memory_space<vmem>>, vector<1x16xf32>,
          %parallel_loop3A_1120 = vector.shape_cast %parallel_loop3A_1119 : vector<1x16xf32> to vector<16xf32>
          %parallel_loop3A_1121 = arith.cmpi eq, %get3A_561, %parallel_loop3A_1080 : vector<16xi32>
          %parallel_loop3A_1122 = arith.select %parallel_loop3A_1121, %broadcast_in_dim3A_535, %parallel_loop3A_1120 : vector<16xi1>, vector<16xf32>
          %parallel_loop3A_1123 = arith.maximumf %parallel_loop3A_1067, %parallel_loop3A_1122 : vector<16xf32>
          %parallel_loop3A_1124 = arith.select %parallel_loop3A_1121, %parallel_loop3A_1120, %broadcast_in_dim3A_535 : vector<16xi1>, vector<16xf32>
          %parallel_loop3A_1125 = arith.maximumf %parallel_loop3A_1075, %parallel_loop3A_1124 : vector<16xf32>
          %parallel_loop3A_1126 = arith.index_cast %parallel_loop3A_1062 : i32 to index
          %parallel_loop3A_1127 = arith.constant 80 : index
          %parallel_loop3A_1128 = tpu.vector_load %arg11[%parallel_loop3A_1126, %parallel_loop3A_1127] {strides = array<i32>} : memref<200x128xf32, #tpu.memory_space<vmem>>, vector<1x16xf32>,
          %parallel_loop3A_1129 = vector.shape_cast %parallel_loop3A_1128 : vector<1x16xf32> to vector<16xf32>
          %parallel_loop3A_1130 = arith.cmpi eq, %get3A_564, %parallel_loop3A_1080 : vector<16xi32>
          %parallel_loop3A_1131 = arith.select %parallel_loop3A_1130, %broadcast_in_dim3A_535, %parallel_loop3A_1129 : vector<16xi1>, vector<16xf32>
          %parallel_loop3A_1132 = arith.maximumf %parallel_loop3A_1068, %parallel_loop3A_1131 : vector<16xf32>
          %parallel_loop3A_1133 = arith.select %parallel_loop3A_1130, %parallel_loop3A_1129, %broadcast_in_dim3A_535 : vector<16xi1>, vector<16xf32>
          %parallel_loop3A_1134 = arith.maximumf %parallel_loop3A_1076, %parallel_loop3A_1133 : vector<16xf32>
          %parallel_loop3A_1135 = arith.index_cast %parallel_loop3A_1062 : i32 to index
          %parallel_loop3A_1136 = arith.constant 96 : index
          %parallel_loop3A_1137 = tpu.vector_load %arg11[%parallel_loop3A_1135, %parallel_loop3A_1136] {strides = array<i32>} : memref<200x128xf32, #tpu.memory_space<vmem>>, vector<1x16xf32>,
          %parallel_loop3A_1138 = vector.shape_cast %parallel_loop3A_1137 : vector<1x16xf32> to vector<16xf32>
          %parallel_loop3A_1139 = arith.cmpi eq, %get3A_567, %parallel_loop3A_1080 : vector<16xi32>
          %parallel_loop3A_1140 = arith.select %parallel_loop3A_1139, %broadcast_in_dim3A_535, %parallel_loop3A_1138 : vector<16xi1>, vector<16xf32>
          %parallel_loop3A_1141 = arith.maximumf %parallel_loop3A_1069, %parallel_loop3A_1140 : vector<16xf32>
          %parallel_loop3A_1142 = arith.select %parallel_loop3A_1139, %parallel_loop3A_1138, %broadcast_in_dim3A_535 : vector<16xi1>, vector<16xf32>
          %parallel_loop3A_1143 = arith.maximumf %parallel_loop3A_1077, %parallel_loop3A_1142 : vector<16xf32>
          %parallel_loop3A_1144 = arith.index_cast %parallel_loop3A_1062 : i32 to index
          %parallel_loop3A_1145 = arith.constant 112 : index
          %parallel_loop3A_1146 = tpu.vector_load %arg11[%parallel_loop3A_1144, %parallel_loop3A_1145] {strides = array<i32>} : memref<200x128xf32, #tpu.memory_space<vmem>>, vector<1x16xf32>,
          %parallel_loop3A_1147 = vector.shape_cast %parallel_loop3A_1146 : vector<1x16xf32> to vector<16xf32>
          %parallel_loop3A_1148 = arith.cmpi eq, %get3A_570, %parallel_loop3A_1080 : vector<16xi32>
          %parallel_loop3A_1149 = arith.select %parallel_loop3A_1148, %broadcast_in_dim3A_535, %parallel_loop3A_1147 : vector<16xi1>, vector<16xf32>
          %parallel_loop3A_1150 = arith.maximumf %parallel_loop3A_1070, %parallel_loop3A_1149 : vector<16xf32>
          %parallel_loop3A_1151 = arith.select %parallel_loop3A_1148, %parallel_loop3A_1147, %broadcast_in_dim3A_535 : vector<16xi1>, vector<16xf32>
          %parallel_loop3A_1152 = arith.maximumf %parallel_loop3A_1078, %parallel_loop3A_1151 : vector<16xf32>
          scf.yield %parallel_loop3A_1087, %parallel_loop3A_1096, %parallel_loop3A_1105, %parallel_loop3A_1114, %parallel_loop3A_1123, %parallel_loop3A_1132, %parallel_loop3A_1141, %parallel_loop3A_1150, %parallel_loop3A_1089, %parallel_loop3A_1098, %parallel_loop3A_1107, %parallel_loop3A_1116, %parallel_loop3A_1125, %parallel_loop3A_1134, %parallel_loop3A_1143, %parallel_loop3A_1152 : vector<16xf32>, vector<16xf32>, vector<16xf32>, vector<16xf32>, vector<16xf32>, vector<16xf32>, vector<16xf32>, vector<16xf32>, vector<16xf32>, vector<16xf32>, vector<16xf32>, vector<16xf32>, vector<16xf32>, vector<16xf32>, vector<16xf32>, vector<16xf32>
        } {sc.loop_unroll_factor = 1 : i64, sc.parallel_access}
        %swap3A_998 = arith.constant 0 : index
        %swap3A_999 = tpu.vector_load %arg7[%swap3A_998] {strides = array<i32>} : memref<128xf32, #tpu.memory_space<vmem>>, vector<16xf32>,
        %swap3A_1000 = vector.shape_cast %swap3A_999 : vector<16xf32> to vector<16xf32>
        %swap3A_1001 = vector.shape_cast %parallel_loop3A_997#0 : vector<16xf32> to vector<16xf32>
        tpu.vector_store %arg7[%swap3A_998], %swap3A_1001 {strides = array<i32>} : memref<128xf32, #tpu.memory_space<vmem>>, vector<16xf32>,
        %swap3A_1002 = arith.constant 0 : index
        %swap3A_1003 = tpu.vector_load %arg8[%swap3A_1002] {strides = array<i32>} : memref<128xf32, #tpu.memory_space<vmem>>, vector<16xf32>,
        %swap3A_1004 = vector.shape_cast %swap3A_1003 : vector<16xf32> to vector<16xf32>
        %swap3A_1005 = vector.shape_cast %parallel_loop3A_997#8 : vector<16xf32> to vector<16xf32>
        tpu.vector_store %arg8[%swap3A_1002], %swap3A_1005 {strides = array<i32>} : memref<128xf32, #tpu.memory_space<vmem>>, vector<16xf32>,
        %swap3A_1006 = arith.constant 16 : index
        %swap3A_1007 = tpu.vector_load %arg7[%swap3A_1006] {strides = array<i32>} : memref<128xf32, #tpu.memory_space<vmem>>, vector<16xf32>,
        %swap3A_1008 = vector.shape_cast %swap3A_1007 : vector<16xf32> to vector<16xf32>
        %swap3A_1009 = vector.shape_cast %parallel_loop3A_997#1 : vector<16xf32> to vector<16xf32>
        tpu.vector_store %arg7[%swap3A_1006], %swap3A_1009 {strides = array<i32>} : memref<128xf32, #tpu.memory_space<vmem>>, vector<16xf32>,
        %swap3A_1010 = arith.constant 16 : index
        %swap3A_1011 = tpu.vector_load %arg8[%swap3A_1010] {strides = array<i32>} : memref<128xf32, #tpu.memory_space<vmem>>, vector<16xf32>,
        %swap3A_1012 = vector.shape_cast %swap3A_1011 : vector<16xf32> to vector<16xf32>
        %swap3A_1013 = vector.shape_cast %parallel_loop3A_997#9 : vector<16xf32> to vector<16xf32>
        tpu.vector_store %arg8[%swap3A_1010], %swap3A_1013 {strides = array<i32>} : memref<128xf32, #tpu.memory_space<vmem>>, vector<16xf32>,
        %swap3A_1014 = arith.constant 32 : index
        %swap3A_1015 = tpu.vector_load %arg7[%swap3A_1014] {strides = array<i32>} : memref<128xf32, #tpu.memory_space<vmem>>, vector<16xf32>,
        %swap3A_1016 = vector.shape_cast %swap3A_1015 : vector<16xf32> to vector<16xf32>
        %swap3A_1017 = vector.shape_cast %parallel_loop3A_997#2 : vector<16xf32> to vector<16xf32>
        tpu.vector_store %arg7[%swap3A_1014], %swap3A_1017 {strides = array<i32>} : memref<128xf32, #tpu.memory_space<vmem>>, vector<16xf32>,
        %swap3A_1018 = arith.constant 32 : index
        %swap3A_1019 = tpu.vector_load %arg8[%swap3A_1018] {strides = array<i32>} : memref<128xf32, #tpu.memory_space<vmem>>, vector<16xf32>,
        %swap3A_1020 = vector.shape_cast %swap3A_1019 : vector<16xf32> to vector<16xf32>
        %swap3A_1021 = vector.shape_cast %parallel_loop3A_997#10 : vector<16xf32> to vector<16xf32>
        tpu.vector_store %arg8[%swap3A_1018], %swap3A_1021 {strides = array<i32>} : memref<128xf32, #tpu.memory_space<vmem>>, vector<16xf32>,
        %swap3A_1022 = arith.constant 48 : index
        %swap3A_1023 = tpu.vector_load %arg7[%swap3A_1022] {strides = array<i32>} : memref<128xf32, #tpu.memory_space<vmem>>, vector<16xf32>,
        %swap3A_1024 = vector.shape_cast %swap3A_1023 : vector<16xf32> to vector<16xf32>
        %swap3A_1025 = vector.shape_cast %parallel_loop3A_997#3 : vector<16xf32> to vector<16xf32>
        tpu.vector_store %arg7[%swap3A_1022], %swap3A_1025 {strides = array<i32>} : memref<128xf32, #tpu.memory_space<vmem>>, vector<16xf32>,
        %swap3A_1026 = arith.constant 48 : index
        %swap3A_1027 = tpu.vector_load %arg8[%swap3A_1026] {strides = array<i32>} : memref<128xf32, #tpu.memory_space<vmem>>, vector<16xf32>,
        %swap3A_1028 = vector.shape_cast %swap3A_1027 : vector<16xf32> to vector<16xf32>
        %swap3A_1029 = vector.shape_cast %parallel_loop3A_997#11 : vector<16xf32> to vector<16xf32>
        tpu.vector_store %arg8[%swap3A_1026], %swap3A_1029 {strides = array<i32>} : memref<128xf32, #tpu.memory_space<vmem>>, vector<16xf32>,
        %swap3A_1030 = arith.constant 64 : index
        %swap3A_1031 = tpu.vector_load %arg7[%swap3A_1030] {strides = array<i32>} : memref<128xf32, #tpu.memory_space<vmem>>, vector<16xf32>,
        %swap3A_1032 = vector.shape_cast %swap3A_1031 : vector<16xf32> to vector<16xf32>
        %swap3A_1033 = vector.shape_cast %parallel_loop3A_997#4 : vector<16xf32> to vector<16xf32>
        tpu.vector_store %arg7[%swap3A_1030], %swap3A_1033 {strides = array<i32>} : memref<128xf32, #tpu.memory_space<vmem>>, vector<16xf32>,
        %swap3A_1034 = arith.constant 64 : index
        %swap3A_1035 = tpu.vector_load %arg8[%swap3A_1034] {strides = array<i32>} : memref<128xf32, #tpu.memory_space<vmem>>, vector<16xf32>,
        %swap3A_1036 = vector.shape_cast %swap3A_1035 : vector<16xf32> to vector<16xf32>
        %swap3A_1037 = vector.shape_cast %parallel_loop3A_997#12 : vector<16xf32> to vector<16xf32>
        tpu.vector_store %arg8[%swap3A_1034], %swap3A_1037 {strides = array<i32>} : memref<128xf32, #tpu.memory_space<vmem>>, vector<16xf32>,
        %swap3A_1038 = arith.constant 80 : index
        %swap3A_1039 = tpu.vector_load %arg7[%swap3A_1038] {strides = array<i32>} : memref<128xf32, #tpu.memory_space<vmem>>, vector<16xf32>,
        %swap3A_1040 = vector.shape_cast %swap3A_1039 : vector<16xf32> to vector<16xf32>
        %swap3A_1041 = vector.shape_cast %parallel_loop3A_997#5 : vector<16xf32> to vector<16xf32>
        tpu.vector_store %arg7[%swap3A_1038], %swap3A_1041 {strides = array<i32>} : memref<128xf32, #tpu.memory_space<vmem>>, vector<16xf32>,
        %swap3A_1042 = arith.constant 80 : index
        %swap3A_1043 = tpu.vector_load %arg8[%swap3A_1042] {strides = array<i32>} : memref<128xf32, #tpu.memory_space<vmem>>, vector<16xf32>,
        %swap3A_1044 = vector.shape_cast %swap3A_1043 : vector<16xf32> to vector<16xf32>
        %swap3A_1045 = vector.shape_cast %parallel_loop3A_997#13 : vector<16xf32> to vector<16xf32>
        tpu.vector_store %arg8[%swap3A_1042], %swap3A_1045 {strides = array<i32>} : memref<128xf32, #tpu.memory_space<vmem>>, vector<16xf32>,
        %swap3A_1046 = arith.constant 96 : index
        %swap3A_1047 = tpu.vector_load %arg7[%swap3A_1046] {strides = array<i32>} : memref<128xf32, #tpu.memory_space<vmem>>, vector<16xf32>,
        %swap3A_1048 = vector.shape_cast %swap3A_1047 : vector<16xf32> to vector<16xf32>
        %swap3A_1049 = vector.shape_cast %parallel_loop3A_997#6 : vector<16xf32> to vector<16xf32>
        tpu.vector_store %arg7[%swap3A_1046], %swap3A_1049 {strides = array<i32>} : memref<128xf32, #tpu.memory_space<vmem>>, vector<16xf32>,
        %swap3A_1050 = arith.constant 96 : index
        %swap3A_1051 = tpu.vector_load %arg8[%swap3A_1050] {strides = array<i32>} : memref<128xf32, #tpu.memory_space<vmem>>, vector<16xf32>,
        %swap3A_1052 = vector.shape_cast %swap3A_1051 : vector<16xf32> to vector<16xf32>
        %swap3A_1053 = vector.shape_cast %parallel_loop3A_997#14 : vector<16xf32> to vector<16xf32>
        tpu.vector_store %arg8[%swap3A_1050], %swap3A_1053 {strides = array<i32>} : memref<128xf32, #tpu.memory_space<vmem>>, vector<16xf32>,
        %swap3A_1054 = arith.constant 112 : index
        %swap3A_1055 = tpu.vector_load %arg7[%swap3A_1054] {strides = array<i32>} : memref<128xf32, #tpu.memory_space<vmem>>, vector<16xf32>,
        %swap3A_1056 = vector.shape_cast %swap3A_1055 : vector<16xf32> to vector<16xf32>
        %swap3A_1057 = vector.shape_cast %parallel_loop3A_997#7 : vector<16xf32> to vector<16xf32>
        tpu.vector_store %arg7[%swap3A_1054], %swap3A_1057 {strides = array<i32>} : memref<128xf32, #tpu.memory_space<vmem>>, vector<16xf32>,
        %swap3A_1058 = arith.constant 112 : index
        %swap3A_1059 = tpu.vector_load %arg8[%swap3A_1058] {strides = array<i32>} : memref<128xf32, #tpu.memory_space<vmem>>, vector<16xf32>,
        %swap3A_1060 = vector.shape_cast %swap3A_1059 : vector<16xf32> to vector<16xf32>
        %swap3A_1061 = vector.shape_cast %parallel_loop3A_997#15 : vector<16xf32> to vector<16xf32>
        tpu.vector_store %arg8[%swap3A_1058], %swap3A_1061 {strides = array<i32>} : memref<128xf32, #tpu.memory_space<vmem>>, vector<16xf32>,
      } else {
      }
      %lt3A_733 = arith.constant 268 : i32
      %lt3A_734 = arith.cmpi slt, %add3A_532, %lt3A_733 : i32
      %convert_element_type3A_735 = arith.extui %lt3A_734 : i1 to i32
      %cond3A_736 = arith.constant 0 : i32
      %cond3A_737 = arith.cmpi ne, %convert_element_type3A_735, %cond3A_736 : i32
      scf.if %cond3A_737 {
        %add3A_947 = arith.constant 4 : i32
        %add3A_948 = arith.addi %add3A_532, %add3A_947 : i32
        %mul3A_949 = arith.constant 200 : i32
        %mul3A_950 = arith.muli %add3A_948, %mul3A_949 : i32
        %multiple_of3A_951 = tpu.assume_multiple %mul3A_950, 8 : i32
        %dma_start3A_952 = arith.constant 2 : i32
        %dma_start3A_953 = tpu.memref_slice %arg2[%multiple_of3A_951, %multiple_of3A] : memref<100000x4096xf32, #tpu.memory_space<hbm>> -> memref<200x128xf32, #tpu.memory_space<hbm>>
        %dma_start3A_954 = tpu.memref_slice %arg13[%dma_start3A_952] : memref<4x!tpu.dma_semaphore, #tpu.memory_space<semaphore_mem>> -> memref<1x!tpu.dma_semaphore, #tpu.memory_space<semaphore_mem>>
        %dma_start3A_955 = tpu.memref_squeeze %dma_start3A_954 : memref<1x!tpu.dma_semaphore, #tpu.memory_space<semaphore_mem>> -> memref<!tpu.dma_semaphore, #tpu.memory_space<semaphore_mem>>
        %dma_start3A_956 = tpu.memref_slice %arg2[%multiple_of3A_951, %multiple_of3A] : memref<100000x4096xf32, #tpu.memory_space<hbm>> -> memref<200x128xf32, #tpu.memory_space<hbm>>
        tpu.enqueue_dma source(%dma_start3A_956 : memref<200x128xf32, #tpu.memory_space<hbm>>) target(%arg11 : memref<200x128xf32, #tpu.memory_space<vmem>>) target_semaphore(%dma_start3A_955 : memref<!tpu.dma_semaphore, #tpu.memory_space<semaphore_mem>>)
      } else {
      }
      %mul3A_738 = arith.constant 4 : i32
      %mul3A_739 = arith.muli %scan3A_129, %mul3A_738 : i32
      %add3A_740 = arith.constant 3 : i32
      %add3A_741 = arith.addi %mul3A_739, %add3A_740 : i32
      %iota3A_742 = tpu.iota {dimensions = array<i32: 0>} : vector<16xi32>
      %broadcast_in_dim3A_743 = arith.constant -1.000000e+10 : f32
      %broadcast_in_dim3A_744 = vector.broadcast %broadcast_in_dim3A_743 : f32 to vector<16xf32>
      %dma_wait3A_745 = arith.constant 3 : i32
      %dma_wait3A_746 = arith.constant 0 : i32
      %dma_wait3A_747 = arith.constant 0 : i32
      %dma_wait3A_748 = tpu.memref_slice %arg2[%dma_wait3A_746, %dma_wait3A_747] : memref<100000x4096xf32, #tpu.memory_space<hbm>> -> memref<200x128xf32, #tpu.memory_space<hbm>>
      %dma_wait3A_749 = tpu.memref_slice %arg13[%dma_wait3A_745] : memref<4x!tpu.dma_semaphore, #tpu.memory_space<semaphore_mem>> -> memref<1x!tpu.dma_semaphore, #tpu.memory_space<semaphore_mem>>
      %dma_wait3A_750 = tpu.memref_squeeze %dma_wait3A_749 : memref<1x!tpu.dma_semaphore, #tpu.memory_space<semaphore_mem>> -> memref<!tpu.dma_semaphore, #tpu.memory_space<semaphore_mem>>
      %dma_wait3A_751 = arith.constant 0 : i32
      %dma_wait3A_752 = arith.constant 0 : i32
      %dma_wait3A_753 = tpu.memref_slice %arg2[%dma_wait3A_751, %dma_wait3A_752] : memref<100000x4096xf32, #tpu.memory_space<hbm>> -> memref<200x128xf32, #tpu.memory_space<hbm>>
      tpu.wait_dma2 semaphore(%dma_wait3A_750 : memref<!tpu.dma_semaphore, #tpu.memory_space<semaphore_mem>>) src(%dma_wait3A_753 : memref<200x128xf32, #tpu.memory_space<hbm>>) dst(%arg12 : memref<200x128xf32, #tpu.memory_space<vmem>>)
      %mul3A_754 = arith.constant 200 : i32
      %mul3A_755 = arith.muli %add3A_741, %mul3A_754 : i32
      %get3A_756 = arith.constant 0 : index
      %get3A_757 = tpu.vector_load %arg6[%get3A_756] {strides = array<i32>} : memref<128xi32, #tpu.memory_space<vmem>>, vector<16xi32>,
      %get3A_758 = vector.shape_cast %get3A_757 : vector<16xi32> to vector<16xi32>
      %get3A_759 = arith.constant 16 : index
      %get3A_760 = tpu.vector_load %arg6[%get3A_759] {strides = array<i32>} : memref<128xi32, #tpu.memory_space<vmem>>, vector<16xi32>,
      %get3A_761 = vector.shape_cast %get3A_760 : vector<16xi32> to vector<16xi32>
      %get3A_762 = arith.constant 32 : index
      %get3A_763 = tpu.vector_load %arg6[%get3A_762] {strides = array<i32>} : memref<128xi32, #tpu.memory_space<vmem>>, vector<16xi32>,
      %get3A_764 = vector.shape_cast %get3A_763 : vector<16xi32> to vector<16xi32>
      %get3A_765 = arith.constant 48 : index
      %get3A_766 = tpu.vector_load %arg6[%get3A_765] {strides = array<i32>} : memref<128xi32, #tpu.memory_space<vmem>>, vector<16xi32>,
      %get3A_767 = vector.shape_cast %get3A_766 : vector<16xi32> to vector<16xi32>
      %get3A_768 = arith.constant 64 : index
      %get3A_769 = tpu.vector_load %arg6[%get3A_768] {strides = array<i32>} : memref<128xi32, #tpu.memory_space<vmem>>, vector<16xi32>,
      %get3A_770 = vector.shape_cast %get3A_769 : vector<16xi32> to vector<16xi32>
      %get3A_771 = arith.constant 80 : index
      %get3A_772 = tpu.vector_load %arg6[%get3A_771] {strides = array<i32>} : memref<128xi32, #tpu.memory_space<vmem>>, vector<16xi32>,
      %get3A_773 = vector.shape_cast %get3A_772 : vector<16xi32> to vector<16xi32>
      %get3A_774 = arith.constant 96 : index
      %get3A_775 = tpu.vector_load %arg6[%get3A_774] {strides = array<i32>} : memref<128xi32, #tpu.memory_space<vmem>>, vector<16xi32>,
      %get3A_776 = vector.shape_cast %get3A_775 : vector<16xi32> to vector<16xi32>
      %get3A_777 = arith.constant 112 : index
      %get3A_778 = tpu.vector_load %arg6[%get3A_777] {strides = array<i32>} : memref<128xi32, #tpu.memory_space<vmem>>, vector<16xi32>,
      %get3A_779 = vector.shape_cast %get3A_778 : vector<16xi32> to vector<16xi32>
      %broadcast_in_dim3A_780 = arith.constant 0.000000e+00 : f32
      %broadcast_in_dim3A_781 = vector.broadcast %broadcast_in_dim3A_780 : f32 to vector<16xf32>
      %sub3A_782 = vector.broadcast %mul3A_755 : i32 to vector<16xi32>
      %sub3A_783 = arith.subi %get3A_758, %sub3A_782 : vector<16xi32>
      %ge3A_784 = arith.constant 0 : i32
      %ge3A_785 = vector.broadcast %ge3A_784 : i32 to vector<16xi32>
      %ge3A_786 = arith.cmpi sge, %sub3A_783, %ge3A_785 : vector<16xi32>
      %lt3A_787 = arith.constant 200 : i32
      %lt3A_788 = vector.broadcast %lt3A_787 : i32 to vector<16xi32>
      %lt3A_789 = arith.cmpi slt, %sub3A_783, %lt3A_788 : vector<16xi32>
      %and3A_790 = arith.andi %ge3A_786, %lt3A_789 : vector<16xi1>
      %jit3A_791 = arith.constant 1.000000e+00 : f32
      %jit3A_792 = arith.constant 0.000000e+00 : f32
      %broadcast_in_dim3A_793 = vector.broadcast %jit3A_791 : f32 to vector<16xf32>
      %broadcast_in_dim3A_794 = vector.broadcast %jit3A_792 : f32 to vector<16xf32>
      %select_n3A_795 = arith.select %and3A_790, %broadcast_in_dim3A_793, %broadcast_in_dim3A_794 : vector<16xi1>, vector<16xf32>
      %add3A_796 = arith.addf %broadcast_in_dim3A_781, %select_n3A_795 : vector<16xf32>
      %sub3A_797 = vector.broadcast %mul3A_755 : i32 to vector<16xi32>
      %sub3A_798 = arith.subi %get3A_761, %sub3A_797 : vector<16xi32>
      %ge3A_799 = arith.constant 0 : i32
      %ge3A_800 = vector.broadcast %ge3A_799 : i32 to vector<16xi32>
      %ge3A_801 = arith.cmpi sge, %sub3A_798, %ge3A_800 : vector<16xi32>
      %lt3A_802 = arith.constant 200 : i32
      %lt3A_803 = vector.broadcast %lt3A_802 : i32 to vector<16xi32>
      %lt3A_804 = arith.cmpi slt, %sub3A_798, %lt3A_803 : vector<16xi32>
      %and3A_805 = arith.andi %ge3A_801, %lt3A_804 : vector<16xi1>
      %jit3A_806 = arith.constant 1.000000e+00 : f32
      %jit3A_807 = arith.constant 0.000000e+00 : f32
      %broadcast_in_dim3A_808 = vector.broadcast %jit3A_806 : f32 to vector<16xf32>
      %broadcast_in_dim3A_809 = vector.broadcast %jit3A_807 : f32 to vector<16xf32>
      %select_n3A_810 = arith.select %and3A_805, %broadcast_in_dim3A_808, %broadcast_in_dim3A_809 : vector<16xi1>, vector<16xf32>
      %add3A_811 = arith.addf %add3A_796, %select_n3A_810 : vector<16xf32>
      %sub3A_812 = vector.broadcast %mul3A_755 : i32 to vector<16xi32>
      %sub3A_813 = arith.subi %get3A_764, %sub3A_812 : vector<16xi32>
      %ge3A_814 = arith.constant 0 : i32
      %ge3A_815 = vector.broadcast %ge3A_814 : i32 to vector<16xi32>
      %ge3A_816 = arith.cmpi sge, %sub3A_813, %ge3A_815 : vector<16xi32>
      %lt3A_817 = arith.constant 200 : i32
      %lt3A_818 = vector.broadcast %lt3A_817 : i32 to vector<16xi32>
      %lt3A_819 = arith.cmpi slt, %sub3A_813, %lt3A_818 : vector<16xi32>
      %and3A_820 = arith.andi %ge3A_816, %lt3A_819 : vector<16xi1>
      %jit3A_821 = arith.constant 1.000000e+00 : f32
      %jit3A_822 = arith.constant 0.000000e+00 : f32
      %broadcast_in_dim3A_823 = vector.broadcast %jit3A_821 : f32 to vector<16xf32>
      %broadcast_in_dim3A_824 = vector.broadcast %jit3A_822 : f32 to vector<16xf32>
      %select_n3A_825 = arith.select %and3A_820, %broadcast_in_dim3A_823, %broadcast_in_dim3A_824 : vector<16xi1>, vector<16xf32>
      %add3A_826 = arith.addf %add3A_811, %select_n3A_825 : vector<16xf32>
      %sub3A_827 = vector.broadcast %mul3A_755 : i32 to vector<16xi32>
      %sub3A_828 = arith.subi %get3A_767, %sub3A_827 : vector<16xi32>
      %ge3A_829 = arith.constant 0 : i32
      %ge3A_830 = vector.broadcast %ge3A_829 : i32 to vector<16xi32>
      %ge3A_831 = arith.cmpi sge, %sub3A_828, %ge3A_830 : vector<16xi32>
      %lt3A_832 = arith.constant 200 : i32
      %lt3A_833 = vector.broadcast %lt3A_832 : i32 to vector<16xi32>
      %lt3A_834 = arith.cmpi slt, %sub3A_828, %lt3A_833 : vector<16xi32>
      %and3A_835 = arith.andi %ge3A_831, %lt3A_834 : vector<16xi1>
      %jit3A_836 = arith.constant 1.000000e+00 : f32
      %jit3A_837 = arith.constant 0.000000e+00 : f32
      %broadcast_in_dim3A_838 = vector.broadcast %jit3A_836 : f32 to vector<16xf32>
      %broadcast_in_dim3A_839 = vector.broadcast %jit3A_837 : f32 to vector<16xf32>
      %select_n3A_840 = arith.select %and3A_835, %broadcast_in_dim3A_838, %broadcast_in_dim3A_839 : vector<16xi1>, vector<16xf32>
      %add3A_841 = arith.addf %add3A_826, %select_n3A_840 : vector<16xf32>
      %sub3A_842 = vector.broadcast %mul3A_755 : i32 to vector<16xi32>
      %sub3A_843 = arith.subi %get3A_770, %sub3A_842 : vector<16xi32>
      %ge3A_844 = arith.constant 0 : i32
      %ge3A_845 = vector.broadcast %ge3A_844 : i32 to vector<16xi32>
      %ge3A_846 = arith.cmpi sge, %sub3A_843, %ge3A_845 : vector<16xi32>
      %lt3A_847 = arith.constant 200 : i32
      %lt3A_848 = vector.broadcast %lt3A_847 : i32 to vector<16xi32>
      %lt3A_849 = arith.cmpi slt, %sub3A_843, %lt3A_848 : vector<16xi32>
      %and3A_850 = arith.andi %ge3A_846, %lt3A_849 : vector<16xi1>
      %jit3A_851 = arith.constant 1.000000e+00 : f32
      %jit3A_852 = arith.constant 0.000000e+00 : f32
      %broadcast_in_dim3A_853 = vector.broadcast %jit3A_851 : f32 to vector<16xf32>
      %broadcast_in_dim3A_854 = vector.broadcast %jit3A_852 : f32 to vector<16xf32>
      %select_n3A_855 = arith.select %and3A_850, %broadcast_in_dim3A_853, %broadcast_in_dim3A_854 : vector<16xi1>, vector<16xf32>
      %add3A_856 = arith.addf %add3A_841, %select_n3A_855 : vector<16xf32>
      %sub3A_857 = vector.broadcast %mul3A_755 : i32 to vector<16xi32>
      %sub3A_858 = arith.subi %get3A_773, %sub3A_857 : vector<16xi32>
      %ge3A_859 = arith.constant 0 : i32
      %ge3A_860 = vector.broadcast %ge3A_859 : i32 to vector<16xi32>
      %ge3A_861 = arith.cmpi sge, %sub3A_858, %ge3A_860 : vector<16xi32>
      %lt3A_862 = arith.constant 200 : i32
      %lt3A_863 = vector.broadcast %lt3A_862 : i32 to vector<16xi32>
      %lt3A_864 = arith.cmpi slt, %sub3A_858, %lt3A_863 : vector<16xi32>
      %and3A_865 = arith.andi %ge3A_861, %lt3A_864 : vector<16xi1>
      %jit3A_866 = arith.constant 1.000000e+00 : f32
      %jit3A_867 = arith.constant 0.000000e+00 : f32
      %broadcast_in_dim3A_868 = vector.broadcast %jit3A_866 : f32 to vector<16xf32>
      %broadcast_in_dim3A_869 = vector.broadcast %jit3A_867 : f32 to vector<16xf32>
      %select_n3A_870 = arith.select %and3A_865, %broadcast_in_dim3A_868, %broadcast_in_dim3A_869 : vector<16xi1>, vector<16xf32>
      %add3A_871 = arith.addf %add3A_856, %select_n3A_870 : vector<16xf32>
      %sub3A_872 = vector.broadcast %mul3A_755 : i32 to vector<16xi32>
      %sub3A_873 = arith.subi %get3A_776, %sub3A_872 : vector<16xi32>
      %ge3A_874 = arith.constant 0 : i32
      %ge3A_875 = vector.broadcast %ge3A_874 : i32 to vector<16xi32>
      %ge3A_876 = arith.cmpi sge, %sub3A_873, %ge3A_875 : vector<16xi32>
      %lt3A_877 = arith.constant 200 : i32
      %lt3A_878 = vector.broadcast %lt3A_877 : i32 to vector<16xi32>
      %lt3A_879 = arith.cmpi slt, %sub3A_873, %lt3A_878 : vector<16xi32>
      %and3A_880 = arith.andi %ge3A_876, %lt3A_879 : vector<16xi1>
      %jit3A_881 = arith.constant 1.000000e+00 : f32
      %jit3A_882 = arith.constant 0.000000e+00 : f32
      %broadcast_in_dim3A_883 = vector.broadcast %jit3A_881 : f32 to vector<16xf32>
      %broadcast_in_dim3A_884 = vector.broadcast %jit3A_882 : f32 to vector<16xf32>
      %select_n3A_885 = arith.select %and3A_880, %broadcast_in_dim3A_883, %broadcast_in_dim3A_884 : vector<16xi1>, vector<16xf32>
      %add3A_886 = arith.addf %add3A_871, %select_n3A_885 : vector<16xf32>
      %sub3A_887 = vector.broadcast %mul3A_755 : i32 to vector<16xi32>
      %sub3A_888 = arith.subi %get3A_779, %sub3A_887 : vector<16xi32>
      %ge3A_889 = arith.constant 0 : i32
      %ge3A_890 = vector.broadcast %ge3A_889 : i32 to vector<16xi32>
      %ge3A_891 = arith.cmpi sge, %sub3A_888, %ge3A_890 : vector<16xi32>
      %lt3A_892 = arith.constant 200 : i32
      %lt3A_893 = vector.broadcast %lt3A_892 : i32 to vector<16xi32>
      %lt3A_894 = arith.cmpi slt, %sub3A_888, %lt3A_893 : vector<16xi32>
      %and3A_895 = arith.andi %ge3A_891, %lt3A_894 : vector<16xi1>
      %jit3A_896 = arith.constant 1.000000e+00 : f32
      %jit3A_897 = arith.constant 0.000000e+00 : f32
      %broadcast_in_dim3A_898 = vector.broadcast %jit3A_896 : f32 to vector<16xf32>
      %broadcast_in_dim3A_899 = vector.broadcast %jit3A_897 : f32 to vector<16xf32>
      %select_n3A_900 = arith.select %and3A_895, %broadcast_in_dim3A_898, %broadcast_in_dim3A_899 : vector<16xi1>, vector<16xf32>
      %add3A_901 = arith.addf %add3A_886, %select_n3A_900 : vector<16xf32>
      %xor3A_902 = arith.constant 8 : i32
      %xor3A_903 = vector.broadcast %xor3A_902 : i32 to vector<16xi32>
      %xor3A_904 = arith.xori %iota3A_742, %xor3A_903 : vector<16xi32>
      %reshape3A_905 = vector.shape_cast %xor3A_904 : vector<16xi32> to vector<16x1xi32>
      %gather3A_906 = vector.shape_cast %reshape3A_905 : vector<16x1xi32> to vector<16xi32>
      %gather3A_907 = tpu.dynamic_gather %add3A_901[%gather3A_906] in [0] : vector<16xf32>, vector<16xi32> -> vector<16xf32>
      %max3A_908 = arith.maximumf %add3A_901, %gather3A_907 : vector<16xf32>
      %xor3A_909 = arith.constant 4 : i32
      %xor3A_910 = vector.broadcast %xor3A_909 : i32 to vector<16xi32>
      %xor3A_911 = arith.xori %iota3A_742, %xor3A_910 : vector<16xi32>
      %reshape3A_912 = vector.shape_cast %xor3A_911 : vector<16xi32> to vector<16x1xi32>
      %gather3A_913 = vector.shape_cast %reshape3A_912 : vector<16x1xi32> to vector<16xi32>
      %gather3A_914 = tpu.dynamic_gather %max3A_908[%gather3A_913] in [0] : vector<16xf32>, vector<16xi32> -> vector<16xf32>
      %max3A_915 = arith.maximumf %max3A_908, %gather3A_914 : vector<16xf32>
      %xor3A_916 = arith.constant 2 : i32
      %xor3A_917 = vector.broadcast %xor3A_916 : i32 to vector<16xi32>
      %xor3A_918 = arith.xori %iota3A_742, %xor3A_917 : vector<16xi32>
      %reshape3A_919 = vector.shape_cast %xor3A_918 : vector<16xi32> to vector<16x1xi32>
      %gather3A_920 = vector.shape_cast %reshape3A_919 : vector<16x1xi32> to vector<16xi32>
      %gather3A_921 = tpu.dynamic_gather %max3A_915[%gather3A_920] in [0] : vector<16xf32>, vector<16xi32> -> vector<16xf32>
      %max3A_922 = arith.maximumf %max3A_915, %gather3A_921 : vector<16xf32>
      %xor3A_923 = arith.constant 1 : i32
      %xor3A_924 = vector.broadcast %xor3A_923 : i32 to vector<16xi32>
      %xor3A_925 = arith.xori %iota3A_742, %xor3A_924 : vector<16xi32>
      %reshape3A_926 = vector.shape_cast %xor3A_925 : vector<16xi32> to vector<16x1xi32>
      %gather3A_927 = vector.shape_cast %reshape3A_926 : vector<16x1xi32> to vector<16xi32>
      %gather3A_928 = tpu.dynamic_gather %max3A_922[%gather3A_927] in [0] : vector<16xf32>, vector<16xi32> -> vector<16xf32>
      %max3A_929 = arith.maximumf %max3A_922, %gather3A_928 : vector<16xf32>
      %slice3A_930 = vector.extract_strided_slice %max3A_929 {offsets = [0], sizes = [1], strides = [1]} : vector<16xf32> to vector<1xf32>
      %squeeze3A_931 = vector.extract %slice3A_930[0] : f32 from vector<1xf32>
      %gt3A_932 = arith.constant 5.000000e-01 : f32
      %gt3A_933 = arith.cmpf ogt, %squeeze3A_931, %gt3A_932 : f32
      %not3A_934 = arith.constant true
      %not3A_935 = arith.xori %gt3A_933, %not3A_934 : i1
      %convert_element_type3A_936 = arith.extui %not3A_935 : i1 to i32
      %cond3A_937 = arith.constant 0 : i32
      %cond3A_938 = arith.cmpi ne, %convert_element_type3A_936, %cond3A_937 : i32
      scf.if %cond3A_938 {
        %get3A_947 = arith.constant 0 : index
        %get3A_948 = tpu.vector_load %arg7[%get3A_947] {strides = array<i32>} : memref<128xf32, #tpu.memory_space<vmem>>, vector<16xf32>,
        %get3A_949 = vector.shape_cast %get3A_948 : vector<16xf32> to vector<16xf32>
        %get3A_950 = arith.constant 16 : index
        %get3A_951 = tpu.vector_load %arg7[%get3A_950] {strides = array<i32>} : memref<128xf32, #tpu.memory_space<vmem>>, vector<16xf32>,
        %get3A_952 = vector.shape_cast %get3A_951 : vector<16xf32> to vector<16xf32>
        %get3A_953 = arith.constant 32 : index
        %get3A_954 = tpu.vector_load %arg7[%get3A_953] {strides = array<i32>} : memref<128xf32, #tpu.memory_space<vmem>>, vector<16xf32>,
        %get3A_955 = vector.shape_cast %get3A_954 : vector<16xf32> to vector<16xf32>
        %get3A_956 = arith.constant 48 : index
        %get3A_957 = tpu.vector_load %arg7[%get3A_956] {strides = array<i32>} : memref<128xf32, #tpu.memory_space<vmem>>, vector<16xf32>,
        %get3A_958 = vector.shape_cast %get3A_957 : vector<16xf32> to vector<16xf32>
        %get3A_959 = arith.constant 64 : index
        %get3A_960 = tpu.vector_load %arg7[%get3A_959] {strides = array<i32>} : memref<128xf32, #tpu.memory_space<vmem>>, vector<16xf32>,
        %get3A_961 = vector.shape_cast %get3A_960 : vector<16xf32> to vector<16xf32>
        %get3A_962 = arith.constant 80 : index
        %get3A_963 = tpu.vector_load %arg7[%get3A_962] {strides = array<i32>} : memref<128xf32, #tpu.memory_space<vmem>>, vector<16xf32>,
        %get3A_964 = vector.shape_cast %get3A_963 : vector<16xf32> to vector<16xf32>
        %get3A_965 = arith.constant 96 : index
        %get3A_966 = tpu.vector_load %arg7[%get3A_965] {strides = array<i32>} : memref<128xf32, #tpu.memory_space<vmem>>, vector<16xf32>,
        %get3A_967 = vector.shape_cast %get3A_966 : vector<16xf32> to vector<16xf32>
        %get3A_968 = arith.constant 112 : index
        %get3A_969 = tpu.vector_load %arg7[%get3A_968] {strides = array<i32>} : memref<128xf32, #tpu.memory_space<vmem>>, vector<16xf32>,
        %get3A_970 = vector.shape_cast %get3A_969 : vector<16xf32> to vector<16xf32>
        %parallel_loop3A = arith.constant 0 : i32
        %parallel_loop3A_971 = arith.constant 200 : i32
        %parallel_loop3A_972 = arith.constant 1 : i32
        %parallel_loop3A_973:8 = scf.for %parallel_loop3A_1006 = %parallel_loop3A to %parallel_loop3A_971 step %parallel_loop3A_972 iter_args(%parallel_loop3A_1007 = %get3A_949, %parallel_loop3A_1008 = %get3A_952, %parallel_loop3A_1009 = %get3A_955, %parallel_loop3A_1010 = %get3A_958, %parallel_loop3A_1011 = %get3A_961, %parallel_loop3A_1012 = %get3A_964, %parallel_loop3A_1013 = %get3A_967, %parallel_loop3A_1014 = %get3A_970) -> (vector<16xf32>, vector<16xf32>, vector<16xf32>, vector<16xf32>, vector<16xf32>, vector<16xf32>, vector<16xf32>, vector<16xf32>)  : i32 {
          %parallel_loop3A_1015 = arith.index_cast %parallel_loop3A_1006 : i32 to index
          %parallel_loop3A_1016 = arith.constant 0 : index
          %parallel_loop3A_1017 = tpu.vector_load %arg12[%parallel_loop3A_1015, %parallel_loop3A_1016] {strides = array<i32>} : memref<200x128xf32, #tpu.memory_space<vmem>>, vector<1x16xf32>,
          %parallel_loop3A_1018 = vector.shape_cast %parallel_loop3A_1017 : vector<1x16xf32> to vector<16xf32>
          %parallel_loop3A_1019 = arith.maximumf %parallel_loop3A_1007, %parallel_loop3A_1018 : vector<16xf32>
          %parallel_loop3A_1020 = arith.index_cast %parallel_loop3A_1006 : i32 to index
          %parallel_loop3A_1021 = arith.constant 16 : index
          %parallel_loop3A_1022 = tpu.vector_load %arg12[%parallel_loop3A_1020, %parallel_loop3A_1021] {strides = array<i32>} : memref<200x128xf32, #tpu.memory_space<vmem>>, vector<1x16xf32>,
          %parallel_loop3A_1023 = vector.shape_cast %parallel_loop3A_1022 : vector<1x16xf32> to vector<16xf32>
          %parallel_loop3A_1024 = arith.maximumf %parallel_loop3A_1008, %parallel_loop3A_1023 : vector<16xf32>
          %parallel_loop3A_1025 = arith.index_cast %parallel_loop3A_1006 : i32 to index
          %parallel_loop3A_1026 = arith.constant 32 : index
          %parallel_loop3A_1027 = tpu.vector_load %arg12[%parallel_loop3A_1025, %parallel_loop3A_1026] {strides = array<i32>} : memref<200x128xf32, #tpu.memory_space<vmem>>, vector<1x16xf32>,
          %parallel_loop3A_1028 = vector.shape_cast %parallel_loop3A_1027 : vector<1x16xf32> to vector<16xf32>
          %parallel_loop3A_1029 = arith.maximumf %parallel_loop3A_1009, %parallel_loop3A_1028 : vector<16xf32>
          %parallel_loop3A_1030 = arith.index_cast %parallel_loop3A_1006 : i32 to index
          %parallel_loop3A_1031 = arith.constant 48 : index
          %parallel_loop3A_1032 = tpu.vector_load %arg12[%parallel_loop3A_1030, %parallel_loop3A_1031] {strides = array<i32>} : memref<200x128xf32, #tpu.memory_space<vmem>>, vector<1x16xf32>,
          %parallel_loop3A_1033 = vector.shape_cast %parallel_loop3A_1032 : vector<1x16xf32> to vector<16xf32>
          %parallel_loop3A_1034 = arith.maximumf %parallel_loop3A_1010, %parallel_loop3A_1033 : vector<16xf32>
          %parallel_loop3A_1035 = arith.index_cast %parallel_loop3A_1006 : i32 to index
          %parallel_loop3A_1036 = arith.constant 64 : index
          %parallel_loop3A_1037 = tpu.vector_load %arg12[%parallel_loop3A_1035, %parallel_loop3A_1036] {strides = array<i32>} : memref<200x128xf32, #tpu.memory_space<vmem>>, vector<1x16xf32>,
          %parallel_loop3A_1038 = vector.shape_cast %parallel_loop3A_1037 : vector<1x16xf32> to vector<16xf32>
          %parallel_loop3A_1039 = arith.maximumf %parallel_loop3A_1011, %parallel_loop3A_1038 : vector<16xf32>
          %parallel_loop3A_1040 = arith.index_cast %parallel_loop3A_1006 : i32 to index
          %parallel_loop3A_1041 = arith.constant 80 : index
          %parallel_loop3A_1042 = tpu.vector_load %arg12[%parallel_loop3A_1040, %parallel_loop3A_1041] {strides = array<i32>} : memref<200x128xf32, #tpu.memory_space<vmem>>, vector<1x16xf32>,
          %parallel_loop3A_1043 = vector.shape_cast %parallel_loop3A_1042 : vector<1x16xf32> to vector<16xf32>
          %parallel_loop3A_1044 = arith.maximumf %parallel_loop3A_1012, %parallel_loop3A_1043 : vector<16xf32>
          %parallel_loop3A_1045 = arith.index_cast %parallel_loop3A_1006 : i32 to index
          %parallel_loop3A_1046 = arith.constant 96 : index
          %parallel_loop3A_1047 = tpu.vector_load %arg12[%parallel_loop3A_1045, %parallel_loop3A_1046] {strides = array<i32>} : memref<200x128xf32, #tpu.memory_space<vmem>>, vector<1x16xf32>,
          %parallel_loop3A_1048 = vector.shape_cast %parallel_loop3A_1047 : vector<1x16xf32> to vector<16xf32>
          %parallel_loop3A_1049 = arith.maximumf %parallel_loop3A_1013, %parallel_loop3A_1048 : vector<16xf32>
          %parallel_loop3A_1050 = arith.index_cast %parallel_loop3A_1006 : i32 to index
          %parallel_loop3A_1051 = arith.constant 112 : index
          %parallel_loop3A_1052 = tpu.vector_load %arg12[%parallel_loop3A_1050, %parallel_loop3A_1051] {strides = array<i32>} : memref<200x128xf32, #tpu.memory_space<vmem>>, vector<1x16xf32>,
          %parallel_loop3A_1053 = vector.shape_cast %parallel_loop3A_1052 : vector<1x16xf32> to vector<16xf32>
          %parallel_loop3A_1054 = arith.maximumf %parallel_loop3A_1014, %parallel_loop3A_1053 : vector<16xf32>
          scf.yield %parallel_loop3A_1019, %parallel_loop3A_1024, %parallel_loop3A_1029, %parallel_loop3A_1034, %parallel_loop3A_1039, %parallel_loop3A_1044, %parallel_loop3A_1049, %parallel_loop3A_1054 : vector<16xf32>, vector<16xf32>, vector<16xf32>, vector<16xf32>, vector<16xf32>, vector<16xf32>, vector<16xf32>, vector<16xf32>
        } {sc.loop_unroll_factor = 2 : i64, sc.parallel_access}
        %swap3A_974 = arith.constant 0 : index
        %swap3A_975 = tpu.vector_load %arg7[%swap3A_974] {strides = array<i32>} : memref<128xf32, #tpu.memory_space<vmem>>, vector<16xf32>,
        %swap3A_976 = vector.shape_cast %swap3A_975 : vector<16xf32> to vector<16xf32>
        %swap3A_977 = vector.shape_cast %parallel_loop3A_973#0 : vector<16xf32> to vector<16xf32>
        tpu.vector_store %arg7[%swap3A_974], %swap3A_977 {strides = array<i32>} : memref<128xf32, #tpu.memory_space<vmem>>, vector<16xf32>,
        %swap3A_978 = arith.constant 16 : index
        %swap3A_979 = tpu.vector_load %arg7[%swap3A_978] {strides = array<i32>} : memref<128xf32, #tpu.memory_space<vmem>>, vector<16xf32>,
        %swap3A_980 = vector.shape_cast %swap3A_979 : vector<16xf32> to vector<16xf32>
        %swap3A_981 = vector.shape_cast %parallel_loop3A_973#1 : vector<16xf32> to vector<16xf32>
        tpu.vector_store %arg7[%swap3A_978], %swap3A_981 {strides = array<i32>} : memref<128xf32, #tpu.memory_space<vmem>>, vector<16xf32>,
        %swap3A_982 = arith.constant 32 : index
        %swap3A_983 = tpu.vector_load %arg7[%swap3A_982] {strides = array<i32>} : memref<128xf32, #tpu.memory_space<vmem>>, vector<16xf32>,
        %swap3A_984 = vector.shape_cast %swap3A_983 : vector<16xf32> to vector<16xf32>
        %swap3A_985 = vector.shape_cast %parallel_loop3A_973#2 : vector<16xf32> to vector<16xf32>
        tpu.vector_store %arg7[%swap3A_982], %swap3A_985 {strides = array<i32>} : memref<128xf32, #tpu.memory_space<vmem>>, vector<16xf32>,
        %swap3A_986 = arith.constant 48 : index
        %swap3A_987 = tpu.vector_load %arg7[%swap3A_986] {strides = array<i32>} : memref<128xf32, #tpu.memory_space<vmem>>, vector<16xf32>,
        %swap3A_988 = vector.shape_cast %swap3A_987 : vector<16xf32> to vector<16xf32>
        %swap3A_989 = vector.shape_cast %parallel_loop3A_973#3 : vector<16xf32> to vector<16xf32>
        tpu.vector_store %arg7[%swap3A_986], %swap3A_989 {strides = array<i32>} : memref<128xf32, #tpu.memory_space<vmem>>, vector<16xf32>,
        %swap3A_990 = arith.constant 64 : index
        %swap3A_991 = tpu.vector_load %arg7[%swap3A_990] {strides = array<i32>} : memref<128xf32, #tpu.memory_space<vmem>>, vector<16xf32>,
        %swap3A_992 = vector.shape_cast %swap3A_991 : vector<16xf32> to vector<16xf32>
        %swap3A_993 = vector.shape_cast %parallel_loop3A_973#4 : vector<16xf32> to vector<16xf32>
        tpu.vector_store %arg7[%swap3A_990], %swap3A_993 {strides = array<i32>} : memref<128xf32, #tpu.memory_space<vmem>>, vector<16xf32>,
        %swap3A_994 = arith.constant 80 : index
        %swap3A_995 = tpu.vector_load %arg7[%swap3A_994] {strides = array<i32>} : memref<128xf32, #tpu.memory_space<vmem>>, vector<16xf32>,
        %swap3A_996 = vector.shape_cast %swap3A_995 : vector<16xf32> to vector<16xf32>
        %swap3A_997 = vector.shape_cast %parallel_loop3A_973#5 : vector<16xf32> to vector<16xf32>
        tpu.vector_store %arg7[%swap3A_994], %swap3A_997 {strides = array<i32>} : memref<128xf32, #tpu.memory_space<vmem>>, vector<16xf32>,
        %swap3A_998 = arith.constant 96 : index
        %swap3A_999 = tpu.vector_load %arg7[%swap3A_998] {strides = array<i32>} : memref<128xf32, #tpu.memory_space<vmem>>, vector<16xf32>,
        %swap3A_1000 = vector.shape_cast %swap3A_999 : vector<16xf32> to vector<16xf32>
        %swap3A_1001 = vector.shape_cast %parallel_loop3A_973#6 : vector<16xf32> to vector<16xf32>
        tpu.vector_store %arg7[%swap3A_998], %swap3A_1001 {strides = array<i32>} : memref<128xf32, #tpu.memory_space<vmem>>, vector<16xf32>,
        %swap3A_1002 = arith.constant 112 : index
        %swap3A_1003 = tpu.vector_load %arg7[%swap3A_1002] {strides = array<i32>} : memref<128xf32, #tpu.memory_space<vmem>>, vector<16xf32>,
        %swap3A_1004 = vector.shape_cast %swap3A_1003 : vector<16xf32> to vector<16xf32>
        %swap3A_1005 = vector.shape_cast %parallel_loop3A_973#7 : vector<16xf32> to vector<16xf32>
        tpu.vector_store %arg7[%swap3A_1002], %swap3A_1005 {strides = array<i32>} : memref<128xf32, #tpu.memory_space<vmem>>, vector<16xf32>,
      } else {
      }
      %convert_element_type3A_939 = arith.extui %gt3A_933 : i1 to i32
      %cond3A_940 = arith.constant 0 : i32
      %cond3A_941 = arith.cmpi ne, %convert_element_type3A_939, %cond3A_940 : i32
      scf.if %cond3A_941 {
        %get3A_947 = arith.constant 0 : index
        %get3A_948 = tpu.vector_load %arg7[%get3A_947] {strides = array<i32>} : memref<128xf32, #tpu.memory_space<vmem>>, vector<16xf32>,
        %get3A_949 = vector.shape_cast %get3A_948 : vector<16xf32> to vector<16xf32>
        %get3A_950 = arith.constant 16 : index
        %get3A_951 = tpu.vector_load %arg7[%get3A_950] {strides = array<i32>} : memref<128xf32, #tpu.memory_space<vmem>>, vector<16xf32>,
        %get3A_952 = vector.shape_cast %get3A_951 : vector<16xf32> to vector<16xf32>
        %get3A_953 = arith.constant 32 : index
        %get3A_954 = tpu.vector_load %arg7[%get3A_953] {strides = array<i32>} : memref<128xf32, #tpu.memory_space<vmem>>, vector<16xf32>,
        %get3A_955 = vector.shape_cast %get3A_954 : vector<16xf32> to vector<16xf32>
        %get3A_956 = arith.constant 48 : index
        %get3A_957 = tpu.vector_load %arg7[%get3A_956] {strides = array<i32>} : memref<128xf32, #tpu.memory_space<vmem>>, vector<16xf32>,
        %get3A_958 = vector.shape_cast %get3A_957 : vector<16xf32> to vector<16xf32>
        %get3A_959 = arith.constant 64 : index
        %get3A_960 = tpu.vector_load %arg7[%get3A_959] {strides = array<i32>} : memref<128xf32, #tpu.memory_space<vmem>>, vector<16xf32>,
        %get3A_961 = vector.shape_cast %get3A_960 : vector<16xf32> to vector<16xf32>
        %get3A_962 = arith.constant 80 : index
        %get3A_963 = tpu.vector_load %arg7[%get3A_962] {strides = array<i32>} : memref<128xf32, #tpu.memory_space<vmem>>, vector<16xf32>,
        %get3A_964 = vector.shape_cast %get3A_963 : vector<16xf32> to vector<16xf32>
        %get3A_965 = arith.constant 96 : index
        %get3A_966 = tpu.vector_load %arg7[%get3A_965] {strides = array<i32>} : memref<128xf32, #tpu.memory_space<vmem>>, vector<16xf32>,
        %get3A_967 = vector.shape_cast %get3A_966 : vector<16xf32> to vector<16xf32>
        %get3A_968 = arith.constant 112 : index
        %get3A_969 = tpu.vector_load %arg7[%get3A_968] {strides = array<i32>} : memref<128xf32, #tpu.memory_space<vmem>>, vector<16xf32>,
        %get3A_970 = vector.shape_cast %get3A_969 : vector<16xf32> to vector<16xf32>
        %get3A_971 = arith.constant 0 : index
        %get3A_972 = tpu.vector_load %arg8[%get3A_971] {strides = array<i32>} : memref<128xf32, #tpu.memory_space<vmem>>, vector<16xf32>,
        %get3A_973 = vector.shape_cast %get3A_972 : vector<16xf32> to vector<16xf32>
        %get3A_974 = arith.constant 16 : index
        %get3A_975 = tpu.vector_load %arg8[%get3A_974] {strides = array<i32>} : memref<128xf32, #tpu.memory_space<vmem>>, vector<16xf32>,
        %get3A_976 = vector.shape_cast %get3A_975 : vector<16xf32> to vector<16xf32>
        %get3A_977 = arith.constant 32 : index
        %get3A_978 = tpu.vector_load %arg8[%get3A_977] {strides = array<i32>} : memref<128xf32, #tpu.memory_space<vmem>>, vector<16xf32>,
        %get3A_979 = vector.shape_cast %get3A_978 : vector<16xf32> to vector<16xf32>
        %get3A_980 = arith.constant 48 : index
        %get3A_981 = tpu.vector_load %arg8[%get3A_980] {strides = array<i32>} : memref<128xf32, #tpu.memory_space<vmem>>, vector<16xf32>,
        %get3A_982 = vector.shape_cast %get3A_981 : vector<16xf32> to vector<16xf32>
        %get3A_983 = arith.constant 64 : index
        %get3A_984 = tpu.vector_load %arg8[%get3A_983] {strides = array<i32>} : memref<128xf32, #tpu.memory_space<vmem>>, vector<16xf32>,
        %get3A_985 = vector.shape_cast %get3A_984 : vector<16xf32> to vector<16xf32>
        %get3A_986 = arith.constant 80 : index
        %get3A_987 = tpu.vector_load %arg8[%get3A_986] {strides = array<i32>} : memref<128xf32, #tpu.memory_space<vmem>>, vector<16xf32>,
        %get3A_988 = vector.shape_cast %get3A_987 : vector<16xf32> to vector<16xf32>
        %get3A_989 = arith.constant 96 : index
        %get3A_990 = tpu.vector_load %arg8[%get3A_989] {strides = array<i32>} : memref<128xf32, #tpu.memory_space<vmem>>, vector<16xf32>,
        %get3A_991 = vector.shape_cast %get3A_990 : vector<16xf32> to vector<16xf32>
        %get3A_992 = arith.constant 112 : index
        %get3A_993 = tpu.vector_load %arg8[%get3A_992] {strides = array<i32>} : memref<128xf32, #tpu.memory_space<vmem>>, vector<16xf32>,
        %get3A_994 = vector.shape_cast %get3A_993 : vector<16xf32> to vector<16xf32>
        %parallel_loop3A = arith.constant 0 : i32
        %parallel_loop3A_995 = arith.constant 200 : i32
        %parallel_loop3A_996 = arith.constant 1 : i32
        %parallel_loop3A_997:16 = scf.for %parallel_loop3A_1062 = %parallel_loop3A to %parallel_loop3A_995 step %parallel_loop3A_996 iter_args(%parallel_loop3A_1063 = %get3A_949, %parallel_loop3A_1064 = %get3A_952, %parallel_loop3A_1065 = %get3A_955, %parallel_loop3A_1066 = %get3A_958, %parallel_loop3A_1067 = %get3A_961, %parallel_loop3A_1068 = %get3A_964, %parallel_loop3A_1069 = %get3A_967, %parallel_loop3A_1070 = %get3A_970, %parallel_loop3A_1071 = %get3A_973, %parallel_loop3A_1072 = %get3A_976, %parallel_loop3A_1073 = %get3A_979, %parallel_loop3A_1074 = %get3A_982, %parallel_loop3A_1075 = %get3A_985, %parallel_loop3A_1076 = %get3A_988, %parallel_loop3A_1077 = %get3A_991, %parallel_loop3A_1078 = %get3A_994) -> (vector<16xf32>, vector<16xf32>, vector<16xf32>, vector<16xf32>, vector<16xf32>, vector<16xf32>, vector<16xf32>, vector<16xf32>, vector<16xf32>, vector<16xf32>, vector<16xf32>, vector<16xf32>, vector<16xf32>, vector<16xf32>, vector<16xf32>, vector<16xf32>)  : i32 {
          %parallel_loop3A_1079 = arith.addi %mul3A_755, %parallel_loop3A_1062 : i32
          %parallel_loop3A_1080 = vector.broadcast %parallel_loop3A_1079 : i32 to vector<16xi32>
          %parallel_loop3A_1081 = arith.index_cast %parallel_loop3A_1062 : i32 to index
          %parallel_loop3A_1082 = arith.constant 0 : index
          %parallel_loop3A_1083 = tpu.vector_load %arg12[%parallel_loop3A_1081, %parallel_loop3A_1082] {strides = array<i32>} : memref<200x128xf32, #tpu.memory_space<vmem>>, vector<1x16xf32>,
          %parallel_loop3A_1084 = vector.shape_cast %parallel_loop3A_1083 : vector<1x16xf32> to vector<16xf32>
          %parallel_loop3A_1085 = arith.cmpi eq, %get3A_758, %parallel_loop3A_1080 : vector<16xi32>
          %parallel_loop3A_1086 = arith.select %parallel_loop3A_1085, %broadcast_in_dim3A_744, %parallel_loop3A_1084 : vector<16xi1>, vector<16xf32>
          %parallel_loop3A_1087 = arith.maximumf %parallel_loop3A_1063, %parallel_loop3A_1086 : vector<16xf32>
          %parallel_loop3A_1088 = arith.select %parallel_loop3A_1085, %parallel_loop3A_1084, %broadcast_in_dim3A_744 : vector<16xi1>, vector<16xf32>
          %parallel_loop3A_1089 = arith.maximumf %parallel_loop3A_1071, %parallel_loop3A_1088 : vector<16xf32>
          %parallel_loop3A_1090 = arith.index_cast %parallel_loop3A_1062 : i32 to index
          %parallel_loop3A_1091 = arith.constant 16 : index
          %parallel_loop3A_1092 = tpu.vector_load %arg12[%parallel_loop3A_1090, %parallel_loop3A_1091] {strides = array<i32>} : memref<200x128xf32, #tpu.memory_space<vmem>>, vector<1x16xf32>,
          %parallel_loop3A_1093 = vector.shape_cast %parallel_loop3A_1092 : vector<1x16xf32> to vector<16xf32>
          %parallel_loop3A_1094 = arith.cmpi eq, %get3A_761, %parallel_loop3A_1080 : vector<16xi32>
          %parallel_loop3A_1095 = arith.select %parallel_loop3A_1094, %broadcast_in_dim3A_744, %parallel_loop3A_1093 : vector<16xi1>, vector<16xf32>
          %parallel_loop3A_1096 = arith.maximumf %parallel_loop3A_1064, %parallel_loop3A_1095 : vector<16xf32>
          %parallel_loop3A_1097 = arith.select %parallel_loop3A_1094, %parallel_loop3A_1093, %broadcast_in_dim3A_744 : vector<16xi1>, vector<16xf32>
          %parallel_loop3A_1098 = arith.maximumf %parallel_loop3A_1072, %parallel_loop3A_1097 : vector<16xf32>
          %parallel_loop3A_1099 = arith.index_cast %parallel_loop3A_1062 : i32 to index
          %parallel_loop3A_1100 = arith.constant 32 : index
          %parallel_loop3A_1101 = tpu.vector_load %arg12[%parallel_loop3A_1099, %parallel_loop3A_1100] {strides = array<i32>} : memref<200x128xf32, #tpu.memory_space<vmem>>, vector<1x16xf32>,
          %parallel_loop3A_1102 = vector.shape_cast %parallel_loop3A_1101 : vector<1x16xf32> to vector<16xf32>
          %parallel_loop3A_1103 = arith.cmpi eq, %get3A_764, %parallel_loop3A_1080 : vector<16xi32>
          %parallel_loop3A_1104 = arith.select %parallel_loop3A_1103, %broadcast_in_dim3A_744, %parallel_loop3A_1102 : vector<16xi1>, vector<16xf32>
          %parallel_loop3A_1105 = arith.maximumf %parallel_loop3A_1065, %parallel_loop3A_1104 : vector<16xf32>
          %parallel_loop3A_1106 = arith.select %parallel_loop3A_1103, %parallel_loop3A_1102, %broadcast_in_dim3A_744 : vector<16xi1>, vector<16xf32>
          %parallel_loop3A_1107 = arith.maximumf %parallel_loop3A_1073, %parallel_loop3A_1106 : vector<16xf32>
          %parallel_loop3A_1108 = arith.index_cast %parallel_loop3A_1062 : i32 to index
          %parallel_loop3A_1109 = arith.constant 48 : index
          %parallel_loop3A_1110 = tpu.vector_load %arg12[%parallel_loop3A_1108, %parallel_loop3A_1109] {strides = array<i32>} : memref<200x128xf32, #tpu.memory_space<vmem>>, vector<1x16xf32>,
          %parallel_loop3A_1111 = vector.shape_cast %parallel_loop3A_1110 : vector<1x16xf32> to vector<16xf32>
          %parallel_loop3A_1112 = arith.cmpi eq, %get3A_767, %parallel_loop3A_1080 : vector<16xi32>
          %parallel_loop3A_1113 = arith.select %parallel_loop3A_1112, %broadcast_in_dim3A_744, %parallel_loop3A_1111 : vector<16xi1>, vector<16xf32>
          %parallel_loop3A_1114 = arith.maximumf %parallel_loop3A_1066, %parallel_loop3A_1113 : vector<16xf32>
          %parallel_loop3A_1115 = arith.select %parallel_loop3A_1112, %parallel_loop3A_1111, %broadcast_in_dim3A_744 : vector<16xi1>, vector<16xf32>
          %parallel_loop3A_1116 = arith.maximumf %parallel_loop3A_1074, %parallel_loop3A_1115 : vector<16xf32>
          %parallel_loop3A_1117 = arith.index_cast %parallel_loop3A_1062 : i32 to index
          %parallel_loop3A_1118 = arith.constant 64 : index
          %parallel_loop3A_1119 = tpu.vector_load %arg12[%parallel_loop3A_1117, %parallel_loop3A_1118] {strides = array<i32>} : memref<200x128xf32, #tpu.memory_space<vmem>>, vector<1x16xf32>,
          %parallel_loop3A_1120 = vector.shape_cast %parallel_loop3A_1119 : vector<1x16xf32> to vector<16xf32>
          %parallel_loop3A_1121 = arith.cmpi eq, %get3A_770, %parallel_loop3A_1080 : vector<16xi32>
          %parallel_loop3A_1122 = arith.select %parallel_loop3A_1121, %broadcast_in_dim3A_744, %parallel_loop3A_1120 : vector<16xi1>, vector<16xf32>
          %parallel_loop3A_1123 = arith.maximumf %parallel_loop3A_1067, %parallel_loop3A_1122 : vector<16xf32>
          %parallel_loop3A_1124 = arith.select %parallel_loop3A_1121, %parallel_loop3A_1120, %broadcast_in_dim3A_744 : vector<16xi1>, vector<16xf32>
          %parallel_loop3A_1125 = arith.maximumf %parallel_loop3A_1075, %parallel_loop3A_1124 : vector<16xf32>
          %parallel_loop3A_1126 = arith.index_cast %parallel_loop3A_1062 : i32 to index
          %parallel_loop3A_1127 = arith.constant 80 : index
          %parallel_loop3A_1128 = tpu.vector_load %arg12[%parallel_loop3A_1126, %parallel_loop3A_1127] {strides = array<i32>} : memref<200x128xf32, #tpu.memory_space<vmem>>, vector<1x16xf32>,
          %parallel_loop3A_1129 = vector.shape_cast %parallel_loop3A_1128 : vector<1x16xf32> to vector<16xf32>
          %parallel_loop3A_1130 = arith.cmpi eq, %get3A_773, %parallel_loop3A_1080 : vector<16xi32>
          %parallel_loop3A_1131 = arith.select %parallel_loop3A_1130, %broadcast_in_dim3A_744, %parallel_loop3A_1129 : vector<16xi1>, vector<16xf32>
          %parallel_loop3A_1132 = arith.maximumf %parallel_loop3A_1068, %parallel_loop3A_1131 : vector<16xf32>
          %parallel_loop3A_1133 = arith.select %parallel_loop3A_1130, %parallel_loop3A_1129, %broadcast_in_dim3A_744 : vector<16xi1>, vector<16xf32>
          %parallel_loop3A_1134 = arith.maximumf %parallel_loop3A_1076, %parallel_loop3A_1133 : vector<16xf32>
          %parallel_loop3A_1135 = arith.index_cast %parallel_loop3A_1062 : i32 to index
          %parallel_loop3A_1136 = arith.constant 96 : index
          %parallel_loop3A_1137 = tpu.vector_load %arg12[%parallel_loop3A_1135, %parallel_loop3A_1136] {strides = array<i32>} : memref<200x128xf32, #tpu.memory_space<vmem>>, vector<1x16xf32>,
          %parallel_loop3A_1138 = vector.shape_cast %parallel_loop3A_1137 : vector<1x16xf32> to vector<16xf32>
          %parallel_loop3A_1139 = arith.cmpi eq, %get3A_776, %parallel_loop3A_1080 : vector<16xi32>
          %parallel_loop3A_1140 = arith.select %parallel_loop3A_1139, %broadcast_in_dim3A_744, %parallel_loop3A_1138 : vector<16xi1>, vector<16xf32>
          %parallel_loop3A_1141 = arith.maximumf %parallel_loop3A_1069, %parallel_loop3A_1140 : vector<16xf32>
          %parallel_loop3A_1142 = arith.select %parallel_loop3A_1139, %parallel_loop3A_1138, %broadcast_in_dim3A_744 : vector<16xi1>, vector<16xf32>
          %parallel_loop3A_1143 = arith.maximumf %parallel_loop3A_1077, %parallel_loop3A_1142 : vector<16xf32>
          %parallel_loop3A_1144 = arith.index_cast %parallel_loop3A_1062 : i32 to index
          %parallel_loop3A_1145 = arith.constant 112 : index
          %parallel_loop3A_1146 = tpu.vector_load %arg12[%parallel_loop3A_1144, %parallel_loop3A_1145] {strides = array<i32>} : memref<200x128xf32, #tpu.memory_space<vmem>>, vector<1x16xf32>,
          %parallel_loop3A_1147 = vector.shape_cast %parallel_loop3A_1146 : vector<1x16xf32> to vector<16xf32>
          %parallel_loop3A_1148 = arith.cmpi eq, %get3A_779, %parallel_loop3A_1080 : vector<16xi32>
          %parallel_loop3A_1149 = arith.select %parallel_loop3A_1148, %broadcast_in_dim3A_744, %parallel_loop3A_1147 : vector<16xi1>, vector<16xf32>
          %parallel_loop3A_1150 = arith.maximumf %parallel_loop3A_1070, %parallel_loop3A_1149 : vector<16xf32>
          %parallel_loop3A_1151 = arith.select %parallel_loop3A_1148, %parallel_loop3A_1147, %broadcast_in_dim3A_744 : vector<16xi1>, vector<16xf32>
          %parallel_loop3A_1152 = arith.maximumf %parallel_loop3A_1078, %parallel_loop3A_1151 : vector<16xf32>
          scf.yield %parallel_loop3A_1087, %parallel_loop3A_1096, %parallel_loop3A_1105, %parallel_loop3A_1114, %parallel_loop3A_1123, %parallel_loop3A_1132, %parallel_loop3A_1141, %parallel_loop3A_1150, %parallel_loop3A_1089, %parallel_loop3A_1098, %parallel_loop3A_1107, %parallel_loop3A_1116, %parallel_loop3A_1125, %parallel_loop3A_1134, %parallel_loop3A_1143, %parallel_loop3A_1152 : vector<16xf32>, vector<16xf32>, vector<16xf32>, vector<16xf32>, vector<16xf32>, vector<16xf32>, vector<16xf32>, vector<16xf32>, vector<16xf32>, vector<16xf32>, vector<16xf32>, vector<16xf32>, vector<16xf32>, vector<16xf32>, vector<16xf32>, vector<16xf32>
        } {sc.loop_unroll_factor = 1 : i64, sc.parallel_access}
        %swap3A_998 = arith.constant 0 : index
        %swap3A_999 = tpu.vector_load %arg7[%swap3A_998] {strides = array<i32>} : memref<128xf32, #tpu.memory_space<vmem>>, vector<16xf32>,
        %swap3A_1000 = vector.shape_cast %swap3A_999 : vector<16xf32> to vector<16xf32>
        %swap3A_1001 = vector.shape_cast %parallel_loop3A_997#0 : vector<16xf32> to vector<16xf32>
        tpu.vector_store %arg7[%swap3A_998], %swap3A_1001 {strides = array<i32>} : memref<128xf32, #tpu.memory_space<vmem>>, vector<16xf32>,
        %swap3A_1002 = arith.constant 0 : index
        %swap3A_1003 = tpu.vector_load %arg8[%swap3A_1002] {strides = array<i32>} : memref<128xf32, #tpu.memory_space<vmem>>, vector<16xf32>,
        %swap3A_1004 = vector.shape_cast %swap3A_1003 : vector<16xf32> to vector<16xf32>
        %swap3A_1005 = vector.shape_cast %parallel_loop3A_997#8 : vector<16xf32> to vector<16xf32>
        tpu.vector_store %arg8[%swap3A_1002], %swap3A_1005 {strides = array<i32>} : memref<128xf32, #tpu.memory_space<vmem>>, vector<16xf32>,
        %swap3A_1006 = arith.constant 16 : index
        %swap3A_1007 = tpu.vector_load %arg7[%swap3A_1006] {strides = array<i32>} : memref<128xf32, #tpu.memory_space<vmem>>, vector<16xf32>,
        %swap3A_1008 = vector.shape_cast %swap3A_1007 : vector<16xf32> to vector<16xf32>
        %swap3A_1009 = vector.shape_cast %parallel_loop3A_997#1 : vector<16xf32> to vector<16xf32>
        tpu.vector_store %arg7[%swap3A_1006], %swap3A_1009 {strides = array<i32>} : memref<128xf32, #tpu.memory_space<vmem>>, vector<16xf32>,
        %swap3A_1010 = arith.constant 16 : index
        %swap3A_1011 = tpu.vector_load %arg8[%swap3A_1010] {strides = array<i32>} : memref<128xf32, #tpu.memory_space<vmem>>, vector<16xf32>,
        %swap3A_1012 = vector.shape_cast %swap3A_1011 : vector<16xf32> to vector<16xf32>
        %swap3A_1013 = vector.shape_cast %parallel_loop3A_997#9 : vector<16xf32> to vector<16xf32>
        tpu.vector_store %arg8[%swap3A_1010], %swap3A_1013 {strides = array<i32>} : memref<128xf32, #tpu.memory_space<vmem>>, vector<16xf32>,
        %swap3A_1014 = arith.constant 32 : index
        %swap3A_1015 = tpu.vector_load %arg7[%swap3A_1014] {strides = array<i32>} : memref<128xf32, #tpu.memory_space<vmem>>, vector<16xf32>,
        %swap3A_1016 = vector.shape_cast %swap3A_1015 : vector<16xf32> to vector<16xf32>
        %swap3A_1017 = vector.shape_cast %parallel_loop3A_997#2 : vector<16xf32> to vector<16xf32>
        tpu.vector_store %arg7[%swap3A_1014], %swap3A_1017 {strides = array<i32>} : memref<128xf32, #tpu.memory_space<vmem>>, vector<16xf32>,
        %swap3A_1018 = arith.constant 32 : index
        %swap3A_1019 = tpu.vector_load %arg8[%swap3A_1018] {strides = array<i32>} : memref<128xf32, #tpu.memory_space<vmem>>, vector<16xf32>,
        %swap3A_1020 = vector.shape_cast %swap3A_1019 : vector<16xf32> to vector<16xf32>
        %swap3A_1021 = vector.shape_cast %parallel_loop3A_997#10 : vector<16xf32> to vector<16xf32>
        tpu.vector_store %arg8[%swap3A_1018], %swap3A_1021 {strides = array<i32>} : memref<128xf32, #tpu.memory_space<vmem>>, vector<16xf32>,
        %swap3A_1022 = arith.constant 48 : index
        %swap3A_1023 = tpu.vector_load %arg7[%swap3A_1022] {strides = array<i32>} : memref<128xf32, #tpu.memory_space<vmem>>, vector<16xf32>,
        %swap3A_1024 = vector.shape_cast %swap3A_1023 : vector<16xf32> to vector<16xf32>
        %swap3A_1025 = vector.shape_cast %parallel_loop3A_997#3 : vector<16xf32> to vector<16xf32>
        tpu.vector_store %arg7[%swap3A_1022], %swap3A_1025 {strides = array<i32>} : memref<128xf32, #tpu.memory_space<vmem>>, vector<16xf32>,
        %swap3A_1026 = arith.constant 48 : index
        %swap3A_1027 = tpu.vector_load %arg8[%swap3A_1026] {strides = array<i32>} : memref<128xf32, #tpu.memory_space<vmem>>, vector<16xf32>,
        %swap3A_1028 = vector.shape_cast %swap3A_1027 : vector<16xf32> to vector<16xf32>
        %swap3A_1029 = vector.shape_cast %parallel_loop3A_997#11 : vector<16xf32> to vector<16xf32>
        tpu.vector_store %arg8[%swap3A_1026], %swap3A_1029 {strides = array<i32>} : memref<128xf32, #tpu.memory_space<vmem>>, vector<16xf32>,
        %swap3A_1030 = arith.constant 64 : index
        %swap3A_1031 = tpu.vector_load %arg7[%swap3A_1030] {strides = array<i32>} : memref<128xf32, #tpu.memory_space<vmem>>, vector<16xf32>,
        %swap3A_1032 = vector.shape_cast %swap3A_1031 : vector<16xf32> to vector<16xf32>
        %swap3A_1033 = vector.shape_cast %parallel_loop3A_997#4 : vector<16xf32> to vector<16xf32>
        tpu.vector_store %arg7[%swap3A_1030], %swap3A_1033 {strides = array<i32>} : memref<128xf32, #tpu.memory_space<vmem>>, vector<16xf32>,
        %swap3A_1034 = arith.constant 64 : index
        %swap3A_1035 = tpu.vector_load %arg8[%swap3A_1034] {strides = array<i32>} : memref<128xf32, #tpu.memory_space<vmem>>, vector<16xf32>,
        %swap3A_1036 = vector.shape_cast %swap3A_1035 : vector<16xf32> to vector<16xf32>
        %swap3A_1037 = vector.shape_cast %parallel_loop3A_997#12 : vector<16xf32> to vector<16xf32>
        tpu.vector_store %arg8[%swap3A_1034], %swap3A_1037 {strides = array<i32>} : memref<128xf32, #tpu.memory_space<vmem>>, vector<16xf32>,
        %swap3A_1038 = arith.constant 80 : index
        %swap3A_1039 = tpu.vector_load %arg7[%swap3A_1038] {strides = array<i32>} : memref<128xf32, #tpu.memory_space<vmem>>, vector<16xf32>,
        %swap3A_1040 = vector.shape_cast %swap3A_1039 : vector<16xf32> to vector<16xf32>
        %swap3A_1041 = vector.shape_cast %parallel_loop3A_997#5 : vector<16xf32> to vector<16xf32>
        tpu.vector_store %arg7[%swap3A_1038], %swap3A_1041 {strides = array<i32>} : memref<128xf32, #tpu.memory_space<vmem>>, vector<16xf32>,
        %swap3A_1042 = arith.constant 80 : index
        %swap3A_1043 = tpu.vector_load %arg8[%swap3A_1042] {strides = array<i32>} : memref<128xf32, #tpu.memory_space<vmem>>, vector<16xf32>,
        %swap3A_1044 = vector.shape_cast %swap3A_1043 : vector<16xf32> to vector<16xf32>
        %swap3A_1045 = vector.shape_cast %parallel_loop3A_997#13 : vector<16xf32> to vector<16xf32>
        tpu.vector_store %arg8[%swap3A_1042], %swap3A_1045 {strides = array<i32>} : memref<128xf32, #tpu.memory_space<vmem>>, vector<16xf32>,
        %swap3A_1046 = arith.constant 96 : index
        %swap3A_1047 = tpu.vector_load %arg7[%swap3A_1046] {strides = array<i32>} : memref<128xf32, #tpu.memory_space<vmem>>, vector<16xf32>,
        %swap3A_1048 = vector.shape_cast %swap3A_1047 : vector<16xf32> to vector<16xf32>
        %swap3A_1049 = vector.shape_cast %parallel_loop3A_997#6 : vector<16xf32> to vector<16xf32>
        tpu.vector_store %arg7[%swap3A_1046], %swap3A_1049 {strides = array<i32>} : memref<128xf32, #tpu.memory_space<vmem>>, vector<16xf32>,
        %swap3A_1050 = arith.constant 96 : index
        %swap3A_1051 = tpu.vector_load %arg8[%swap3A_1050] {strides = array<i32>} : memref<128xf32, #tpu.memory_space<vmem>>, vector<16xf32>,
        %swap3A_1052 = vector.shape_cast %swap3A_1051 : vector<16xf32> to vector<16xf32>
        %swap3A_1053 = vector.shape_cast %parallel_loop3A_997#14 : vector<16xf32> to vector<16xf32>
        tpu.vector_store %arg8[%swap3A_1050], %swap3A_1053 {strides = array<i32>} : memref<128xf32, #tpu.memory_space<vmem>>, vector<16xf32>,
        %swap3A_1054 = arith.constant 112 : index
        %swap3A_1055 = tpu.vector_load %arg7[%swap3A_1054] {strides = array<i32>} : memref<128xf32, #tpu.memory_space<vmem>>, vector<16xf32>,
        %swap3A_1056 = vector.shape_cast %swap3A_1055 : vector<16xf32> to vector<16xf32>
        %swap3A_1057 = vector.shape_cast %parallel_loop3A_997#7 : vector<16xf32> to vector<16xf32>
        tpu.vector_store %arg7[%swap3A_1054], %swap3A_1057 {strides = array<i32>} : memref<128xf32, #tpu.memory_space<vmem>>, vector<16xf32>,
        %swap3A_1058 = arith.constant 112 : index
        %swap3A_1059 = tpu.vector_load %arg8[%swap3A_1058] {strides = array<i32>} : memref<128xf32, #tpu.memory_space<vmem>>, vector<16xf32>,
        %swap3A_1060 = vector.shape_cast %swap3A_1059 : vector<16xf32> to vector<16xf32>
        %swap3A_1061 = vector.shape_cast %parallel_loop3A_997#15 : vector<16xf32> to vector<16xf32>
        tpu.vector_store %arg8[%swap3A_1058], %swap3A_1061 {strides = array<i32>} : memref<128xf32, #tpu.memory_space<vmem>>, vector<16xf32>,
      } else {
      }
      %lt3A_942 = arith.constant 268 : i32
      %lt3A_943 = arith.cmpi slt, %add3A_741, %lt3A_942 : i32
      %convert_element_type3A_944 = arith.extui %lt3A_943 : i1 to i32
      %cond3A_945 = arith.constant 0 : i32
      %cond3A_946 = arith.cmpi ne, %convert_element_type3A_944, %cond3A_945 : i32
      scf.if %cond3A_946 {
        %add3A_947 = arith.constant 4 : i32
        %add3A_948 = arith.addi %add3A_741, %add3A_947 : i32
        %mul3A_949 = arith.constant 200 : i32
        %mul3A_950 = arith.muli %add3A_948, %mul3A_949 : i32
        %multiple_of3A_951 = tpu.assume_multiple %mul3A_950, 8 : i32
        %dma_start3A_952 = arith.constant 3 : i32
        %dma_start3A_953 = tpu.memref_slice %arg2[%multiple_of3A_951, %multiple_of3A] : memref<100000x4096xf32, #tpu.memory_space<hbm>> -> memref<200x128xf32, #tpu.memory_space<hbm>>
        %dma_start3A_954 = tpu.memref_slice %arg13[%dma_start3A_952] : memref<4x!tpu.dma_semaphore, #tpu.memory_space<semaphore_mem>> -> memref<1x!tpu.dma_semaphore, #tpu.memory_space<semaphore_mem>>
        %dma_start3A_955 = tpu.memref_squeeze %dma_start3A_954 : memref<1x!tpu.dma_semaphore, #tpu.memory_space<semaphore_mem>> -> memref<!tpu.dma_semaphore, #tpu.memory_space<semaphore_mem>>
        %dma_start3A_956 = tpu.memref_slice %arg2[%multiple_of3A_951, %multiple_of3A] : memref<100000x4096xf32, #tpu.memory_space<hbm>> -> memref<200x128xf32, #tpu.memory_space<hbm>>
        tpu.enqueue_dma source(%dma_start3A_956 : memref<200x128xf32, #tpu.memory_space<hbm>>) target(%arg12 : memref<200x128xf32, #tpu.memory_space<vmem>>) target_semaphore(%dma_start3A_955 : memref<!tpu.dma_semaphore, #tpu.memory_space<semaphore_mem>>)
      } else {
      }
    }
    %scan3A_128 = arith.constant 68 : i32
    "tpu.region"() ({
      %run_scoped3A = tpu.sem_alloc : memref<!tpu.dma_semaphore, #tpu.memory_space<semaphore_mem>>
      %dma_start3A_129 = arith.constant 0 : i32
      %dma_start3A_130 = tpu.memref_slice %arg4[%add3A, %dma_start3A_129] : memref<32x128xf32, #tpu.memory_space<hbm>> -> memref<1x128xf32, #tpu.memory_space<hbm>>
      %dma_start3A_131 = tpu.memref_squeeze %dma_start3A_130 : memref<1x128xf32, #tpu.memory_space<hbm>> -> memref<128xf32, #tpu.memory_space<hbm>>
      %dma_start3A_132 = arith.constant 0 : i32
      %dma_start3A_133 = tpu.memref_slice %arg4[%add3A, %dma_start3A_132] : memref<32x128xf32, #tpu.memory_space<hbm>> -> memref<1x128xf32, #tpu.memory_space<hbm>>
      %dma_start3A_134 = tpu.memref_squeeze %dma_start3A_133 : memref<1x128xf32, #tpu.memory_space<hbm>> -> memref<128xf32, #tpu.memory_space<hbm>>
      tpu.enqueue_dma source(%arg7 : memref<128xf32, #tpu.memory_space<vmem>>) target(%dma_start3A_134 : memref<128xf32, #tpu.memory_space<hbm>>) target_semaphore(%run_scoped3A : memref<!tpu.dma_semaphore, #tpu.memory_space<semaphore_mem>>)
      %dma_wait3A = arith.constant 0 : i32
      %dma_wait3A_135 = tpu.memref_slice %arg4[%add3A, %dma_wait3A] : memref<32x128xf32, #tpu.memory_space<hbm>> -> memref<1x128xf32, #tpu.memory_space<hbm>>
      %dma_wait3A_136 = tpu.memref_squeeze %dma_wait3A_135 : memref<1x128xf32, #tpu.memory_space<hbm>> -> memref<128xf32, #tpu.memory_space<hbm>>
      %dma_wait3A_137 = arith.constant 0 : i32
      %dma_wait3A_138 = tpu.memref_slice %arg4[%add3A, %dma_wait3A_137] : memref<32x128xf32, #tpu.memory_space<hbm>> -> memref<1x128xf32, #tpu.memory_space<hbm>>
      %dma_wait3A_139 = tpu.memref_squeeze %dma_wait3A_138 : memref<1x128xf32, #tpu.memory_space<hbm>> -> memref<128xf32, #tpu.memory_space<hbm>>
      tpu.wait_dma2 semaphore(%run_scoped3A : memref<!tpu.dma_semaphore, #tpu.memory_space<semaphore_mem>>) src(%arg7 : memref<128xf32, #tpu.memory_space<vmem>>) dst(%dma_wait3A_139 : memref<128xf32, #tpu.memory_space<hbm>>)
      tpu.yield
    }) : () -> ()
    "tpu.region"() ({
      %run_scoped3A = tpu.sem_alloc : memref<!tpu.dma_semaphore, #tpu.memory_space<semaphore_mem>>
      %dma_start3A_129 = arith.constant 0 : i32
      %dma_start3A_130 = tpu.memref_slice %arg5[%add3A, %dma_start3A_129] : memref<32x128xf32, #tpu.memory_space<hbm>> -> memref<1x128xf32, #tpu.memory_space<hbm>>
      %dma_start3A_131 = tpu.memref_squeeze %dma_start3A_130 : memref<1x128xf32, #tpu.memory_space<hbm>> -> memref<128xf32, #tpu.memory_space<hbm>>
      %dma_start3A_132 = arith.constant 0 : i32
      %dma_start3A_133 = tpu.memref_slice %arg5[%add3A, %dma_start3A_132] : memref<32x128xf32, #tpu.memory_space<hbm>> -> memref<1x128xf32, #tpu.memory_space<hbm>>
      %dma_start3A_134 = tpu.memref_squeeze %dma_start3A_133 : memref<1x128xf32, #tpu.memory_space<hbm>> -> memref<128xf32, #tpu.memory_space<hbm>>
      tpu.enqueue_dma source(%arg8 : memref<128xf32, #tpu.memory_space<vmem>>) target(%dma_start3A_134 : memref<128xf32, #tpu.memory_space<hbm>>) target_semaphore(%run_scoped3A : memref<!tpu.dma_semaphore, #tpu.memory_space<semaphore_mem>>)
      %dma_wait3A = arith.constant 0 : i32
      %dma_wait3A_135 = tpu.memref_slice %arg5[%add3A, %dma_wait3A] : memref<32x128xf32, #tpu.memory_space<hbm>> -> memref<1x128xf32, #tpu.memory_space<hbm>>
      %dma_wait3A_136 = tpu.memref_squeeze %dma_wait3A_135 : memref<1x128xf32, #tpu.memory_space<hbm>> -> memref<128xf32, #tpu.memory_space<hbm>>
      %dma_wait3A_137 = arith.constant 0 : i32
      %dma_wait3A_138 = tpu.memref_slice %arg5[%add3A, %dma_wait3A_137] : memref<32x128xf32, #tpu.memory_space<hbm>> -> memref<1x128xf32, #tpu.memory_space<hbm>>
      %dma_wait3A_139 = tpu.memref_squeeze %dma_wait3A_138 : memref<1x128xf32, #tpu.memory_space<hbm>> -> memref<128xf32, #tpu.memory_space<hbm>>
      tpu.wait_dma2 semaphore(%run_scoped3A : memref<!tpu.dma_semaphore, #tpu.memory_space<semaphore_mem>>) src(%arg8 : memref<128xf32, #tpu.memory_space<vmem>>) dst(%dma_wait3A_139 : memref<128xf32, #tpu.memory_space<hbm>>)
      tpu.yield
    }) : () -> ()
    return
  }
}

module attributes {stable_mosaic.version = 14 : i64} {
  func.func @_tc_body(%arg0: i32, %arg1: memref<400x4096xf32, #tpu.memory_space<vmem>>, %arg2: memref<1x4096xi32, #tpu.memory_space<vmem>>, %arg3: memref<1x4096xf32, #tpu.memory_space<vmem>>, %arg4: memref<1x4096xf32, #tpu.memory_space<vmem>>) attributes {dimension_semantics = [#tpu.dimension_semantics<arbitrary>], iteration_bounds = array<i64: 114>, scalar_prefetch = 0 : i64, scratch_operands = 0 : i64, tpu.core_type = #tpu.core_type<tc>, window_params = [{transform_indices = @transform_0, window_bounds = array<i64: 400, 4096>}, {pipeline_mode = #tpu.pipeline_mode<synchronous>, transform_indices = @transform_1, window_bounds = array<i64: 1, 4096>}, {pipeline_mode = #tpu.pipeline_mode<synchronous>, transform_indices = @transform_2, window_bounds = array<i64: 1, 4096>}, {pipeline_mode = #tpu.pipeline_mode<synchronous>, transform_indices = @transform_3, window_bounds = array<i64: 1, 4096>}]} {
    %get3A = arith.constant 0 : index
    %get3A_0 = arith.constant 0 : index
    %get3A_1 = vector.load %arg1[%get3A, %get3A_0] : memref<400x4096xf32, #tpu.memory_space<vmem>>, vector<400x4096xf32>
    %get3A_2 = arith.constant 0 : index
    %get3A_3 = arith.constant 0 : index
    %get3A_4 = vector.load %arg2[%get3A_2, %get3A_3] : memref<1x4096xi32, #tpu.memory_space<vmem>>, vector<1x4096xi32>
    %iota3A = tpu.iota {dimensions = array<i32: 0>} : vector<400x4096xi32>
    %mul3A = arith.constant 400 : i32
    %mul3A_5 = arith.muli %arg0, %mul3A : i32
    %add3A = arith.constant 54400 : i32
    %add3A_6 = arith.addi %add3A, %mul3A_5 : i32
    %add3A_7 = vector.broadcast %add3A_6 : i32 to vector<400x4096xi32>
    %add3A_8 = arith.addi %iota3A, %add3A_7 : vector<400x4096xi32>
    %eq3A = vector.broadcast %get3A_4 : vector<1x4096xi32> to vector<400x4096xi32>
    %eq3A_9 = arith.cmpi eq, %add3A_8, %eq3A : vector<400x4096xi32>
    %jit3A = arith.constant -1.000000e+10 : f32
    %broadcast_in_dim3A = vector.broadcast %jit3A : f32 to vector<400x4096xf32>
    %select_n3A = arith.select %eq3A_9, %broadcast_in_dim3A, %get3A_1 : vector<400x4096xi1>, vector<400x4096xf32>
    %reduce_max3A = arith.constant dense<0xFF800000> : vector<4096xf32>
    %reduce_max3A_10 = vector.multi_reduction <maximumf>, %select_n3A, %reduce_max3A [0] : vector<400x4096xf32> to vector<4096xf32>
    %broadcast_in_dim3A_11 = vector.shape_cast %reduce_max3A_10 : vector<4096xf32> to vector<1x4096xf32>
    %jit3A_12 = arith.constant -1.000000e+10 : f32
    %broadcast_in_dim3A_13 = vector.broadcast %jit3A_12 : f32 to vector<400x4096xf32>
    %select_n3A_14 = arith.select %eq3A_9, %get3A_1, %broadcast_in_dim3A_13 : vector<400x4096xi1>, vector<400x4096xf32>
    %reduce_max3A_15 = arith.constant dense<0xFF800000> : vector<4096xf32>
    %reduce_max3A_16 = vector.multi_reduction <maximumf>, %select_n3A_14, %reduce_max3A_15 [0] : vector<400x4096xf32> to vector<4096xf32>
    %broadcast_in_dim3A_17 = vector.shape_cast %reduce_max3A_16 : vector<4096xf32> to vector<1x4096xf32>
    %eq3A_18 = arith.constant 0 : i32
    %eq3A_19 = arith.cmpi eq, %arg0, %eq3A_18 : i32
    %convert_element_type3A = arith.extui %eq3A_19 : i1 to i32
    %cond3A = arith.constant 0 : i32
    %cond3A_20 = arith.cmpi ne, %convert_element_type3A, %cond3A : i32
    scf.if %cond3A_20 {
      %swap3A = arith.constant 0 : index
      %swap3A_25 = arith.constant 0 : index
      %swap3A_26 = vector.load %arg3[%swap3A, %swap3A_25] : memref<1x4096xf32, #tpu.memory_space<vmem>>, vector<1x4096xf32>
      tpu.vector_store %arg3[%swap3A, %swap3A_25], %broadcast_in_dim3A_11 {strides = array<i32>} : memref<1x4096xf32, #tpu.memory_space<vmem>>, vector<1x4096xf32>,
      %swap3A_27 = arith.constant 0 : index
      %swap3A_28 = arith.constant 0 : index
      %swap3A_29 = vector.load %arg4[%swap3A_27, %swap3A_28] : memref<1x4096xf32, #tpu.memory_space<vmem>>, vector<1x4096xf32>
      tpu.vector_store %arg4[%swap3A_27, %swap3A_28], %broadcast_in_dim3A_17 {strides = array<i32>} : memref<1x4096xf32, #tpu.memory_space<vmem>>, vector<1x4096xf32>,
    } else {
    }
    %gt3A = arith.constant 0 : i32
    %gt3A_21 = arith.cmpi sgt, %arg0, %gt3A : i32
    %convert_element_type3A_22 = arith.extui %gt3A_21 : i1 to i32
    %cond3A_23 = arith.constant 0 : i32
    %cond3A_24 = arith.cmpi ne, %convert_element_type3A_22, %cond3A_23 : i32
    scf.if %cond3A_24 {
      %get3A_25 = arith.constant 0 : index
      %get3A_26 = arith.constant 0 : index
      %get3A_27 = vector.load %arg3[%get3A_25, %get3A_26] : memref<1x4096xf32, #tpu.memory_space<vmem>>, vector<1x4096xf32>
      %max3A = arith.maximumf %get3A_27, %broadcast_in_dim3A_11 : vector<1x4096xf32>
      %swap3A = arith.constant 0 : index
      %swap3A_28 = arith.constant 0 : index
      %swap3A_29 = vector.load %arg3[%swap3A, %swap3A_28] : memref<1x4096xf32, #tpu.memory_space<vmem>>, vector<1x4096xf32>
      tpu.vector_store %arg3[%swap3A, %swap3A_28], %max3A {strides = array<i32>} : memref<1x4096xf32, #tpu.memory_space<vmem>>, vector<1x4096xf32>,
      %get3A_30 = arith.constant 0 : index
      %get3A_31 = arith.constant 0 : index
      %get3A_32 = vector.load %arg4[%get3A_30, %get3A_31] : memref<1x4096xf32, #tpu.memory_space<vmem>>, vector<1x4096xf32>
      %max3A_33 = arith.maximumf %get3A_32, %broadcast_in_dim3A_17 : vector<1x4096xf32>
      %swap3A_34 = arith.constant 0 : index
      %swap3A_35 = arith.constant 0 : index
      %swap3A_36 = vector.load %arg4[%swap3A_34, %swap3A_35] : memref<1x4096xf32, #tpu.memory_space<vmem>>, vector<1x4096xf32>
      tpu.vector_store %arg4[%swap3A_34, %swap3A_35], %max3A_33 {strides = array<i32>} : memref<1x4096xf32, #tpu.memory_space<vmem>>, vector<1x4096xf32>,
    } else {
    }
    return
  }
  func.func @transform_0(%arg0: i32) -> (i32, i32) {
    %add3A = arith.constant 136 : i32
    %add3A_0 = arith.addi %add3A, %arg0 : i32
    %c0_i32 = arith.constant 0 : i32
    %c0_i32_1 = arith.constant 0 : i32
    return %add3A_0, %c0_i32 : i32, i32
  }
  func.func @transform_1(%arg0: i32) -> (i32, i32) {
    %c0_i32 = arith.constant 0 : i32
    %c0_i32_0 = arith.constant 0 : i32
    %c0_i32_1 = arith.constant 0 : i32
    return %c0_i32, %c0_i32_0 : i32, i32
  }
  func.func @transform_2(%arg0: i32) -> (i32, i32) {
    %c0_i32 = arith.constant 0 : i32
    %c0_i32_0 = arith.constant 0 : i32
    %c0_i32_1 = arith.constant 0 : i32
    return %c0_i32, %c0_i32_0 : i32, i32
  }
  func.func @transform_3(%arg0: i32) -> (i32, i32) {
    %c0_i32 = arith.constant 0 : i32
    %c0_i32_0 = arith.constant 0 : i32
    %c0_i32_1 = arith.constant 0 : i32
    return %c0_i32, %c0_i32_0 : i32, i32
  }
}

module attributes {stable_mosaic.version = 14 : i64} {
  func.func @_combine_body(%arg0: memref<1x4096xf32, #tpu.memory_space<vmem>>, %arg1: memref<1x4096xf32, #tpu.memory_space<vmem>>, %arg2: memref<1x4096xf32, #tpu.memory_space<vmem>>, %arg3: memref<1x4096xf32, #tpu.memory_space<vmem>>, %arg4: memref<1x1xf32, #tpu.memory_space<vmem>>) attributes {dimension_semantics = [], scalar_prefetch = 0 : i64, scratch_operands = 0 : i64, tpu.core_type = #tpu.core_type<tc>} {
    %get3A = arith.constant 0 : index
    %get3A_0 = arith.constant 0 : index
    %get3A_1 = vector.load %arg0[%get3A, %get3A_0] : memref<1x4096xf32, #tpu.memory_space<vmem>>, vector<1x4096xf32>
    %get3A_2 = arith.constant 0 : index
    %get3A_3 = arith.constant 0 : index
    %get3A_4 = vector.load %arg2[%get3A_2, %get3A_3] : memref<1x4096xf32, #tpu.memory_space<vmem>>, vector<1x4096xf32>
    %max3A = arith.maximumf %get3A_1, %get3A_4 : vector<1x4096xf32>
    %get3A_5 = arith.constant 0 : index
    %get3A_6 = arith.constant 0 : index
    %get3A_7 = vector.load %arg1[%get3A_5, %get3A_6] : memref<1x4096xf32, #tpu.memory_space<vmem>>, vector<1x4096xf32>
    %get3A_8 = arith.constant 0 : index
    %get3A_9 = arith.constant 0 : index
    %get3A_10 = vector.load %arg3[%get3A_8, %get3A_9] : memref<1x4096xf32, #tpu.memory_space<vmem>>, vector<1x4096xf32>
    %max3A_11 = arith.maximumf %get3A_7, %get3A_10 : vector<1x4096xf32>
    %sub3A = arith.constant 2.000000e+00 : f32
    %sub3A_12 = vector.broadcast %sub3A : f32 to vector<1x4096xf32>
    %sub3A_13 = arith.subf %sub3A_12, %max3A_11 : vector<1x4096xf32>
    %max3A_14 = arith.constant 0.000000e+00 : f32
    %max3A_15 = vector.broadcast %max3A_14 : f32 to vector<1x4096xf32>
    %max3A_16 = arith.maximumf %sub3A_13, %max3A_15 : vector<1x4096xf32>
    %add3A = arith.constant 1.000000e+00 : f32
    %add3A_17 = vector.broadcast %add3A : f32 to vector<1x4096xf32>
    %add3A_18 = arith.addf %add3A_17, %max3A : vector<1x4096xf32>
    %max3A_19 = arith.constant 0.000000e+00 : f32
    %max3A_20 = vector.broadcast %max3A_19 : f32 to vector<1x4096xf32>
    %max3A_21 = arith.maximumf %add3A_18, %max3A_20 : vector<1x4096xf32>
    %add3A_22 = arith.addf %max3A_16, %max3A_21 : vector<1x4096xf32>
    %reduce_sum3A = vector.shape_cast %add3A_22 : vector<1x4096xf32> to vector<1x1x4096xf32>
    %reduce_sum3A_23 = arith.constant dense<0.000000e+00> : vector<1xf32>
    %reduce_sum3A_24 = vector.multi_reduction <add>, %reduce_sum3A, %reduce_sum3A_23 [1, 2] : vector<1x1x4096xf32> to vector<1xf32>
    %reduce_sum3A_25 = vector.shape_cast %reduce_sum3A_24 : vector<1xf32> to vector<1x1x1xf32>
    %reduce_sum3A_26 = vector.extract %reduce_sum3A_25[0, 0, 0] : f32 from vector<1x1x1xf32>
    %reshape3A = vector.broadcast %reduce_sum3A_26 : f32 to vector<1x1xf32>
    %mul3A = arith.constant 2.44140625E-4 : f32
    %mul3A_27 = vector.broadcast %mul3A : f32 to vector<1x1xf32>
    %mul3A_28 = arith.mulf %reshape3A, %mul3A_27 : vector<1x1xf32>
    %swap3A = arith.constant 0 : index
    %swap3A_29 = arith.constant 0 : index
    %swap3A_30 = vector.load %arg4[%swap3A, %swap3A_29] : memref<1x1xf32, #tpu.memory_space<vmem>>, vector<1x1xf32>
    tpu.vector_store %arg4[%swap3A, %swap3A_29], %mul3A_28 {strides = array<i32>} : memref<1x1xf32, #tpu.memory_space<vmem>>, vector<1x1xf32>,
    return
  }
}

</mosaic_0001>

<sc_bundles>
// kernel: _sc_loss.5.cloned.1.call-start
scs
__scs_entry_jumppad:
0x0: {  	(pc) =	sbr.rel $0x88, $3  }
0x1: {  	(tag) =	ssettag $0x0;
	lr =	simm.s32 $0x1  }
0x2: {  	[smem:$0x3F9F] =	sst lr;
	_ =	strace $0xD0000000  }
0x3: {  	_ = 	snop  }
0x4: {  	_ = 	snop  }
0x5: {  	_ = 	snop  }
0x6: {  	_ = 	snop  }
0x7: {  	_ = 	snop  }
__scs_overlays_trampoline_lowered:
0x8: {  	[smem:$0x3FAE] =	sst s0  }
0x9: {  	[smem:$0x3FAF] =	sst s1  }
0xa: {  	[smem:$0x3FB0] =	sst s2  }
0xb: {  	[smem:$0x3FB1] =	sst s3  }
0xc: {  	[smem:$0x3FB2] =	sst s4  }
0xd: {  	[smem:$0x3FB3] =	sst s5  }
0xe: {  	[smem:$0x3FB4] =	sst s6  }
0xf: {  	[smem:$0x3FB5] =	sst s7  }
0x10: {  	[smem:$0x3FB6] =	sst s8  }
0x11: {  	[smem:$0x3FB7] =	sst s9;
	s0 =	simm.s32 @!p0 $0x0  }
0x12: {  	s1 =	sld [smem:$0x3F9D];
	s0 =	simm.s32 @p0 $0x1  }
0x13: {  	[smem:$0x3FB8] =	sst s0;
	s0 =	simm.s32 @!p1 $0x0  }
0x14: {  	s2 =	sld [smem:$0x3F9C];
	s0 =	simm.s32 @p1 $0x1  }
0x15: {  	[smem:$0x3FB9] =	sst s0;
	s0 =	simm.s32 @!p2 $0x0  }
0x16: {  	s3 =	sld [smem:$0x3FDB];
	s0 =	simm.s32 @p2 $0x1  }
0x17: {  	s4 =	simm.s32 $0x1BF5;
	[smem:$0x3FBB] =	sst s0  }
0x18: {  	s0 =	sld [smem:$0x3F9E];
	_ =	swait.ge [sflag:s4], $0x0  }
0x19: {  	s7 =	sld [smem:$0x3F9F]  }
0x1a: {  	s8 =	sadd.s32 $0xFFFFE003, lr  }
0x1b: {  	s9 =	sadd.s32 $0xFFFFFEF7, lr;
	s5 =	simm.s32 $0xFFFFFFFF;
	p2 =	slt.u32 s8, $0xFFFFF086  }
0x1c: {  	p1 =	slt.u32 s9, $0xF7A;
	s5 =	simm.s32 @!p2 $0x0  }
0x1d: {  	s5 =	simm.s32 @p1 $0x1;
	p0 =	seq.s32 s7, s2  }
0x1e: {  	s7 =	smul.u32 @!p0 $0xF7A, s2;
	p2 =	seq.s32 @!p0 s5, $0x0  }
0x1f: {  	s9 =	smul.u32 $0xF7A, s1;
	s8 =	simm.s32 @!p0 $0x1BF5;
	p2 =	por !p2, p0  }
0x20: {  	[sflag:s8] =	ssyncset.s32 @!p0 $0xFFFFF086;
	s6 =	sadd.s32 @!p0 s3, s7;
	s7 =	simm.s32 @!p0 $0x108  }
0x21: {  	s3 =	sadd.s32 s3, s9;
	s6 =	sadd.s32 @!p0 $0x88, s6;
	s7 =	simm.s32 @p2 $0x1082  }
0x22: {  	[simem:s7], [sflag:s8] =	dma.local @!p0 [hbm:s6], $0xF7A  }
0x23: {  	s9 =	sor.u32 $0xD0000000, s2;
	s6 =	simm.s32 $0x108;
	_ =	swait.ge @!p0 [sflag:s8], $0x0  }
0x24: {  	s3 =	sadd.s32 $0x88, s3;
	s6 =	simm.s32 @!p1 $0x1082;
	[sflag:s4] =	ssyncset.s32 $0xFFFFF086  }
0x25: {  	[simem:s6], [sflag:s4] =	dma.local [hbm:s3], $0xF7A  }
0x26: {  	[smem:$0x3F9F] =	sst s1;
	(tag) =	ssettag s2;
	_ =	strace s9  }
0x27: {  	s1 =	sld [smem:$0x3FAF]  }
0x28: {  	s2 =	sld [smem:$0x3FB0]  }
0x29: {  	s4 =	sld [smem:$0x3FB2]  }
0x2a: {  	p0 =	seq.s32 s5, $0x0;
	s5 =	sld [smem:$0x3FB3]  }
0x2b: {  	s6 =	sld [smem:$0x3FB4]  }
0x2c: {  	s7 =	sld [smem:$0x3FB5]  }
0x2d: {  	s3 =	simm.s32 $0x108;
	s8 =	sld [smem:$0x3FB6]  }
0x2e: {  	s3 =	simm.s32 @!p0 $0x1082;
	s9 =	sld [smem:$0x3FB7]  }
0x2f: {  	lr =	sadd.s32 s0, s3;
	s0 =	sld [smem:$0x3FAE]  }
0x30: {  	s3 =	sld [smem:$0x3FB1]  }
0x31: {  	[smem:$0x3FBA] =	sst s10  }
0x32: {  	s10 =	sld [smem:$0x3FB8];
	_ =	sdelay $0x3  }
0x33: {  	p0 =	seq.s32 s10, $0x1;
	s10 =	sld [smem:$0x3FBA];
	_ =	sdelay $0x3  }
0x34: {  	[smem:$0x3FBA] =	sst s10  }
0x35: {  	s10 =	sld [smem:$0x3FB9];
	_ =	sdelay $0x3  }
0x36: {  	p1 =	seq.s32 s10, $0x1;
	s10 =	sld [smem:$0x3FBA];
	_ =	sdelay $0x3  }
0x37: {  	[smem:$0x3FBA] =	sst s10  }
0x38: {  	s10 =	sld [smem:$0x3FBB]  }
0x39: {  	_ = 	snop;
	(pc) =	sbr.ind lr, $3  }
0x3a: {  	_ = 	snop  }
0x3b: {  	_ = 	snop  }
0x3c: {  	p2 =	seq.s32 s10, $0x1;
	s10 =	sld [smem:$0x3FBA]  }
0x3d: {  	_ =	shalt  }
0x3e: {  	_ =	shalt  }
0x3f: {  	_ =	shalt  }
0x40: {  	_ =	shalt  }
0x41: {  	_ =	shalt  }
0x42: {  	_ =	shalt  }
0x43: {  	_ =	shalt  }
0x44: {  	_ =	shalt  }
0x45: {  	_ =	shalt  }
0x46: {  	_ =	shalt  }
0x47: {  	_ =	shalt  }
0x48: {  	_ =	shalt  }
0x49: {  	_ =	shalt  }
0x4a: {  	_ =	shalt  }
0x4b: {  	_ =	shalt  }
0x4c: {  	_ =	shalt  }
0x4d: {  	_ =	shalt  }
0x4e: {  	_ =	shalt  }
0x4f: {  	_ =	shalt  }
0x50: {  	_ =	shalt  }
0x51: {  	_ =	shalt  }
0x52: {  	_ =	shalt  }
0x53: {  	_ =	shalt  }
0x54: {  	_ =	shalt  }
0x55: {  	_ =	shalt  }
0x56: {  	_ =	shalt  }
0x57: {  	_ =	shalt  }
0x58: {  	_ =	shalt  }
0x59: {  	_ =	shalt  }
0x5a: {  	_ =	shalt  }
0x5b: {  	_ =	shalt  }
0x5c: {  	_ =	shalt  }
0x5d: {  	_ =	shalt  }
0x5e: {  	_ =	shalt  }
0x5f: {  	_ =	shalt  }
0x60: {  	_ =	shalt  }
0x61: {  	_ =	shalt  }
0x62: {  	_ =	shalt  }
0x63: {  	_ =	shalt  }
0x64: {  	_ =	shalt  }
0x65: {  	_ =	shalt  }
0x66: {  	_ =	shalt  }
0x67: {  	_ =	shalt  }
0x68: {  	_ =	shalt  }
0x69: {  	_ =	shalt  }
0x6a: {  	_ =	shalt  }
0x6b: {  	_ =	shalt  }
0x6c: {  	_ =	shalt  }
0x6d: {  	_ =	shalt  }
0x6e: {  	_ =	shalt  }
0x6f: {  	_ =	shalt  }
0x70: {  	_ =	shalt  }
0x71: {  	_ =	shalt  }
0x72: {  	_ =	shalt  }
0x73: {  	_ =	shalt  }
0x74: {  	_ =	shalt  }
0x75: {  	_ =	shalt  }
0x76: {  	_ =	shalt  }
0x77: {  	_ =	shalt  }
0x78: {  	_ =	shalt  }
0x79: {  	_ =	shalt  }
0x7a: {  	_ =	shalt  }
0x7b: {  	_ =	shalt  }
0x7c: {  	_ =	shalt  }
0x7d: {  	_ =	shalt  }
0x7e: {  	_ =	shalt  }
0x7f: {  	_ =	shalt  }
0x80: {  	_ =	shalt  }
0x81: {  	_ =	shalt  }
0x82: {  	_ =	shalt  }
0x83: {  	_ =	shalt  }
0x84: {  	_ =	shalt  }
0x85: {  	_ =	shalt  }
0x86: {  	_ =	shalt  }
0x87: {  	_ =	shalt  }
.Lfunc_end0:
.L_simem_size_0:
called_computation_lowered:
.L_overlay_start_0:
0x88: {  	s2 =	sld [smem:$0x3FD9]  }
0x89: {  	s3 =	sld [smem:$0x3FFE];
	_ =	sdelay $0x1  }
0x8a: {  	s1 =	srdreg.scid  }
0x8b: {  	s0 =	sand.u32 $0x1, s1  }
0x8c: {  	s17 =	sshll.u32 s0, $0xA;
	s2 =	sadd.s32 s3, s2  }
0x8d: {  	s2 =	sadd.s32 s2, s17  }
0x8e: {  	[smem:$0x3FC6] =	sst s2  }
0x8f: {  	_ = 	snop  }
0x90: {  	s2 =	sld [smem:$0x3FC9]  }
0x91: {  	s18 =	sld [smem:$0x3FC8];
	(tm) =	ssettm $0x1  }
0x92: {  	s4 =	sld [smem:$0x3FFB];
	_ =	sdelay $0x3  }
0x93: {  	_ =	strace s4  }
0x94: {  	s4 =	sld [smem:$0x3FFC];
	_ =	sdelay $0x3  }
0x95: {  	_ =	strace s4  }
0x96: {  	s4 =	sld [smem:$0x3FFD];
	_ =	sdelay $0x3  }
0x97: {  	_ =	strace s4  }
0x98: {  	_ =	strace $0x8FFFFFFF  }
0x99: {  	s19 =	sld [smem:$0x3FDB];
	_ =	sdelay $0x1  }
0x9a: {  	s5 =	simm.s32 $_scs_section_size  }
0x9b: {  	s6 =	simm.s32 $_size__tile_overlayer_lowered;
	s7 =	simm.s32 $_tile_overlayer_lowered  }
0x9c: {  	s22 =	simm.s32 $0x1BFF;
	s21 =	sshll.u32 s7, $0x1;
	s4 =	sadd.s32 s5, s19  }
0x9d: {  	s8 =	simm.s32 $0x0;
	s20 =	sshll.u32 s6, $0x1;
	s6 =	sadd.s32 s21, s4  }
0x9e: {  	[timem:s8], [sflag:s22] =	dma.local [hbm:s6], s20  }
0x9f: {  	_ =	swait.ge [sflag:s22], s20  }
0xa0: {  	s5 =	ssub.s32 $0x0, s20;
	[sflag:s22] =	ssyncset.done $0x0  }
0xa1: {  	[sflag:s22] =	ssyncadd.s32 s5;
	_ =	sdelay $0x1  }
0xa2: {  	s23 =	simm.s32 $0x1B8B  }
0xa3: {  	_ =	swait.ge [sflag:s23], $0x1  }
0xa4: {  	[sflag:s23] =	ssyncset.done $0x0  }
0xa5: {  	s25 =	simm.s32 $0x1B8E;
	s24 =	sld [smem:$0x3FFE];
	[sflag:s23] =	ssyncadd.s32 $0xFFFFFFFF  }
0xa6: {  	s26 =	simm.s32 $execute0_lowered;
	[smem:$0x3FD2] =	sst s25  }
0xa7: {  	s6 =	sshll.u32 s26, $0x1;
	_ =	strace $0x80000046;
	[dreg:$0x1] =	wrdreg $0xFFFFFFFF  }
0xa8: {  	s28 =	simm.s32 $_size_execute0_lowered;
	s4 =	sadd.s32 s4, s6;
	[dreg:$0x0] =	wrdreg $0x0  }
0xa9: {  	s6 =	sshll.u32 s28, $0x1;
	[dreg:$0x2] =	wrdreg s4  }
0xaa: {  	[dreg:$0x3] =	wrdreg s6  }
0xab: {  	[dreg:$0x4] =	wrdreg $0xC0  }
0xac: {  	_ =	task [dreg:s8], $0x5FFFF  }
0xad: {  	[dreg:$0x1] =	wrdreg $0xFFFFFFFF  }
0xae: {  	[dreg:$0x0] =	wrdreg $0x60  }
0xaf: {  	[dreg:$0x2] =	wrdreg s2  }
0xb0: {  	[dreg:$0x3] =	wrdreg s18  }
0xb1: {  	[dreg:$0x4] =	wrdreg s24  }
0xb2: {  	[dreg:$0x5] =	wrdreg $0x9  }
0xb3: {  	_ =	task.clear_ibuf [dreg:s8], $0x6FFFF;
	_ =	strace $0x90000046  }
0xb4: {  	s29 =	simm.s32 $0x9;
	_ =	strace $0x80000048  }
0xb5: {  	_ =	swait.ge [sflag:s29], $0x1  }
0xb6: {  	[sflag:s29] =	ssyncadd.s32 $0xFFFFFFFF  }
0xb7: {  	_ =	strace $0x90000048  }
0xb8: {  	_ =	sfence  }
0xb9: {  	s30 =	sld [smem:$0x0];
	_ =	sdelay $0x2  }
0xba: {  	s31 =	sshll.u32 s1, $0xD;
	s1 =	sshrl.u32 s1, $0x2  }
0xbb: {  	s3 =	sand.u32 $0x4000, s31;
	s1 =	sadd.s32 s1, s30  }
0xbc: {  	s0 =	sor.u32 s3, s0;
	s1 =	sshll.u32 s1, $0x11  }
0xbd: {  	s0 =	sor.u32 s1, s0  }
0xbe: {  	s0 =	sadd.s32 $0x8F2B, s0  }
0xbf: {  	[sflag:s0] =	ssyncadd.remote.s32 $0x1  }
0xc0: {  	_ =	sfence.sel $0xFFFF  }
0xc1: {  	[dreg:$0x0] =	wrdreg $0xFFFFFFFF;
	(pc) =	sbr.abs _section_cstart, $3  }
0xc2: {  	[dreg:$0x1] =	wrdreg $0xFFFFFFFF  }
0xc3: {  	_ =	task.clear_ibuf [dreg:s8], $0x2FFFF;
	_ =	strace $0x9FFFFFFF  }
0xc4: {  	(tm) =	ssettm $0x7FFFFFFF  }
0xc5: {  	_ =	shalt  }
tec
execute0_lowered:
.L_overlay_start_1:
0x0: {  	(tag) =	ssettag $0x1  }
0x1: {  	s1 =	rddreg [dreg:$0x0]  }
0x2: {  	s0 =	rddreg [dreg:$0x1]  }
0x3: {  	s2 =	rddreg [dreg:$0x2];
	s4 =	srdreg.scid  }
0x4: {  	s5 =	stileid.u32;
	s3 =	simm.s32 $0x0;
	s16 =	simm.s32 $0x5  }
0x5: {  	s17 =	simm.s32 $0x400;
	s18 =	simm.s32 $0x8000;
	s22 =	simm.s32 $0x12D80  }
0x6: {  	v0 =	vimm.s32 $0xFEDCBA98;
	v1 =	vimm.s32 $0x76543210;
	s23 =	simm.s32 $0x1;
	s24 =	simm.s32 $0x2;
	s25 =	simm.s32 $0x3  }
0x7: {  	v2 =	vimm.s32 $0xBA98FEDC;
	v3 =	vimm.s32 $0x32107654;
	v4 =	vimm.s32 $0xDCFE98BA;
	s26 =	simm.s32 $0x4;
	s4 =	sand.u32 $0x1, s4;
	s5 =	sshll.u32 s5, $0x1  }
0x8: {  	v5 =	vimm.s32 $0x54761032;
	v6 =	vimm.s32 $0xEFCDAB89;
	s30 =	simm.s32 $0x0;
	[smem:$0x7FF] =	sst s3;
	s5 =	sor.u32 s4, s5  }
0x9: {  	v7 =	vimm.s32 $0x67452301;
	v0 =	vunpack.c.l.s4.s8 v0;
	v1 =	vunpack.c.l.s4.s8 v1;
	_ =	strace $0x80000047;
	s14 =	ssub.s32 $0x2, s4;
	s6 =	sshll.u32 s5, $0x4  }
0xa: {  	v2 =	vunpack.c.l.s4.s8 v2;
	v3 =	vunpack.c.l.s4.s8 v3;
	v4 =	vunpack.c.l.s4.s8 v4;
	s7 =	sshll.u32 s5, $0x7;
	s5 =	sshll.u32 s5, $0xA;
	s15 =	sshrl.u32 s14, $0x1  }
0xb: {  	v5 =	vunpack.c.l.s4.s8 v5;
	v6 =	vunpack.c.l.s4.s8 v6;
	v7 =	vunpack.c.l.s4.s8 v7;
	s4 =	sadd.s32 s1, s7;
	s8 =	sor.u32 $0x320000, s5;
	s9 =	sor.u32 $0x3E8000, s5  }
.Ltmp0:
0xc: {  	v0 =	vunpack.c.0.s8.s32 v0;
	v1 =	vunpack.c.0.s8.s32 v1;
	v2 =	vunpack.c.0.s8.s32 v2;
	s10 =	sor.u32 $0x4B0000, s5;
	s2 =	sadd.s32 s6, s2;
	(pc) =	sbr.rel .LBB2_1-.Ltmp0, $4  }
0xd: {  	v3 =	vunpack.c.0.s8.s32 v3;
	v4 =	vunpack.c.0.s8.s32 v4;
	v5 =	vunpack.c.0.s8.s32 v5;
	s11 =	sor.u32 $0x578000, s5;
	s31 =	ssub.s32 s14, s15;
	s7 =	sadd.s32 $0x19000, s4  }
0xe: {  	v6 =	vunpack.c.0.s8.s32 v6;
	v7 =	vunpack.c.0.s8.s32 v7;
	s14 =	sadd.s32 s0, s6;
	s28 =	sadd.s32 $0x32000, s4;
	v0 =	vand.u32 $0xF, v0;
	[dreg:$0x4] =	wrdreg s7  }
0xf: {  	s29 =	sadd.s32 $0x4B000, s4;
	s12 =	sadd.s32 $0x1000, s2;
	[dreg:$0x5] =	wrdreg s28;
	v0 =	vcombine.low v0, v1;
	v1 =	vcombine.low v3, v2;
	v2 =	vimm.f32 $-1.000000000e+10  }
0x10: {  	s13 =	sadd.s32 $0x1200, s2;
	s15 =	smax.u32 s31, $0x1;
	[dreg:$0x6] =	wrdreg s29;
	v3 =	vcombine.low v5, v4;
	v4 =	vimm.f32 $0.0e+00;
	v5 =	vcombine.low v7, v6  }
.LBB2_32:
0x11: {  	s0 =	simm.s32 $0x80  }
0x12: {  	[hbm4b:s12+s3] =	stream.linear.scatter [tilespmem:s0], [sflag:$0x5], $0x80, $0x38;
	[tilespmem:$0x19180] =	vst v63  }
0x13: {  	s30 =	sadd.s32 $0x1, s30;
	_ =	swait.ge [sflag:s16], $0x80  }
0x14: {  	p0 =	sne.s32 s30, s15;
	[sflag:s16] =	ssyncset.done $0x0  }
.Ltmp1:
0x15: {  	s31 =	simm.s32 $0x100;
	[sflag:s16] =	ssyncadd.s32 $0xFFFFFF80;
	(pc) =	sbr.rel @!p0 .LBB2_33-.Ltmp1, $4  }
0x16: {  	[hbm4b:s13+s3] =	stream.linear.scatter [tilespmem:s31], [sflag:$0x5], $0x80, $0x38;
	[tilespmem:$0x19180] =	vst v63  }
0x17: {  	_ =	swait.ge [sflag:s16], $0x80  }
0x18: {  	[sflag:s16] =	ssyncset.done $0x0  }
0x19: {  	[sflag:s16] =	ssyncadd.s32 $0xFFFFFF80  }
.LBB2_1:
0x1a: {  	[tilespmem:s3], [sflag:$0x5] =	stream.linear.gather [hbm4b:s14+s3], $0x80, $0x38;
	[tilespmem:$0x19180] =	vst v63  }
0x1b: {  	_ =	swait.ge [sflag:s16], $0x80  }
0x1c: {  	[sflag:s16] =	ssyncset.done $0x0  }
0x1d: {  	[sflag:s16] =	ssyncadd.s32 $0xFFFFFF80  }
0x1e: {  	[tilespmem:$0x80] =	vst v2  }
0x1f: {  	[tilespmem:$0x100] =	vst v2  }
0x20: {  	[tilespmem:$0x90] =	vst v2  }
0x21: {  	[tilespmem:$0x110] =	vst v2  }
0x22: {  	[tilespmem:$0xA0] =	vst v2  }
0x23: {  	[tilespmem:$0x120] =	vst v2  }
0x24: {  	[tilespmem:$0xB0] =	vst v2  }
0x25: {  	[tilespmem:$0x130] =	vst v2  }
0x26: {  	[tilespmem:$0xC0] =	vst v2  }
0x27: {  	[tilespmem:$0x140] =	vst v2  }
0x28: {  	[tilespmem:$0xD0] =	vst v2  }
0x29: {  	[tilespmem:$0x150] =	vst v2  }
0x2a: {  	[tilespmem:$0xE0] =	vst v2  }
0x2b: {  	[tilespmem:$0x160] =	vst v2  }
0x2c: {  	[tilespmem:$0xF0] =	vst v2  }
0x2d: {  	s0 =	simm.s32 $0x180;
	s20 =	rddreg [dreg:$0x4];
	[tilespmem:$0x170] =	vst v2  }
0x2e: {  	[tilespmem:s0], [sflag:$0x1] =	stream.strided.gather [hbm4b:s4+s17], $0x6400, s18, s17, $0x38;
	[tilespmem:$0x19180] =	vst v63  }
0x2f: {  	s2 =	simm.s32 $0x6580;
	s28 =	simm.s32 $0xC980;
	s21 =	rddreg [dreg:$0x5]  }
0x30: {  	[tilespmem:s2], [sflag:$0x2] =	stream.strided.gather [hbm4b:s20+s17], $0x6400, s18, s17, $0x38;
	[tilespmem:$0x19180] =	vst v63  }
0x31: {  	s31 =	simm.s32 $0xC8;
	s19 =	simm.s32 $0x0;
	s29 =	rddreg [dreg:$0x6]  }
0x32: {  	[tilespmem:s28], [sflag:$0x3] =	stream.strided.gather [hbm4b:s21+s17], $0x6400, s18, s17, $0x38;
	[tilespmem:$0x19180] =	vst v63  }
0x33: {  	s0 =	simm.s32 $0x190;
	s2 =	simm.s32 $0x258;
	s20 =	simm.s32 $0x0  }
0x34: {  	[tilespmem:s22], [sflag:$0x4] =	stream.strided.gather [hbm4b:s29+s17], $0x6400, s18, s17, $0x38;
	[tilespmem:$0x19180] =	vst v63  }
.LBB2_2:
0x35: {  	_ =	swait.ge [sflag:s23], $0x6400  }
0x36: {  	[sflag:s23] =	ssyncset.done $0x0  }
0x37: {  	[sflag:s23] =	ssyncadd.s32 $0xFFFF9C00  }
0x38: {  	v17 =	vld [tilespmem:$0x0]  }
0x39: {  	v16 =	vld [tilespmem:$0x10];
	_ =	sdelay $0x1  }
0x3a: {  	s21 =	smul.u32 $0x320, s20;
	v14 =	vld [tilespmem:$0x20];
	_ =	sdelay $0x1  }
0x3b: {  	v6 =	vmov s21;
	v12 =	vld [tilespmem:$0x30]  }
0x3c: {  	v7 =	vsub.s32 v17, v6;
	v8 =	vsub.s32 v16, v6  }
0x3d: {  	v11 =	vld [tilespmem:$0x40];
	vm0 =	vlt.u32 v7, $0xC8;
	vm1 =	vlt.u32 v8, $0xC8  }
0x3e: {  	v9 =	vsub.s32 v14, v6;
	v7 =	vsel vm0, $0x3F800000, v4;
	v8 =	vsel vm1, $0x3F800000, v4  }
0x3f: {  	v10 =	vld [tilespmem:$0x50];
	vm10 =	vlt.u32 v9, $0xC8;
	v7 =	vadd.f32 v8, v7  }
0x40: {  	v13 =	vsub.s32 v12, v6;
	v8 =	vsel vm10, $0x3F800000, v4  }
0x41: {  	v9 =	vld [tilespmem:$0x60];
	vm11 =	vlt.u32 v13, $0xC8;
	v7 =	vadd.f32 v8, v7  }
0x42: {  	v15 =	vsub.s32 v11, v6;
	v13 =	vsel vm11, $0x3F800000, v4  }
0x43: {  	vm12 =	vlt.u32 v15, $0xC8;
	v8 =	vld [tilespmem:$0x70];
	v7 =	vadd.f32 v13, v7  }
0x44: {  	v15 =	vsub.s32 v10, v6;
	v13 =	vsel vm12, $0x3F800000, v4  }
0x45: {  	vm13 =	vlt.u32 v15, $0xC8;
	v7 =	vadd.f32 v13, v7  }
0x46: {  	v15 =	vsub.s32 v9, v6;
	v13 =	vsel vm13, $0x3F800000, v4  }
0x47: {  	vm14 =	vlt.u32 v15, $0xC8;
	v7 =	vadd.f32 v13, v7  }
0x48: {  	v6 =	vsub.s32 v8, v6;
	v13 =	vsel vm14, $0x3F800000, v4  }
0x49: {  	vm15 =	vlt.u32 v6, $0xC8;
	v7 =	vadd.f32 v13, v7  }
0x4a: {  	v6 =	vsel vm15, $0x3F800000, v4  }
0x4b: {  	v6 =	vadd.f32 v6, v7;
	_ =	sdelay $0x1  }
0x4c: {  	v7 =	vperm.xlane v6, v0;
	_ =	sdelay $0x1  }
0x4d: {  	v6 =	vmax.f32 v6, v7  }
0x4e: {  	v7 =	vperm.xlane v6, v1;
	_ =	sdelay $0x1  }
0x4f: {  	v6 =	vmax.f32 v6, v7  }
0x50: {  	v7 =	vperm.xlane v6, v3;
	_ =	sdelay $0x1  }
0x51: {  	v6 =	vmax.f32 v6, v7  }
0x52: {  	v7 =	vperm.xlane v6, v5;
	_ =	sdelay $0x1  }
0x53: {  	v6 =	vmax.f32 v6, v7  }
0x54: {  	(v2sf) =	vpush v6, $0x0;
	_ =	sdelay $0xd  }
0x55: {  	v20 =	vld [tilespmem:$0xA0]  }
0x56: {  	v21 =	vld [tilespmem:$0xB0];
	s5 =	spop (v2sf)  }
0x57: {  	v13 =	vld [tilespmem:$0xC0];
	p0 =	sgt.f32 s5, $5.000000000e-01  }
.Ltmp2:
0x58: {  	v7 =	vld [tilespmem:$0xD0];
	(pc) =	sbr.rel @!p0 .LBB2_6-.Ltmp2, $4  }
0x59: {  	v6 =	vld [tilespmem:$0xE0]  }
0x5a: {  	v15 =	vld [tilespmem:$0xF0]  }
0x5b: {  	v19 =	vld [tilespmem:$0x80]  }
0x5c: {  	v25 =	vld [tilespmem:$0x90];
	s5 =	simm.s32 $0x0  }
0x5d: {  	v26 =	vld [tilespmem:$0x100]  }
0x5e: {  	v27 =	vld [tilespmem:$0x110]  }
0x5f: {  	s5 =	simm.s32 $0x1C0;
	v18 =	vld [tilespmem:$0x170]  }
0x60: {  	v22 =	vld [tilespmem:s5+$0x30]  }
0x61: {  	v23 =	vld [tilespmem:s5+$0xFFFFFFC0]  }
0x62: {  	v24 =	vld [tilespmem:s5+$0xFFFFFFD0]  }
0x63: {  	v28 =	vld [tilespmem:s5+$0xFFFFFFE0]  }
0x64: {  	s6 =	sadd.s32 $0x0, s19;
	v29 =	vld [tilespmem:s5+$0xFFFFFFF0]  }
0x65: {  	vm0 =	veq.s32 v17, s6;
	vm1 =	veq.s32 v16, s6;
	vm2 =	veq.s32 v8, s6;
	v30 =	vld [tilespmem:s5+$0x0]  }
0x66: {  	v39 =	vld [tilespmem:$0x120];
	vm3 =	veq.s32 v14, s6;
	vm4 =	veq.s32 v12, s6;
	vm5 =	veq.s32 v11, s6  }
0x67: {  	v32 =	vld [tilespmem:s5+$0x10];
	vm6 =	veq.s32 v10, s6;
	vm15 =	veq.s32 v9, s6;
	v31 =	vnsel vm2, $0xD01502F9, v22  }
0x68: {  	v38 =	vld [tilespmem:s5+$0x20];
	v33 =	vnsel vm0, $0xD01502F9, v23;
	v40 =	vsel vm1, $0xD01502F9, v24;
	v41 =	vnsel vm1, $0xD01502F9, v24  }
0x69: {  	v43 =	vld [tilespmem:$0x130];
	v42 =	vsel vm3, $0xD01502F9, v28;
	v44 =	vnsel vm3, $0xD01502F9, v28;
	v45 =	vsel vm4, $0xD01502F9, v29  }
0x6a: {  	v46 =	vnsel vm4, $0xD01502F9, v29;
	v37 =	vsel vm5, $0xD01502F9, v30;
	v36 =	vnsel vm5, $0xD01502F9, v30;
	v24 =	vld [tilespmem:$0x140]  }
0x6b: {  	v18 =	vmax.f32 v18, v31;
	v31 =	vsel vm0, $0xD01502F9, v23;
	v23 =	vsel vm2, $0xD01502F9, v22;
	v22 =	vld [tilespmem:$0x150]  }
0x6c: {  	v35 =	vsel vm6, $0xD01502F9, v32;
	v34 =	vnsel vm6, $0xD01502F9, v32;
	v29 =	vmax.f32 v19, v31;
	v19 =	vld [tilespmem:$0x160]  }
0x6d: {  	v32 =	vnsel vm15, $0xD01502F9, v38;
	v30 =	vmax.f32 v26, v33;
	v33 =	vsel vm15, $0xD01502F9, v38  }
0x6e: {  	s28 =	simm.s32 $0x240;
	v28 =	vmax.f32 v27, v41;
	v26 =	vmax.f32 v20, v42;
	v27 =	vmax.f32 v39, v44  }
0x6f: {  	s29 =	simm.s32 $0x1;
	s5 =	simm.s32 $0x2;
	v20 =	vld [tilespmem:s28+$0x30];
	v31 =	vmax.f32 v25, v40;
	v25 =	vmax.f32 v21, v45;
	v21 =	vmax.f32 v43, v46  }
.LBB2_4:
0x70: {  	p0 =	sne.s32 s5, $0xC7;
	v38 =	vld [tilespmem:s28+$0xFFFFFFC0];
	v13 =	vmax.f32 v13, v37;
	v24 =	vmax.f32 v24, v36;
	v7 =	vmax.f32 v7, v35  }
0x71: {  	v22 =	vmax.f32 v22, v34;
	v6 =	vmax.f32 v6, v33;
	v19 =	vmax.f32 v19, v32;
	v35 =	vld [tilespmem:s28+$0xFFFFFFD0]  }
0x72: {  	s6 =	sadd.s32 s29, s19;
	v15 =	vmax.f32 v15, v23;
	s29 =	smov.u32 s5;
	v32 =	vld [tilespmem:s28+$0xFFFFFFE0]  }
0x73: {  	vm0 =	veq.s32 v17, s6;
	vm1 =	veq.s32 v16, s6;
	vm2 =	veq.s32 v8, s6;
	v23 =	vld [tilespmem:s28+$0xFFFFFFF0]  }
0x74: {  	vm3 =	veq.s32 v14, s6;
	vm4 =	veq.s32 v12, s6;
	v33 =	vld [tilespmem:s28+$0x0];
	v34 =	vnsel vm2, $0xD01502F9, v20  }
0x75: {  	vm5 =	veq.s32 v11, s6;
	vm6 =	veq.s32 v10, s6;
	v39 =	vld [tilespmem:s28+$0x10];
	v18 =	vmax.f32 v18, v34  }
0x76: {  	v34 =	vsel vm0, $0xD01502F9, v38;
	v38 =	vnsel vm0, $0xD01502F9, v38;
	vm0 =	veq.s32 v9, s6;
	v40 =	vld [tilespmem:s28+$0x20]  }
0x77: {  	v41 =	vsel vm1, $0xD01502F9, v35;
	v42 =	vnsel vm1, $0xD01502F9, v35;
	v43 =	vsel vm3, $0xD01502F9, v32  }
0x78: {  	v44 =	vnsel vm3, $0xD01502F9, v32;
	v45 =	vsel vm4, $0xD01502F9, v23;
	v46 =	vnsel vm4, $0xD01502F9, v23  }
.Ltmp3:
0x79: {  	v23 =	vsel vm2, $0xD01502F9, v20;
	v37 =	vsel vm5, $0xD01502F9, v33;
	v36 =	vnsel vm5, $0xD01502F9, v33;
	(pc) =	sbr.rel @p0 .LBB2_4-.Ltmp3, $4  }
0x7a: {  	v29 =	vmax.f32 v29, v34;
	v35 =	vsel vm6, $0xD01502F9, v39;
	v34 =	vnsel vm6, $0xD01502F9, v39  }
0x7b: {  	v30 =	vmax.f32 v30, v38;
	v33 =	vsel vm0, $0xD01502F9, v40;
	v32 =	vnsel vm0, $0xD01502F9, v40  }
0x7c: {  	s28 =	sadd.s32 $0x80, s28;
	v31 =	vmax.f32 v31, v41;
	v28 =	vmax.f32 v28, v42;
	v26 =	vmax.f32 v26, v43  }
0x7d: {  	s5 =	sadd.s32 $0x1, s5;
	v27 =	vmax.f32 v27, v44;
	v25 =	vmax.f32 v25, v45;
	v21 =	vmax.f32 v21, v46;
	v20 =	vld [tilespmem:s28+$0x30]  }
0x7e: {  	v38 =	vld [tilespmem:s28+$0xFFFFFFC0]  }
0x7f: {  	v39 =	vld [tilespmem:s28+$0xFFFFFFD0]  }
0x80: {  	v40 =	vld [tilespmem:s28+$0xFFFFFFE0];
	s5 =	sadd.s32 s29, s19  }
0x81: {  	v41 =	vld [tilespmem:s28+$0xFFFFFFF0];
	v13 =	vmax.f32 v13, v37;
	vm15 =	veq.s32 v8, s5  }
0x82: {  	v45 =	vld [tilespmem:s28+$0x0];
	v62 =	vmax.f32 v15, v23;
	vm0 =	veq.s32 v17, s5;
	v63 =	vsel vm15, $0xD01502F9, v20  }
0x83: {  	v42 =	vld [tilespmem:s28+$0x10];
	v50 =	vmax.f32 v24, v36;
	v43 =	vsel vm0, $0xD01502F9, v38;
	v8 =	vmax.f32 v62, v63  }
0x84: {  	v47 =	vld [tilespmem:s28+$0x20];
	vm10 =	veq.s32 v14, s5;
	v46 =	vnsel vm0, $0xD01502F9, v38;
	v29 =	vmax.f32 v29, v43;
	[tilespmem:$0xF0] =	vst v8  }
0x85: {  	vm1 =	veq.s32 v16, s5;
	v51 =	vsel vm10, $0xD01502F9, v40;
	v16 =	vmax.f32 v30, v46;
	[tilespmem:$0x80] =	vst v29  }
0x86: {  	vm11 =	veq.s32 v12, s5;
	v52 =	vnsel vm10, $0xD01502F9, v40;
	v24 =	vmax.f32 v26, v51;
	[tilespmem:$0x100] =	vst v16  }
0x87: {  	vm12 =	veq.s32 v11, s5;
	v54 =	vnsel vm11, $0xD01502F9, v41;
	v12 =	vmax.f32 v27, v52;
	[tilespmem:$0xA0] =	vst v24  }
0x88: {  	v7 =	vmax.f32 v7, v35;
	v56 =	vsel vm12, $0xD01502F9, v45;
	v11 =	vmax.f32 v21, v54;
	[tilespmem:$0x120] =	vst v12  }
0x89: {  	vm13 =	veq.s32 v10, s5;
	v57 =	vnsel vm12, $0xD01502F9, v45;
	v13 =	vmax.f32 v13, v56;
	[tilespmem:$0x130] =	vst v11  }
0x8a: {  	v55 =	vmax.f32 v22, v34;
	v58 =	vsel vm13, $0xD01502F9, v42;
	v10 =	vmax.f32 v50, v57;
	[tilespmem:$0xC0] =	vst v13  }
0x8b: {  	vm14 =	veq.s32 v9, s5;
	v59 =	vnsel vm13, $0xD01502F9, v42;
	v7 =	vmax.f32 v7, v58;
	[tilespmem:$0x140] =	vst v10  }
0x8c: {  	v6 =	vmax.f32 v6, v33;
	v61 =	vsel vm14, $0xD01502F9, v47;
	v9 =	vmax.f32 v55, v59;
	[tilespmem:$0xD0] =	vst v7  }
0x8d: {  	v48 =	vsel vm1, $0xD01502F9, v39;
	v6 =	vmax.f32 v6, v61;
	[tilespmem:$0x150] =	vst v9  }
0x8e: {  	v49 =	vnsel vm1, $0xD01502F9, v39;
	v29 =	vmax.f32 v31, v48;
	[tilespmem:$0xE0] =	vst v6  }
.Ltmp4:
0x8f: {  	v53 =	vsel vm11, $0xD01502F9, v41;
	v16 =	vmax.f32 v28, v49;
	[tilespmem:$0x90] =	vst v29;
	(pc) =	sbr.rel .LBB2_9-.Ltmp4, $4  }
0x90: {  	v60 =	vmax.f32 v19, v32;
	v7 =	vnsel vm14, $0xD01502F9, v47;
	[tilespmem:$0x110] =	vst v16;
	v16 =	vmax.f32 v25, v53  }
0x91: {  	v6 =	vnsel vm15, $0xD01502F9, v20;
	v7 =	vmax.f32 v60, v7;
	[tilespmem:$0xB0] =	vst v16  }
0x92: {  	v6 =	vmax.f32 v18, v6;
	[tilespmem:$0x160] =	vst v7  }
0x93: {  	[tilespmem:$0x170] =	vst v6  }
.LBB2_6:
0x94: {  	s28 =	sshra.s32 s5, $0x2  }
0x95: {  	v8 =	vld [tilespmem:s28+$0x1F0]  }
0x96: {  	v12 =	vld [tilespmem:s28+$0x180]  }
0x97: {  	v16 =	vld [tilespmem:s28+$0x190]  }
0x98: {  	v14 =	vld [tilespmem:s28+$0x1A0]  }
0x99: {  	v11 =	vld [tilespmem:s28+$0x1B0]  }
0x9a: {  	v9 =	vld [tilespmem:s28+$0x1C0]  }
0x9b: {  	s6 =	sadd.s32 $0x200, s5;
	v10 =	vld [tilespmem:s28+$0x1D0]  }
0x9c: {  	s5 =	sshra.s32 s6, $0x2;
	s6 =	sadd.s32 $0x200, s6;
	v8 =	vmax.f32 v15, v8;
	v15 =	vmax.f32 v19, v12;
	v16 =	vmax.f32 v25, v16;
	v12 =	vld [tilespmem:s28+$0x1E0]  }
.LBB2_7:
0x9d: {  	p0 =	sne.s32 s6, $0x18E00;
	v17 =	vld [tilespmem:s5+$0x1F0];
	v20 =	vmax.f32 v20, v14  }
0x9e: {  	v18 =	vld [tilespmem:s5+$0x180];
	v21 =	vmax.f32 v21, v11  }
0x9f: {  	v19 =	vld [tilespmem:s5+$0x190];
	v13 =	vmax.f32 v13, v9  }
.Ltmp5:
0xa0: {  	v14 =	vld [tilespmem:s5+$0x1A0];
	v7 =	vmax.f32 v7, v10;
	(pc) =	sbr.rel @p0 .LBB2_7-.Ltmp5, $4  }
0xa1: {  	v11 =	vld [tilespmem:s5+$0x1B0];
	v6 =	vmax.f32 v6, v12  }
0xa2: {  	v9 =	vld [tilespmem:s5+$0x1C0];
	v8 =	vmax.f32 v8, v17  }
0xa3: {  	v15 =	vmax.f32 v15, v18;
	v10 =	vld [tilespmem:s5+$0x1D0]  }
0xa4: {  	v16 =	vmax.f32 v16, v19;
	v12 =	vld [tilespmem:s5+$0x1E0];
	s5 =	sshra.s32 s6, $0x2;
	s6 =	sadd.s32 $0x200, s6  }
0xa5: {  	v17 =	vld [tilespmem:s5+$0x1F0]  }
0xa6: {  	v18 =	vld [tilespmem:s5+$0x180]  }
0xa7: {  	v19 =	vld [tilespmem:s5+$0x190]  }
0xa8: {  	v22 =	vld [tilespmem:s5+$0x1A0]  }
0xa9: {  	v23 =	vld [tilespmem:s5+$0x1B0]  }
0xaa: {  	v24 =	vld [tilespmem:s5+$0x1C0]  }
0xab: {  	v25 =	vld [tilespmem:s5+$0x1D0];
	v15 =	vmax.f32 v15, v18  }
0xac: {  	v63 =	vld [tilespmem:s5+$0x1E0];
	v14 =	vmax.f32 v20, v14;
	v16 =	vmax.f32 v16, v19;
	[tilespmem:$0x80] =	vst v15  }
0xad: {  	v11 =	vmax.f32 v21, v11;
	v14 =	vmax.f32 v14, v22;
	[tilespmem:$0x90] =	vst v16  }
0xae: {  	v9 =	vmax.f32 v13, v9;
	v11 =	vmax.f32 v11, v23;
	[tilespmem:$0xA0] =	vst v14  }
0xaf: {  	v7 =	vmax.f32 v7, v10;
	v9 =	vmax.f32 v9, v24;
	[tilespmem:$0xB0] =	vst v11  }
0xb0: {  	v6 =	vmax.f32 v6, v12;
	v7 =	vmax.f32 v7, v25;
	[tilespmem:$0xC0] =	vst v9  }
0xb1: {  	v6 =	vmax.f32 v6, v63;
	[tilespmem:$0xD0] =	vst v7  }
0xb2: {  	v7 =	vmax.f32 v8, v17;
	[tilespmem:$0xE0] =	vst v6  }
0xb3: {  	[tilespmem:$0xF0] =	vst v7  }
.LBB2_9:
0xb4: {  	p0 =	seq.s32 s20, $0x43  }
0xb5: {  	s28 =	smul.u32 @!p0 $0x320000, s20;
	_ =	sdelay $0x1  }
0xb6: {  	s5 =	sadd.s32 @!p0 s8, s28  }
0xb7: {  	s6 =	simm.s32 @!p0 $0x400;
	s5 =	sshrl.u32 @!p0 s5, $0x3  }
0xb8: {  	s29 =	simm.s32 @!p0 $0x8000;
	s7 =	simm.s32 @!p0 $0x180;
	s5 =	sadd.s32 @!p0 s1, s5  }
0xb9: {  	[tilespmem:s7], [sflag:$0x1] =	stream.strided.gather @!p0 [hbm4b:s5+s6], $0x6400, s29, s6, $0x38;
	[tilespmem:$0x19180] =	vst v63  }
0xba: {  	_ =	swait.ge [sflag:s24], $0x6400  }
0xbb: {  	[sflag:s24] =	ssyncset.done $0x0  }
0xbc: {  	[sflag:s24] =	ssyncadd.s32 $0xFFFF9C00  }
0xbd: {  	v17 =	vld [tilespmem:$0x0]  }
0xbe: {  	v16 =	vld [tilespmem:$0x10];
	_ =	sdelay $0x1  }
0xbf: {  	v14 =	vld [tilespmem:$0x20]  }
0xc0: {  	s7 =	sadd.s32 $0xC8, s21  }
0xc1: {  	v6 =	vmov s7;
	v12 =	vld [tilespmem:$0x30]  }
0xc2: {  	v7 =	vsub.s32 v17, v6;
	v8 =	vsub.s32 v16, v6  }
0xc3: {  	v11 =	vld [tilespmem:$0x40];
	vm0 =	vlt.u32 v7, $0xC8;
	vm1 =	vlt.u32 v8, $0xC8  }
0xc4: {  	v9 =	vsub.s32 v14, v6;
	v7 =	vsel vm0, $0x3F800000, v4;
	v8 =	vsel vm1, $0x3F800000, v4  }
0xc5: {  	v10 =	vld [tilespmem:$0x50];
	vm10 =	vlt.u32 v9, $0xC8;
	v7 =	vadd.f32 v8, v7  }
0xc6: {  	v13 =	vsub.s32 v12, v6;
	v8 =	vsel vm10, $0x3F800000, v4  }
0xc7: {  	v9 =	vld [tilespmem:$0x60];
	vm11 =	vlt.u32 v13, $0xC8;
	v7 =	vadd.f32 v8, v7  }
0xc8: {  	v15 =	vsub.s32 v11, v6;
	v13 =	vsel vm11, $0x3F800000, v4  }
0xc9: {  	vm12 =	vlt.u32 v15, $0xC8;
	v8 =	vld [tilespmem:$0x70];
	v7 =	vadd.f32 v13, v7  }
0xca: {  	v15 =	vsub.s32 v10, v6;
	v13 =	vsel vm12, $0x3F800000, v4  }
0xcb: {  	vm13 =	vlt.u32 v15, $0xC8;
	v7 =	vadd.f32 v13, v7  }
0xcc: {  	v15 =	vsub.s32 v9, v6;
	v13 =	vsel vm13, $0x3F800000, v4  }
0xcd: {  	vm14 =	vlt.u32 v15, $0xC8;
	v7 =	vadd.f32 v13, v7  }
0xce: {  	v6 =	vsub.s32 v8, v6;
	v13 =	vsel vm14, $0x3F800000, v4  }
0xcf: {  	vm15 =	vlt.u32 v6, $0xC8;
	v7 =	vadd.f32 v13, v7  }
0xd0: {  	v6 =	vsel vm15, $0x3F800000, v4  }
0xd1: {  	v6 =	vadd.f32 v6, v7;
	_ =	sdelay $0x1  }
0xd2: {  	v7 =	vperm.xlane v6, v0;
	_ =	sdelay $0x1  }
0xd3: {  	v6 =	vmax.f32 v6, v7  }
0xd4: {  	v7 =	vperm.xlane v6, v1;
	_ =	sdelay $0x1  }
0xd5: {  	v6 =	vmax.f32 v6, v7  }
0xd6: {  	v7 =	vperm.xlane v6, v3;
	_ =	sdelay $0x1  }
0xd7: {  	v6 =	vmax.f32 v6, v7  }
0xd8: {  	v7 =	vperm.xlane v6, v5;
	_ =	sdelay $0x1  }
0xd9: {  	v6 =	vmax.f32 v6, v7  }
0xda: {  	(v2sf) =	vpush v6, $0x0;
	_ =	sdelay $0xd  }
0xdb: {  	v20 =	vld [tilespmem:$0xA0]  }
0xdc: {  	v21 =	vld [tilespmem:$0xB0];
	s29 =	spop (v2sf)  }
0xdd: {  	v13 =	vld [tilespmem:$0xC0];
	p1 =	sgt.f32 s29, $5.000000000e-01  }
.Ltmp6:
0xde: {  	v7 =	vld [tilespmem:$0xD0];
	(pc) =	sbr.rel @!p1 .LBB2_13-.Ltmp6, $4  }
0xdf: {  	v6 =	vld [tilespmem:$0xE0]  }
0xe0: {  	v15 =	vld [tilespmem:$0xF0]  }
0xe1: {  	v19 =	vld [tilespmem:$0x80]  }
0xe2: {  	s5 =	simm.s32 $0x0;
	v25 =	vld [tilespmem:$0x90]  }
0xe3: {  	v26 =	vld [tilespmem:$0x100]  }
0xe4: {  	v27 =	vld [tilespmem:$0x110]  }
0xe5: {  	s5 =	simm.s32 $0x65C0;
	v18 =	vld [tilespmem:$0x170]  }
0xe6: {  	v22 =	vld [tilespmem:s5+$0x30]  }
0xe7: {  	v23 =	vld [tilespmem:s5+$0xFFFFFFC0]  }
0xe8: {  	v24 =	vld [tilespmem:s5+$0xFFFFFFD0]  }
0xe9: {  	v28 =	vld [tilespmem:s5+$0xFFFFFFE0]  }
0xea: {  	s6 =	sadd.s32 $0x0, s31;
	v29 =	vld [tilespmem:s5+$0xFFFFFFF0]  }
0xeb: {  	vm0 =	veq.s32 v17, s6;
	vm1 =	veq.s32 v16, s6;
	vm2 =	veq.s32 v8, s6;
	v30 =	vld [tilespmem:s5+$0x0]  }
0xec: {  	v39 =	vld [tilespmem:$0x120];
	vm3 =	veq.s32 v14, s6;
	vm4 =	veq.s32 v12, s6;
	vm5 =	veq.s32 v11, s6  }
0xed: {  	v32 =	vld [tilespmem:s5+$0x10];
	vm6 =	veq.s32 v10, s6;
	vm15 =	veq.s32 v9, s6;
	v31 =	vnsel vm2, $0xD01502F9, v22  }
0xee: {  	v38 =	vld [tilespmem:s5+$0x20];
	v33 =	vnsel vm0, $0xD01502F9, v23;
	v40 =	vsel vm1, $0xD01502F9, v24;
	v41 =	vnsel vm1, $0xD01502F9, v24  }
0xef: {  	v43 =	vld [tilespmem:$0x130];
	v42 =	vsel vm3, $0xD01502F9, v28;
	v44 =	vnsel vm3, $0xD01502F9, v28;
	v45 =	vsel vm4, $0xD01502F9, v29  }
0xf0: {  	v46 =	vnsel vm4, $0xD01502F9, v29;
	v37 =	vsel vm5, $0xD01502F9, v30;
	v36 =	vnsel vm5, $0xD01502F9, v30;
	v24 =	vld [tilespmem:$0x140]  }
0xf1: {  	v18 =	vmax.f32 v18, v31;
	v31 =	vsel vm0, $0xD01502F9, v23;
	v23 =	vsel vm2, $0xD01502F9, v22;
	v22 =	vld [tilespmem:$0x150]  }
0xf2: {  	v35 =	vsel vm6, $0xD01502F9, v32;
	v34 =	vnsel vm6, $0xD01502F9, v32;
	v29 =	vmax.f32 v19, v31;
	v19 =	vld [tilespmem:$0x160]  }
0xf3: {  	v32 =	vnsel vm15, $0xD01502F9, v38;
	v30 =	vmax.f32 v26, v33;
	v33 =	vsel vm15, $0xD01502F9, v38  }
0xf4: {  	s29 =	simm.s32 $0x6640;
	v28 =	vmax.f32 v27, v41;
	v26 =	vmax.f32 v20, v42;
	v27 =	vmax.f32 v39, v44  }
0xf5: {  	s5 =	simm.s32 $0x1;
	s6 =	simm.s32 $0x2;
	v20 =	vld [tilespmem:s29+$0x30];
	v31 =	vmax.f32 v25, v40;
	v25 =	vmax.f32 v21, v45;
	v21 =	vmax.f32 v43, v46  }
.LBB2_11:
0xf6: {  	p1 =	sne.s32 s6, $0xC7;
	v38 =	vld [tilespmem:s29+$0xFFFFFFC0];
	v13 =	vmax.f32 v13, v37;
	v24 =	vmax.f32 v24, v36;
	v7 =	vmax.f32 v7, v35  }
0xf7: {  	v22 =	vmax.f32 v22, v34;
	v6 =	vmax.f32 v6, v33;
	v19 =	vmax.f32 v19, v32;
	v35 =	vld [tilespmem:s29+$0xFFFFFFD0]  }
0xf8: {  	s7 =	sadd.s32 s5, s31;
	v15 =	vmax.f32 v15, v23;
	s5 =	smov.u32 s6;
	v32 =	vld [tilespmem:s29+$0xFFFFFFE0]  }
0xf9: {  	vm0 =	veq.s32 v17, s7;
	vm1 =	veq.s32 v16, s7;
	vm2 =	veq.s32 v8, s7;
	v23 =	vld [tilespmem:s29+$0xFFFFFFF0]  }
0xfa: {  	vm3 =	veq.s32 v14, s7;
	vm4 =	veq.s32 v12, s7;
	v33 =	vld [tilespmem:s29+$0x0];
	v34 =	vnsel vm2, $0xD01502F9, v20  }
0xfb: {  	vm5 =	veq.s32 v11, s7;
	vm6 =	veq.s32 v10, s7;
	v39 =	vld [tilespmem:s29+$0x10];
	v18 =	vmax.f32 v18, v34  }
0xfc: {  	v34 =	vsel vm0, $0xD01502F9, v38;
	v38 =	vnsel vm0, $0xD01502F9, v38;
	vm0 =	veq.s32 v9, s7;
	v40 =	vld [tilespmem:s29+$0x20]  }
0xfd: {  	v41 =	vsel vm1, $0xD01502F9, v35;
	v42 =	vnsel vm1, $0xD01502F9, v35;
	v43 =	vsel vm3, $0xD01502F9, v32  }
0xfe: {  	v44 =	vnsel vm3, $0xD01502F9, v32;
	v45 =	vsel vm4, $0xD01502F9, v23;
	v46 =	vnsel vm4, $0xD01502F9, v23  }
.Ltmp7:
0xff: {  	v23 =	vsel vm2, $0xD01502F9, v20;
	v37 =	vsel vm5, $0xD01502F9, v33;
	v36 =	vnsel vm5, $0xD01502F9, v33;
	(pc) =	sbr.rel @p1 .LBB2_11-.Ltmp7, $4  }
0x100: {  	v29 =	vmax.f32 v29, v34;
	v35 =	vsel vm6, $0xD01502F9, v39;
	v34 =	vnsel vm6, $0xD01502F9, v39  }
0x101: {  	v30 =	vmax.f32 v30, v38;
	v33 =	vsel vm0, $0xD01502F9, v40;
	v32 =	vnsel vm0, $0xD01502F9, v40  }
0x102: {  	s29 =	sadd.s32 $0x80, s29;
	v31 =	vmax.f32 v31, v41;
	v28 =	vmax.f32 v28, v42;
	v26 =	vmax.f32 v26, v43  }
0x103: {  	s6 =	sadd.s32 $0x1, s6;
	v27 =	vmax.f32 v27, v44;
	v25 =	vmax.f32 v25, v45;
	v21 =	vmax.f32 v21, v46;
	v20 =	vld [tilespmem:s29+$0x30]  }
0x104: {  	v38 =	vld [tilespmem:s29+$0xFFFFFFC0]  }
0x105: {  	v39 =	vld [tilespmem:s29+$0xFFFFFFD0]  }
0x106: {  	v40 =	vld [tilespmem:s29+$0xFFFFFFE0];
	s5 =	sadd.s32 s5, s31  }
0x107: {  	v41 =	vld [tilespmem:s29+$0xFFFFFFF0];
	v13 =	vmax.f32 v13, v37;
	vm15 =	veq.s32 v8, s5  }
0x108: {  	v45 =	vld [tilespmem:s29+$0x0];
	v62 =	vmax.f32 v15, v23;
	vm0 =	veq.s32 v17, s5;
	v63 =	vsel vm15, $0xD01502F9, v20  }
0x109: {  	v42 =	vld [tilespmem:s29+$0x10];
	v50 =	vmax.f32 v24, v36;
	v43 =	vsel vm0, $0xD01502F9, v38;
	v8 =	vmax.f32 v62, v63  }
0x10a: {  	v47 =	vld [tilespmem:s29+$0x20];
	vm10 =	veq.s32 v14, s5;
	v46 =	vnsel vm0, $0xD01502F9, v38;
	v29 =	vmax.f32 v29, v43;
	[tilespmem:$0xF0] =	vst v8  }
0x10b: {  	vm1 =	veq.s32 v16, s5;
	v51 =	vsel vm10, $0xD01502F9, v40;
	v16 =	vmax.f32 v30, v46;
	[tilespmem:$0x80] =	vst v29  }
0x10c: {  	vm11 =	veq.s32 v12, s5;
	v52 =	vnsel vm10, $0xD01502F9, v40;
	v24 =	vmax.f32 v26, v51;
	[tilespmem:$0x100] =	vst v16  }
0x10d: {  	vm12 =	veq.s32 v11, s5;
	v54 =	vnsel vm11, $0xD01502F9, v41;
	v12 =	vmax.f32 v27, v52;
	[tilespmem:$0xA0] =	vst v24  }
0x10e: {  	v7 =	vmax.f32 v7, v35;
	v56 =	vsel vm12, $0xD01502F9, v45;
	v11 =	vmax.f32 v21, v54;
	[tilespmem:$0x120] =	vst v12  }
0x10f: {  	vm13 =	veq.s32 v10, s5;
	v57 =	vnsel vm12, $0xD01502F9, v45;
	v13 =	vmax.f32 v13, v56;
	[tilespmem:$0x130] =	vst v11  }
0x110: {  	v55 =	vmax.f32 v22, v34;
	v58 =	vsel vm13, $0xD01502F9, v42;
	v10 =	vmax.f32 v50, v57;
	[tilespmem:$0xC0] =	vst v13  }
0x111: {  	vm14 =	veq.s32 v9, s5;
	v59 =	vnsel vm13, $0xD01502F9, v42;
	v7 =	vmax.f32 v7, v58;
	[tilespmem:$0x140] =	vst v10  }
0x112: {  	v6 =	vmax.f32 v6, v33;
	v61 =	vsel vm14, $0xD01502F9, v47;
	v9 =	vmax.f32 v55, v59;
	[tilespmem:$0xD0] =	vst v7  }
0x113: {  	v48 =	vsel vm1, $0xD01502F9, v39;
	v6 =	vmax.f32 v6, v61;
	[tilespmem:$0x150] =	vst v9  }
0x114: {  	v49 =	vnsel vm1, $0xD01502F9, v39;
	v29 =	vmax.f32 v31, v48;
	[tilespmem:$0xE0] =	vst v6  }
.Ltmp8:
0x115: {  	v53 =	vsel vm11, $0xD01502F9, v41;
	v16 =	vmax.f32 v28, v49;
	[tilespmem:$0x90] =	vst v29;
	(pc) =	sbr.rel .LBB2_16-.Ltmp8, $4  }
0x116: {  	v60 =	vmax.f32 v19, v32;
	v7 =	vnsel vm14, $0xD01502F9, v47;
	[tilespmem:$0x110] =	vst v16;
	v16 =	vmax.f32 v25, v53  }
0x117: {  	v6 =	vnsel vm15, $0xD01502F9, v20;
	v7 =	vmax.f32 v60, v7;
	[tilespmem:$0xB0] =	vst v16  }
0x118: {  	v6 =	vmax.f32 v18, v6;
	[tilespmem:$0x160] =	vst v7  }
0x119: {  	[tilespmem:$0x170] =	vst v6  }
.LBB2_13:
0x11a: {  	s7 =	sshra.s32 s5, $0x2  }
0x11b: {  	v8 =	vld [tilespmem:s7+$0x65F0]  }
0x11c: {  	v12 =	vld [tilespmem:s7+$0x6580]  }
0x11d: {  	v16 =	vld [tilespmem:s7+$0x6590]  }
0x11e: {  	v14 =	vld [tilespmem:s7+$0x65A0]  }
0x11f: {  	v11 =	vld [tilespmem:s7+$0x65B0]  }
0x120: {  	v9 =	vld [tilespmem:s7+$0x65C0]  }
0x121: {  	s6 =	sadd.s32 $0x200, s5;
	v10 =	vld [tilespmem:s7+$0x65D0]  }
0x122: {  	s5 =	sshra.s32 s6, $0x2;
	s6 =	sadd.s32 $0x200, s6;
	v8 =	vmax.f32 v15, v8;
	v15 =	vmax.f32 v19, v12;
	v16 =	vmax.f32 v25, v16;
	v12 =	vld [tilespmem:s7+$0x65E0]  }
.LBB2_14:
0x123: {  	p1 =	sne.s32 s6, $0x18E00;
	v17 =	vld [tilespmem:s5+$0x65F0];
	v20 =	vmax.f32 v20, v14  }
0x124: {  	v18 =	vld [tilespmem:s5+$0x6580];
	v21 =	vmax.f32 v21, v11  }
0x125: {  	v19 =	vld [tilespmem:s5+$0x6590];
	v13 =	vmax.f32 v13, v9  }
.Ltmp9:
0x126: {  	v14 =	vld [tilespmem:s5+$0x65A0];
	v7 =	vmax.f32 v7, v10;
	(pc) =	sbr.rel @p1 .LBB2_14-.Ltmp9, $4  }
0x127: {  	v11 =	vld [tilespmem:s5+$0x65B0];
	v6 =	vmax.f32 v6, v12  }
0x128: {  	v9 =	vld [tilespmem:s5+$0x65C0];
	v8 =	vmax.f32 v8, v17  }
0x129: {  	v15 =	vmax.f32 v15, v18;
	v10 =	vld [tilespmem:s5+$0x65D0]  }
0x12a: {  	v16 =	vmax.f32 v16, v19;
	v12 =	vld [tilespmem:s5+$0x65E0];
	s5 =	sshra.s32 s6, $0x2;
	s6 =	sadd.s32 $0x200, s6  }
0x12b: {  	v17 =	vld [tilespmem:s5+$0x65F0]  }
0x12c: {  	v18 =	vld [tilespmem:s5+$0x6580]  }
0x12d: {  	v19 =	vld [tilespmem:s5+$0x6590]  }
0x12e: {  	v22 =	vld [tilespmem:s5+$0x65A0]  }
0x12f: {  	v23 =	vld [tilespmem:s5+$0x65B0]  }
0x130: {  	v24 =	vld [tilespmem:s5+$0x65C0]  }
0x131: {  	v25 =	vld [tilespmem:s5+$0x65D0];
	v15 =	vmax.f32 v15, v18  }
0x132: {  	v63 =	vld [tilespmem:s5+$0x65E0];
	v14 =	vmax.f32 v20, v14;
	v16 =	vmax.f32 v16, v19;
	[tilespmem:$0x80] =	vst v15  }
0x133: {  	v11 =	vmax.f32 v21, v11;
	v14 =	vmax.f32 v14, v22;
	[tilespmem:$0x90] =	vst v16  }
0x134: {  	v9 =	vmax.f32 v13, v9;
	v11 =	vmax.f32 v11, v23;
	[tilespmem:$0xA0] =	vst v14  }
0x135: {  	v7 =	vmax.f32 v7, v10;
	v9 =	vmax.f32 v9, v24;
	[tilespmem:$0xB0] =	vst v11  }
0x136: {  	v6 =	vmax.f32 v6, v12;
	v7 =	vmax.f32 v7, v25;
	[tilespmem:$0xC0] =	vst v9  }
0x137: {  	v6 =	vmax.f32 v6, v63;
	[tilespmem:$0xD0] =	vst v7  }
0x138: {  	v7 =	vmax.f32 v8, v17;
	[tilespmem:$0xE0] =	vst v6  }
0x139: {  	[tilespmem:$0xF0] =	vst v7  }
.LBB2_16:
0x13a: {  	s5 =	sadd.s32 @!p0 s9, s28  }
0x13b: {  	s6 =	simm.s32 @!p0 $0x400;
	s5 =	sshrl.u32 @!p0 s5, $0x3  }
0x13c: {  	s7 =	simm.s32 @!p0 $0x8000;
	s29 =	simm.s32 @!p0 $0x6580;
	s5 =	sadd.s32 @!p0 s1, s5  }
0x13d: {  	[tilespmem:s29], [sflag:$0x2] =	stream.strided.gather @!p0 [hbm4b:s5+s6], $0x6400, s7, s6, $0x38;
	[tilespmem:$0x19180] =	vst v63  }
0x13e: {  	_ =	swait.ge [sflag:s25], $0x6400  }
0x13f: {  	[sflag:s25] =	ssyncset.done $0x0  }
0x140: {  	[sflag:s25] =	ssyncadd.s32 $0xFFFF9C00  }
0x141: {  	v17 =	vld [tilespmem:$0x0]  }
0x142: {  	v16 =	vld [tilespmem:$0x10];
	_ =	sdelay $0x1  }
0x143: {  	v14 =	vld [tilespmem:$0x20]  }
0x144: {  	s7 =	sadd.s32 $0x190, s21  }
0x145: {  	v6 =	vmov s7;
	v12 =	vld [tilespmem:$0x30]  }
0x146: {  	v7 =	vsub.s32 v17, v6;
	v8 =	vsub.s32 v16, v6  }
0x147: {  	v11 =	vld [tilespmem:$0x40];
	vm0 =	vlt.u32 v7, $0xC8;
	vm1 =	vlt.u32 v8, $0xC8  }
0x148: {  	v9 =	vsub.s32 v14, v6;
	v7 =	vsel vm0, $0x3F800000, v4;
	v8 =	vsel vm1, $0x3F800000, v4  }
0x149: {  	v10 =	vld [tilespmem:$0x50];
	vm10 =	vlt.u32 v9, $0xC8;
	v7 =	vadd.f32 v8, v7  }
0x14a: {  	v13 =	vsub.s32 v12, v6;
	v8 =	vsel vm10, $0x3F800000, v4  }
0x14b: {  	v9 =	vld [tilespmem:$0x60];
	vm11 =	vlt.u32 v13, $0xC8;
	v7 =	vadd.f32 v8, v7  }
0x14c: {  	v15 =	vsub.s32 v11, v6;
	v13 =	vsel vm11, $0x3F800000, v4  }
0x14d: {  	vm12 =	vlt.u32 v15, $0xC8;
	v8 =	vld [tilespmem:$0x70];
	v7 =	vadd.f32 v13, v7  }
0x14e: {  	v15 =	vsub.s32 v10, v6;
	v13 =	vsel vm12, $0x3F800000, v4  }
0x14f: {  	vm13 =	vlt.u32 v15, $0xC8;
	v7 =	vadd.f32 v13, v7  }
0x150: {  	v15 =	vsub.s32 v9, v6;
	v13 =	vsel vm13, $0x3F800000, v4  }
0x151: {  	vm14 =	vlt.u32 v15, $0xC8;
	v7 =	vadd.f32 v13, v7  }
0x152: {  	v6 =	vsub.s32 v8, v6;
	v13 =	vsel vm14, $0x3F800000, v4  }
0x153: {  	vm15 =	vlt.u32 v6, $0xC8;
	v7 =	vadd.f32 v13, v7  }
0x154: {  	v6 =	vsel vm15, $0x3F800000, v4  }
0x155: {  	v6 =	vadd.f32 v6, v7;
	_ =	sdelay $0x1  }
0x156: {  	v7 =	vperm.xlane v6, v0;
	_ =	sdelay $0x1  }
0x157: {  	v6 =	vmax.f32 v6, v7  }
0x158: {  	v7 =	vperm.xlane v6, v1;
	_ =	sdelay $0x1  }
0x159: {  	v6 =	vmax.f32 v6, v7  }
0x15a: {  	v7 =	vperm.xlane v6, v3;
	_ =	sdelay $0x1  }
0x15b: {  	v6 =	vmax.f32 v6, v7  }
0x15c: {  	v7 =	vperm.xlane v6, v5;
	_ =	sdelay $0x1  }
0x15d: {  	v6 =	vmax.f32 v6, v7  }
0x15e: {  	(v2sf) =	vpush v6, $0x0;
	_ =	sdelay $0xd  }
0x15f: {  	v20 =	vld [tilespmem:$0xA0]  }
0x160: {  	v21 =	vld [tilespmem:$0xB0];
	s29 =	spop (v2sf)  }
0x161: {  	v13 =	vld [tilespmem:$0xC0];
	p1 =	sgt.f32 s29, $5.000000000e-01  }
.Ltmp10:
0x162: {  	v7 =	vld [tilespmem:$0xD0];
	(pc) =	sbr.rel @!p1 .LBB2_20-.Ltmp10, $4  }
0x163: {  	v6 =	vld [tilespmem:$0xE0]  }
0x164: {  	v15 =	vld [tilespmem:$0xF0]  }
0x165: {  	v19 =	vld [tilespmem:$0x80]  }
0x166: {  	s5 =	simm.s32 $0x0;
	v25 =	vld [tilespmem:$0x90]  }
0x167: {  	v26 =	vld [tilespmem:$0x100]  }
0x168: {  	v27 =	vld [tilespmem:$0x110]  }
0x169: {  	s5 =	simm.s32 $0xC9C0;
	v18 =	vld [tilespmem:$0x170]  }
0x16a: {  	v22 =	vld [tilespmem:s5+$0x30]  }
0x16b: {  	v23 =	vld [tilespmem:s5+$0xFFFFFFC0]  }
0x16c: {  	v24 =	vld [tilespmem:s5+$0xFFFFFFD0]  }
0x16d: {  	v28 =	vld [tilespmem:s5+$0xFFFFFFE0]  }
0x16e: {  	s6 =	sadd.s32 $0x0, s0;
	v29 =	vld [tilespmem:s5+$0xFFFFFFF0]  }
0x16f: {  	vm0 =	veq.s32 v17, s6;
	vm1 =	veq.s32 v16, s6;
	vm2 =	veq.s32 v8, s6;
	v30 =	vld [tilespmem:s5+$0x0]  }
0x170: {  	v39 =	vld [tilespmem:$0x120];
	vm3 =	veq.s32 v14, s6;
	vm4 =	veq.s32 v12, s6;
	vm5 =	veq.s32 v11, s6  }
0x171: {  	v32 =	vld [tilespmem:s5+$0x10];
	vm6 =	veq.s32 v10, s6;
	vm15 =	veq.s32 v9, s6;
	v31 =	vnsel vm2, $0xD01502F9, v22  }
0x172: {  	v38 =	vld [tilespmem:s5+$0x20];
	v33 =	vnsel vm0, $0xD01502F9, v23;
	v40 =	vsel vm1, $0xD01502F9, v24;
	v41 =	vnsel vm1, $0xD01502F9, v24  }
0x173: {  	v43 =	vld [tilespmem:$0x130];
	v42 =	vsel vm3, $0xD01502F9, v28;
	v44 =	vnsel vm3, $0xD01502F9, v28;
	v45 =	vsel vm4, $0xD01502F9, v29  }
0x174: {  	v46 =	vnsel vm4, $0xD01502F9, v29;
	v37 =	vsel vm5, $0xD01502F9, v30;
	v36 =	vnsel vm5, $0xD01502F9, v30;
	v24 =	vld [tilespmem:$0x140]  }
0x175: {  	v18 =	vmax.f32 v18, v31;
	v31 =	vsel vm0, $0xD01502F9, v23;
	v23 =	vsel vm2, $0xD01502F9, v22;
	v22 =	vld [tilespmem:$0x150]  }
0x176: {  	v35 =	vsel vm6, $0xD01502F9, v32;
	v34 =	vnsel vm6, $0xD01502F9, v32;
	v29 =	vmax.f32 v19, v31;
	v19 =	vld [tilespmem:$0x160]  }
0x177: {  	v32 =	vnsel vm15, $0xD01502F9, v38;
	v30 =	vmax.f32 v26, v33;
	v33 =	vsel vm15, $0xD01502F9, v38  }
0x178: {  	s29 =	simm.s32 $0xCA40;
	v28 =	vmax.f32 v27, v41;
	v26 =	vmax.f32 v20, v42;
	v27 =	vmax.f32 v39, v44  }
0x179: {  	s5 =	simm.s32 $0x1;
	s6 =	simm.s32 $0x2;
	v20 =	vld [tilespmem:s29+$0x30];
	v31 =	vmax.f32 v25, v40;
	v25 =	vmax.f32 v21, v45;
	v21 =	vmax.f32 v43, v46  }
.LBB2_18:
0x17a: {  	p1 =	sne.s32 s6, $0xC7;
	v38 =	vld [tilespmem:s29+$0xFFFFFFC0];
	v13 =	vmax.f32 v13, v37;
	v24 =	vmax.f32 v24, v36;
	v7 =	vmax.f32 v7, v35  }
0x17b: {  	v22 =	vmax.f32 v22, v34;
	v6 =	vmax.f32 v6, v33;
	v19 =	vmax.f32 v19, v32;
	v35 =	vld [tilespmem:s29+$0xFFFFFFD0]  }
0x17c: {  	s7 =	sadd.s32 s5, s0;
	v15 =	vmax.f32 v15, v23;
	s5 =	smov.u32 s6;
	v32 =	vld [tilespmem:s29+$0xFFFFFFE0]  }
0x17d: {  	vm0 =	veq.s32 v17, s7;
	vm1 =	veq.s32 v16, s7;
	vm2 =	veq.s32 v8, s7;
	v23 =	vld [tilespmem:s29+$0xFFFFFFF0]  }
0x17e: {  	vm3 =	veq.s32 v14, s7;
	vm4 =	veq.s32 v12, s7;
	v33 =	vld [tilespmem:s29+$0x0];
	v34 =	vnsel vm2, $0xD01502F9, v20  }
0x17f: {  	vm5 =	veq.s32 v11, s7;
	vm6 =	veq.s32 v10, s7;
	v39 =	vld [tilespmem:s29+$0x10];
	v18 =	vmax.f32 v18, v34  }
0x180: {  	v34 =	vsel vm0, $0xD01502F9, v38;
	v38 =	vnsel vm0, $0xD01502F9, v38;
	vm0 =	veq.s32 v9, s7;
	v40 =	vld [tilespmem:s29+$0x20]  }
0x181: {  	v41 =	vsel vm1, $0xD01502F9, v35;
	v42 =	vnsel vm1, $0xD01502F9, v35;
	v43 =	vsel vm3, $0xD01502F9, v32  }
0x182: {  	v44 =	vnsel vm3, $0xD01502F9, v32;
	v45 =	vsel vm4, $0xD01502F9, v23;
	v46 =	vnsel vm4, $0xD01502F9, v23  }
.Ltmp11:
0x183: {  	v23 =	vsel vm2, $0xD01502F9, v20;
	v37 =	vsel vm5, $0xD01502F9, v33;
	v36 =	vnsel vm5, $0xD01502F9, v33;
	(pc) =	sbr.rel @p1 .LBB2_18-.Ltmp11, $4  }
0x184: {  	v29 =	vmax.f32 v29, v34;
	v35 =	vsel vm6, $0xD01502F9, v39;
	v34 =	vnsel vm6, $0xD01502F9, v39  }
0x185: {  	v30 =	vmax.f32 v30, v38;
	v33 =	vsel vm0, $0xD01502F9, v40;
	v32 =	vnsel vm0, $0xD01502F9, v40  }
0x186: {  	s29 =	sadd.s32 $0x80, s29;
	v31 =	vmax.f32 v31, v41;
	v28 =	vmax.f32 v28, v42;
	v26 =	vmax.f32 v26, v43  }
0x187: {  	s6 =	sadd.s32 $0x1, s6;
	v27 =	vmax.f32 v27, v44;
	v25 =	vmax.f32 v25, v45;
	v21 =	vmax.f32 v21, v46;
	v20 =	vld [tilespmem:s29+$0x30]  }
0x188: {  	v38 =	vld [tilespmem:s29+$0xFFFFFFC0]  }
0x189: {  	v39 =	vld [tilespmem:s29+$0xFFFFFFD0]  }
0x18a: {  	v40 =	vld [tilespmem:s29+$0xFFFFFFE0];
	s5 =	sadd.s32 s5, s0  }
0x18b: {  	v41 =	vld [tilespmem:s29+$0xFFFFFFF0];
	v13 =	vmax.f32 v13, v37;
	vm15 =	veq.s32 v8, s5  }
0x18c: {  	v45 =	vld [tilespmem:s29+$0x0];
	v62 =	vmax.f32 v15, v23;
	vm0 =	veq.s32 v17, s5;
	v63 =	vsel vm15, $0xD01502F9, v20  }
0x18d: {  	v42 =	vld [tilespmem:s29+$0x10];
	v50 =	vmax.f32 v24, v36;
	v43 =	vsel vm0, $0xD01502F9, v38;
	v8 =	vmax.f32 v62, v63  }
0x18e: {  	v47 =	vld [tilespmem:s29+$0x20];
	vm10 =	veq.s32 v14, s5;
	v46 =	vnsel vm0, $0xD01502F9, v38;
	v29 =	vmax.f32 v29, v43;
	[tilespmem:$0xF0] =	vst v8  }
0x18f: {  	vm1 =	veq.s32 v16, s5;
	v51 =	vsel vm10, $0xD01502F9, v40;
	v16 =	vmax.f32 v30, v46;
	[tilespmem:$0x80] =	vst v29  }
0x190: {  	vm11 =	veq.s32 v12, s5;
	v52 =	vnsel vm10, $0xD01502F9, v40;
	v24 =	vmax.f32 v26, v51;
	[tilespmem:$0x100] =	vst v16  }
0x191: {  	vm12 =	veq.s32 v11, s5;
	v54 =	vnsel vm11, $0xD01502F9, v41;
	v12 =	vmax.f32 v27, v52;
	[tilespmem:$0xA0] =	vst v24  }
0x192: {  	v7 =	vmax.f32 v7, v35;
	v56 =	vsel vm12, $0xD01502F9, v45;
	v11 =	vmax.f32 v21, v54;
	[tilespmem:$0x120] =	vst v12  }
0x193: {  	vm13 =	veq.s32 v10, s5;
	v57 =	vnsel vm12, $0xD01502F9, v45;
	v13 =	vmax.f32 v13, v56;
	[tilespmem:$0x130] =	vst v11  }
0x194: {  	v55 =	vmax.f32 v22, v34;
	v58 =	vsel vm13, $0xD01502F9, v42;
	v10 =	vmax.f32 v50, v57;
	[tilespmem:$0xC0] =	vst v13  }
0x195: {  	vm14 =	veq.s32 v9, s5;
	v59 =	vnsel vm13, $0xD01502F9, v42;
	v7 =	vmax.f32 v7, v58;
	[tilespmem:$0x140] =	vst v10  }
0x196: {  	v6 =	vmax.f32 v6, v33;
	v61 =	vsel vm14, $0xD01502F9, v47;
	v9 =	vmax.f32 v55, v59;
	[tilespmem:$0xD0] =	vst v7  }
0x197: {  	v48 =	vsel vm1, $0xD01502F9, v39;
	v6 =	vmax.f32 v6, v61;
	[tilespmem:$0x150] =	vst v9  }
0x198: {  	v49 =	vnsel vm1, $0xD01502F9, v39;
	v29 =	vmax.f32 v31, v48;
	[tilespmem:$0xE0] =	vst v6  }
.Ltmp12:
0x199: {  	v53 =	vsel vm11, $0xD01502F9, v41;
	v16 =	vmax.f32 v28, v49;
	[tilespmem:$0x90] =	vst v29;
	(pc) =	sbr.rel .LBB2_23-.Ltmp12, $4  }
0x19a: {  	v60 =	vmax.f32 v19, v32;
	v7 =	vnsel vm14, $0xD01502F9, v47;
	[tilespmem:$0x110] =	vst v16;
	v16 =	vmax.f32 v25, v53  }
0x19b: {  	v6 =	vnsel vm15, $0xD01502F9, v20;
	v7 =	vmax.f32 v60, v7;
	[tilespmem:$0xB0] =	vst v16  }
0x19c: {  	v6 =	vmax.f32 v18, v6;
	[tilespmem:$0x160] =	vst v7  }
0x19d: {  	[tilespmem:$0x170] =	vst v6  }
.LBB2_20:
0x19e: {  	s7 =	sshra.s32 s5, $0x2  }
0x19f: {  	v8 =	vld [tilespmem:s7+$0xC9F0]  }
0x1a0: {  	v12 =	vld [tilespmem:s7+$0xC980]  }
0x1a1: {  	v16 =	vld [tilespmem:s7+$0xC990]  }
0x1a2: {  	v14 =	vld [tilespmem:s7+$0xC9A0]  }
0x1a3: {  	v11 =	vld [tilespmem:s7+$0xC9B0]  }
0x1a4: {  	v9 =	vld [tilespmem:s7+$0xC9C0]  }
0x1a5: {  	s6 =	sadd.s32 $0x200, s5;
	v10 =	vld [tilespmem:s7+$0xC9D0]  }
0x1a6: {  	s5 =	sshra.s32 s6, $0x2;
	s6 =	sadd.s32 $0x200, s6;
	v8 =	vmax.f32 v15, v8;
	v15 =	vmax.f32 v19, v12;
	v16 =	vmax.f32 v25, v16;
	v12 =	vld [tilespmem:s7+$0xC9E0]  }
.LBB2_21:
0x1a7: {  	p1 =	sne.s32 s6, $0x18E00;
	v17 =	vld [tilespmem:s5+$0xC9F0];
	v20 =	vmax.f32 v20, v14  }
0x1a8: {  	v18 =	vld [tilespmem:s5+$0xC980];
	v21 =	vmax.f32 v21, v11  }
0x1a9: {  	v19 =	vld [tilespmem:s5+$0xC990];
	v13 =	vmax.f32 v13, v9  }
.Ltmp13:
0x1aa: {  	v14 =	vld [tilespmem:s5+$0xC9A0];
	v7 =	vmax.f32 v7, v10;
	(pc) =	sbr.rel @p1 .LBB2_21-.Ltmp13, $4  }
0x1ab: {  	v11 =	vld [tilespmem:s5+$0xC9B0];
	v6 =	vmax.f32 v6, v12  }
0x1ac: {  	v9 =	vld [tilespmem:s5+$0xC9C0];
	v8 =	vmax.f32 v8, v17  }
0x1ad: {  	v15 =	vmax.f32 v15, v18;
	v10 =	vld [tilespmem:s5+$0xC9D0]  }
0x1ae: {  	v16 =	vmax.f32 v16, v19;
	v12 =	vld [tilespmem:s5+$0xC9E0];
	s5 =	sshra.s32 s6, $0x2;
	s6 =	sadd.s32 $0x200, s6  }
0x1af: {  	v17 =	vld [tilespmem:s5+$0xC9F0]  }
0x1b0: {  	v18 =	vld [tilespmem:s5+$0xC980]  }
0x1b1: {  	v19 =	vld [tilespmem:s5+$0xC990]  }
0x1b2: {  	v22 =	vld [tilespmem:s5+$0xC9A0]  }
0x1b3: {  	v23 =	vld [tilespmem:s5+$0xC9B0]  }
0x1b4: {  	v24 =	vld [tilespmem:s5+$0xC9C0]  }
0x1b5: {  	v25 =	vld [tilespmem:s5+$0xC9D0];
	v15 =	vmax.f32 v15, v18  }
0x1b6: {  	v63 =	vld [tilespmem:s5+$0xC9E0];
	v14 =	vmax.f32 v20, v14;
	v16 =	vmax.f32 v16, v19;
	[tilespmem:$0x80] =	vst v15  }
0x1b7: {  	v11 =	vmax.f32 v21, v11;
	v14 =	vmax.f32 v14, v22;
	[tilespmem:$0x90] =	vst v16  }
0x1b8: {  	v9 =	vmax.f32 v13, v9;
	v11 =	vmax.f32 v11, v23;
	[tilespmem:$0xA0] =	vst v14  }
0x1b9: {  	v7 =	vmax.f32 v7, v10;
	v9 =	vmax.f32 v9, v24;
	[tilespmem:$0xB0] =	vst v11  }
0x1ba: {  	v6 =	vmax.f32 v6, v12;
	v7 =	vmax.f32 v7, v25;
	[tilespmem:$0xC0] =	vst v9  }
0x1bb: {  	v6 =	vmax.f32 v6, v63;
	[tilespmem:$0xD0] =	vst v7  }
0x1bc: {  	v7 =	vmax.f32 v8, v17;
	[tilespmem:$0xE0] =	vst v6  }
0x1bd: {  	[tilespmem:$0xF0] =	vst v7  }
.LBB2_23:
0x1be: {  	s5 =	sadd.s32 @!p0 s10, s28  }
0x1bf: {  	s6 =	simm.s32 @!p0 $0x400;
	s5 =	sshrl.u32 @!p0 s5, $0x3  }
0x1c0: {  	s7 =	simm.s32 @!p0 $0x8000;
	s28 =	simm.s32 @!p0 $0xC980;
	s5 =	sadd.s32 @!p0 s1, s5  }
0x1c1: {  	[tilespmem:s28], [sflag:$0x3] =	stream.strided.gather @!p0 [hbm4b:s5+s6], $0x6400, s7, s6, $0x38;
	[tilespmem:$0x19180] =	vst v63  }
0x1c2: {  	_ =	swait.ge [sflag:s26], $0x6400  }
0x1c3: {  	[sflag:s26] =	ssyncset.done $0x0  }
0x1c4: {  	[sflag:s26] =	ssyncadd.s32 $0xFFFF9C00  }
0x1c5: {  	v17 =	vld [tilespmem:$0x0]  }
0x1c6: {  	v16 =	vld [tilespmem:$0x10];
	_ =	sdelay $0x1  }
0x1c7: {  	v14 =	vld [tilespmem:$0x20]  }
0x1c8: {  	s28 =	sadd.s32 $0x258, s21  }
0x1c9: {  	v6 =	vmov s28;
	v12 =	vld [tilespmem:$0x30]  }
0x1ca: {  	v7 =	vsub.s32 v17, v6;
	v8 =	vsub.s32 v16, v6  }
0x1cb: {  	v11 =	vld [tilespmem:$0x40];
	vm0 =	vlt.u32 v7, $0xC8;
	vm1 =	vlt.u32 v8, $0xC8  }
0x1cc: {  	v9 =	vsub.s32 v14, v6;
	v7 =	vsel vm0, $0x3F800000, v4;
	v8 =	vsel vm1, $0x3F800000, v4  }
0x1cd: {  	v10 =	vld [tilespmem:$0x50];
	vm10 =	vlt.u32 v9, $0xC8;
	v7 =	vadd.f32 v8, v7  }
0x1ce: {  	v13 =	vsub.s32 v12, v6;
	v8 =	vsel vm10, $0x3F800000, v4  }
0x1cf: {  	v9 =	vld [tilespmem:$0x60];
	vm11 =	vlt.u32 v13, $0xC8;
	v7 =	vadd.f32 v8, v7  }
0x1d0: {  	v15 =	vsub.s32 v11, v6;
	v13 =	vsel vm11, $0x3F800000, v4  }
0x1d1: {  	vm12 =	vlt.u32 v15, $0xC8;
	v8 =	vld [tilespmem:$0x70];
	v7 =	vadd.f32 v13, v7  }
0x1d2: {  	v15 =	vsub.s32 v10, v6;
	v13 =	vsel vm12, $0x3F800000, v4  }
0x1d3: {  	vm13 =	vlt.u32 v15, $0xC8;
	v7 =	vadd.f32 v13, v7  }
0x1d4: {  	v15 =	vsub.s32 v9, v6;
	v13 =	vsel vm13, $0x3F800000, v4  }
0x1d5: {  	vm14 =	vlt.u32 v15, $0xC8;
	v7 =	vadd.f32 v13, v7  }
0x1d6: {  	v6 =	vsub.s32 v8, v6;
	v13 =	vsel vm14, $0x3F800000, v4  }
0x1d7: {  	vm15 =	vlt.u32 v6, $0xC8;
	v7 =	vadd.f32 v13, v7  }
0x1d8: {  	v6 =	vsel vm15, $0x3F800000, v4  }
0x1d9: {  	v6 =	vadd.f32 v6, v7;
	_ =	sdelay $0x1  }
0x1da: {  	v7 =	vperm.xlane v6, v0;
	_ =	sdelay $0x1  }
0x1db: {  	v6 =	vmax.f32 v6, v7  }
0x1dc: {  	v7 =	vperm.xlane v6, v1;
	_ =	sdelay $0x1  }
0x1dd: {  	v6 =	vmax.f32 v6, v7  }
0x1de: {  	v7 =	vperm.xlane v6, v3;
	_ =	sdelay $0x1  }
0x1df: {  	v6 =	vmax.f32 v6, v7  }
0x1e0: {  	v7 =	vperm.xlane v6, v5;
	_ =	sdelay $0x1  }
0x1e1: {  	v6 =	vmax.f32 v6, v7  }
0x1e2: {  	(v2sf) =	vpush v6, $0x0;
	_ =	sdelay $0xd  }
0x1e3: {  	v20 =	vld [tilespmem:$0xA0]  }
0x1e4: {  	v21 =	vld [tilespmem:$0xB0];
	s29 =	spop (v2sf)  }
0x1e5: {  	v13 =	vld [tilespmem:$0xC0];
	p1 =	sgt.f32 s29, $5.000000000e-01  }
.Ltmp14:
0x1e6: {  	v7 =	vld [tilespmem:$0xD0];
	(pc) =	sbr.rel @!p1 .LBB2_27-.Ltmp14, $4  }
0x1e7: {  	v6 =	vld [tilespmem:$0xE0]  }
0x1e8: {  	v15 =	vld [tilespmem:$0xF0]  }
0x1e9: {  	v19 =	vld [tilespmem:$0x80]  }
0x1ea: {  	s5 =	simm.s32 $0x0;
	v25 =	vld [tilespmem:$0x90]  }
0x1eb: {  	v26 =	vld [tilespmem:$0x100]  }
0x1ec: {  	v27 =	vld [tilespmem:$0x110]  }
0x1ed: {  	s5 =	simm.s32 $0x12DC0;
	v18 =	vld [tilespmem:$0x170]  }
0x1ee: {  	v22 =	vld [tilespmem:s5+$0x30]  }
0x1ef: {  	v23 =	vld [tilespmem:s5+$0xFFFFFFC0]  }
0x1f0: {  	v24 =	vld [tilespmem:s5+$0xFFFFFFD0]  }
0x1f1: {  	v28 =	vld [tilespmem:s5+$0xFFFFFFE0]  }
0x1f2: {  	s6 =	sadd.s32 $0x0, s2;
	v29 =	vld [tilespmem:s5+$0xFFFFFFF0]  }
0x1f3: {  	vm0 =	veq.s32 v17, s6;
	vm1 =	veq.s32 v16, s6;
	vm2 =	veq.s32 v8, s6;
	v30 =	vld [tilespmem:s5+$0x0]  }
0x1f4: {  	v39 =	vld [tilespmem:$0x120];
	vm3 =	veq.s32 v14, s6;
	vm4 =	veq.s32 v12, s6;
	vm5 =	veq.s32 v11, s6  }
0x1f5: {  	v32 =	vld [tilespmem:s5+$0x10];
	vm6 =	veq.s32 v10, s6;
	vm15 =	veq.s32 v9, s6;
	v31 =	vnsel vm2, $0xD01502F9, v22  }
0x1f6: {  	v38 =	vld [tilespmem:s5+$0x20];
	v33 =	vnsel vm0, $0xD01502F9, v23;
	v40 =	vsel vm1, $0xD01502F9, v24;
	v41 =	vnsel vm1, $0xD01502F9, v24  }
0x1f7: {  	v43 =	vld [tilespmem:$0x130];
	v42 =	vsel vm3, $0xD01502F9, v28;
	v44 =	vnsel vm3, $0xD01502F9, v28;
	v45 =	vsel vm4, $0xD01502F9, v29  }
0x1f8: {  	v46 =	vnsel vm4, $0xD01502F9, v29;
	v37 =	vsel vm5, $0xD01502F9, v30;
	v36 =	vnsel vm5, $0xD01502F9, v30;
	v24 =	vld [tilespmem:$0x140]  }
0x1f9: {  	v18 =	vmax.f32 v18, v31;
	v31 =	vsel vm0, $0xD01502F9, v23;
	v23 =	vsel vm2, $0xD01502F9, v22;
	v22 =	vld [tilespmem:$0x150]  }
0x1fa: {  	v35 =	vsel vm6, $0xD01502F9, v32;
	v34 =	vnsel vm6, $0xD01502F9, v32;
	v29 =	vmax.f32 v19, v31;
	v19 =	vld [tilespmem:$0x160]  }
0x1fb: {  	v32 =	vnsel vm15, $0xD01502F9, v38;
	v30 =	vmax.f32 v26, v33;
	v33 =	vsel vm15, $0xD01502F9, v38  }
0x1fc: {  	s21 =	simm.s32 $0x12E40;
	v28 =	vmax.f32 v27, v41;
	v26 =	vmax.f32 v20, v42;
	v27 =	vmax.f32 v39, v44  }
0x1fd: {  	s5 =	simm.s32 $0x1;
	s6 =	simm.s32 $0x2;
	v20 =	vld [tilespmem:s21+$0x30];
	v31 =	vmax.f32 v25, v40;
	v25 =	vmax.f32 v21, v45;
	v21 =	vmax.f32 v43, v46  }
.LBB2_25:
0x1fe: {  	p1 =	sne.s32 s6, $0xC7;
	v38 =	vld [tilespmem:s21+$0xFFFFFFC0];
	v13 =	vmax.f32 v13, v37;
	v24 =	vmax.f32 v24, v36;
	v7 =	vmax.f32 v7, v35  }
0x1ff: {  	v22 =	vmax.f32 v22, v34;
	v6 =	vmax.f32 v6, v33;
	v19 =	vmax.f32 v19, v32;
	v35 =	vld [tilespmem:s21+$0xFFFFFFD0]  }
0x200: {  	s7 =	sadd.s32 s5, s2;
	v15 =	vmax.f32 v15, v23;
	s5 =	smov.u32 s6;
	v32 =	vld [tilespmem:s21+$0xFFFFFFE0]  }
0x201: {  	vm0 =	veq.s32 v17, s7;
	vm1 =	veq.s32 v16, s7;
	vm2 =	veq.s32 v8, s7;
	v23 =	vld [tilespmem:s21+$0xFFFFFFF0]  }
0x202: {  	vm3 =	veq.s32 v14, s7;
	vm4 =	veq.s32 v12, s7;
	v33 =	vld [tilespmem:s21+$0x0];
	v34 =	vnsel vm2, $0xD01502F9, v20  }
0x203: {  	vm5 =	veq.s32 v11, s7;
	vm6 =	veq.s32 v10, s7;
	v39 =	vld [tilespmem:s21+$0x10];
	v18 =	vmax.f32 v18, v34  }
0x204: {  	v34 =	vsel vm0, $0xD01502F9, v38;
	v38 =	vnsel vm0, $0xD01502F9, v38;
	vm0 =	veq.s32 v9, s7;
	v40 =	vld [tilespmem:s21+$0x20]  }
0x205: {  	v41 =	vsel vm1, $0xD01502F9, v35;
	v42 =	vnsel vm1, $0xD01502F9, v35;
	v43 =	vsel vm3, $0xD01502F9, v32  }
0x206: {  	v44 =	vnsel vm3, $0xD01502F9, v32;
	v45 =	vsel vm4, $0xD01502F9, v23;
	v46 =	vnsel vm4, $0xD01502F9, v23  }
.Ltmp15:
0x207: {  	v23 =	vsel vm2, $0xD01502F9, v20;
	v37 =	vsel vm5, $0xD01502F9, v33;
	v36 =	vnsel vm5, $0xD01502F9, v33;
	(pc) =	sbr.rel @p1 .LBB2_25-.Ltmp15, $4  }
0x208: {  	v29 =	vmax.f32 v29, v34;
	v35 =	vsel vm6, $0xD01502F9, v39;
	v34 =	vnsel vm6, $0xD01502F9, v39  }
0x209: {  	v30 =	vmax.f32 v30, v38;
	v33 =	vsel vm0, $0xD01502F9, v40;
	v32 =	vnsel vm0, $0xD01502F9, v40  }
0x20a: {  	s21 =	sadd.s32 $0x80, s21;
	v31 =	vmax.f32 v31, v41;
	v28 =	vmax.f32 v28, v42;
	v26 =	vmax.f32 v26, v43  }
0x20b: {  	s6 =	sadd.s32 $0x1, s6;
	v27 =	vmax.f32 v27, v44;
	v25 =	vmax.f32 v25, v45;
	v21 =	vmax.f32 v21, v46;
	v20 =	vld [tilespmem:s21+$0x30]  }
0x20c: {  	v38 =	vld [tilespmem:s21+$0xFFFFFFC0]  }
0x20d: {  	v39 =	vld [tilespmem:s21+$0xFFFFFFD0]  }
0x20e: {  	v40 =	vld [tilespmem:s21+$0xFFFFFFE0];
	s5 =	sadd.s32 s5, s2  }
0x20f: {  	v41 =	vld [tilespmem:s21+$0xFFFFFFF0];
	v13 =	vmax.f32 v13, v37;
	vm15 =	veq.s32 v8, s5  }
0x210: {  	v45 =	vld [tilespmem:s21+$0x0];
	v62 =	vmax.f32 v15, v23;
	vm0 =	veq.s32 v17, s5;
	v63 =	vsel vm15, $0xD01502F9, v20  }
0x211: {  	v42 =	vld [tilespmem:s21+$0x10];
	v50 =	vmax.f32 v24, v36;
	v43 =	vsel vm0, $0xD01502F9, v38;
	v8 =	vmax.f32 v62, v63  }
0x212: {  	v47 =	vld [tilespmem:s21+$0x20];
	vm10 =	veq.s32 v14, s5;
	v46 =	vnsel vm0, $0xD01502F9, v38;
	v29 =	vmax.f32 v29, v43;
	[tilespmem:$0xF0] =	vst v8  }
0x213: {  	vm1 =	veq.s32 v16, s5;
	v51 =	vsel vm10, $0xD01502F9, v40;
	v16 =	vmax.f32 v30, v46;
	[tilespmem:$0x80] =	vst v29  }
0x214: {  	vm11 =	veq.s32 v12, s5;
	v52 =	vnsel vm10, $0xD01502F9, v40;
	v24 =	vmax.f32 v26, v51;
	[tilespmem:$0x100] =	vst v16  }
0x215: {  	vm12 =	veq.s32 v11, s5;
	v54 =	vnsel vm11, $0xD01502F9, v41;
	v12 =	vmax.f32 v27, v52;
	[tilespmem:$0xA0] =	vst v24  }
0x216: {  	v7 =	vmax.f32 v7, v35;
	v56 =	vsel vm12, $0xD01502F9, v45;
	v11 =	vmax.f32 v21, v54;
	[tilespmem:$0x120] =	vst v12  }
0x217: {  	vm13 =	veq.s32 v10, s5;
	v57 =	vnsel vm12, $0xD01502F9, v45;
	v13 =	vmax.f32 v13, v56;
	[tilespmem:$0x130] =	vst v11  }
0x218: {  	v55 =	vmax.f32 v22, v34;
	v58 =	vsel vm13, $0xD01502F9, v42;
	v10 =	vmax.f32 v50, v57;
	[tilespmem:$0xC0] =	vst v13  }
0x219: {  	vm14 =	veq.s32 v9, s5;
	v59 =	vnsel vm13, $0xD01502F9, v42;
	v7 =	vmax.f32 v7, v58;
	[tilespmem:$0x140] =	vst v10  }
0x21a: {  	v6 =	vmax.f32 v6, v33;
	v61 =	vsel vm14, $0xD01502F9, v47;
	v9 =	vmax.f32 v55, v59;
	[tilespmem:$0xD0] =	vst v7  }
0x21b: {  	v48 =	vsel vm1, $0xD01502F9, v39;
	v6 =	vmax.f32 v6, v61;
	[tilespmem:$0x150] =	vst v9  }
0x21c: {  	v49 =	vnsel vm1, $0xD01502F9, v39;
	v29 =	vmax.f32 v31, v48;
	[tilespmem:$0xE0] =	vst v6  }
.Ltmp16:
0x21d: {  	v53 =	vsel vm11, $0xD01502F9, v41;
	v16 =	vmax.f32 v28, v49;
	[tilespmem:$0x90] =	vst v29;
	(pc) =	sbr.rel .LBB2_30-.Ltmp16, $4  }
0x21e: {  	v60 =	vmax.f32 v19, v32;
	v7 =	vnsel vm14, $0xD01502F9, v47;
	[tilespmem:$0x110] =	vst v16;
	v16 =	vmax.f32 v25, v53  }
0x21f: {  	v6 =	vnsel vm15, $0xD01502F9, v20;
	v7 =	vmax.f32 v60, v7;
	[tilespmem:$0xB0] =	vst v16  }
0x220: {  	v6 =	vmax.f32 v18, v6;
	[tilespmem:$0x160] =	vst v7  }
0x221: {  	[tilespmem:$0x170] =	vst v6  }
.LBB2_27:
0x222: {  	s7 =	sshra.s32 s5, $0x2  }
0x223: {  	v8 =	vld [tilespmem:s7+$0x12DF0]  }
0x224: {  	v12 =	vld [tilespmem:s7+$0x12D80]  }
0x225: {  	v16 =	vld [tilespmem:s7+$0x12D90]  }
0x226: {  	v14 =	vld [tilespmem:s7+$0x12DA0]  }
0x227: {  	v11 =	vld [tilespmem:s7+$0x12DB0]  }
0x228: {  	v9 =	vld [tilespmem:s7+$0x12DC0]  }
0x229: {  	s6 =	sadd.s32 $0x200, s5;
	v10 =	vld [tilespmem:s7+$0x12DD0]  }
0x22a: {  	s5 =	sshra.s32 s6, $0x2;
	s6 =	sadd.s32 $0x200, s6;
	v8 =	vmax.f32 v15, v8;
	v15 =	vmax.f32 v19, v12;
	v16 =	vmax.f32 v25, v16;
	v12 =	vld [tilespmem:s7+$0x12DE0]  }
.LBB2_28:
0x22b: {  	p1 =	sne.s32 s6, $0x18E00;
	v17 =	vld [tilespmem:s5+$0x12DF0];
	v20 =	vmax.f32 v20, v14  }
0x22c: {  	v18 =	vld [tilespmem:s5+$0x12D80];
	v21 =	vmax.f32 v21, v11  }
0x22d: {  	v19 =	vld [tilespmem:s5+$0x12D90];
	v13 =	vmax.f32 v13, v9  }
.Ltmp17:
0x22e: {  	v14 =	vld [tilespmem:s5+$0x12DA0];
	v7 =	vmax.f32 v7, v10;
	(pc) =	sbr.rel @p1 .LBB2_28-.Ltmp17, $4  }
0x22f: {  	v11 =	vld [tilespmem:s5+$0x12DB0];
	v6 =	vmax.f32 v6, v12  }
0x230: {  	v9 =	vld [tilespmem:s5+$0x12DC0];
	v8 =	vmax.f32 v8, v17  }
0x231: {  	v15 =	vmax.f32 v15, v18;
	v10 =	vld [tilespmem:s5+$0x12DD0]  }
0x232: {  	v16 =	vmax.f32 v16, v19;
	v12 =	vld [tilespmem:s5+$0x12DE0];
	s5 =	sshra.s32 s6, $0x2;
	s6 =	sadd.s32 $0x200, s6  }
0x233: {  	v17 =	vld [tilespmem:s5+$0x12DF0]  }
0x234: {  	v18 =	vld [tilespmem:s5+$0x12D80]  }
0x235: {  	v19 =	vld [tilespmem:s5+$0x12D90]  }
0x236: {  	v22 =	vld [tilespmem:s5+$0x12DA0]  }
0x237: {  	v23 =	vld [tilespmem:s5+$0x12DB0]  }
0x238: {  	v24 =	vld [tilespmem:s5+$0x12DC0]  }
0x239: {  	v25 =	vld [tilespmem:s5+$0x12DD0];
	v15 =	vmax.f32 v15, v18  }
0x23a: {  	v63 =	vld [tilespmem:s5+$0x12DE0];
	v14 =	vmax.f32 v20, v14;
	v16 =	vmax.f32 v16, v19;
	[tilespmem:$0x80] =	vst v15  }
0x23b: {  	v11 =	vmax.f32 v21, v11;
	v14 =	vmax.f32 v14, v22;
	[tilespmem:$0x90] =	vst v16  }
0x23c: {  	v9 =	vmax.f32 v13, v9;
	v11 =	vmax.f32 v11, v23;
	[tilespmem:$0xA0] =	vst v14  }
0x23d: {  	v7 =	vmax.f32 v7, v10;
	v9 =	vmax.f32 v9, v24;
	[tilespmem:$0xB0] =	vst v11  }
0x23e: {  	v6 =	vmax.f32 v6, v12;
	v7 =	vmax.f32 v7, v25;
	[tilespmem:$0xC0] =	vst v9  }
0x23f: {  	v6 =	vmax.f32 v6, v63;
	[tilespmem:$0xD0] =	vst v7  }
0x240: {  	v7 =	vmax.f32 v8, v17;
	[tilespmem:$0xE0] =	vst v6  }
0x241: {  	[tilespmem:$0xF0] =	vst v7  }
.LBB2_30:
.Ltmp18:
0x242: {  	(pc) =	sbr.rel @p0 .LBB2_32-.Ltmp18, $1  }
0x243: {  	_ =	sdelay $0x3  }
0x244: {  	s5 =	smul.u32 $0x320000, s20  }
.Ltmp19:
0x245: {  	_ = 	snop;
	(pc) =	sbr.rel .LBB2_2-.Ltmp19, $4  }
0x246: {  	s20 =	sadd.s32 $0x1, s20;
	s5 =	sadd.s32 s11, s5  }
0x247: {  	s19 =	sadd.s32 $0x320, s19;
	s31 =	sadd.s32 $0x320, s31;
	s5 =	sshrl.u32 s5, $0x3  }
0x248: {  	s0 =	sadd.s32 $0x320, s0;
	s2 =	sadd.s32 $0x320, s2;
	s5 =	sadd.s32 s1, s5  }
0x249: {  	[tilespmem:s22], [sflag:$0x4] =	stream.strided.gather [hbm4b:s5+s17], $0x6400, s18, s17, $0x38;
	[tilespmem:$0x19180] =	vst v63  }
.LBB2_33:
0x24a: {  	_ =	sfence.sel $0x180000  }
0x24b: {  	[bflag:$0x0] =	sbarrier.arrive $0xFFFF  }
0x24c: {  	_ =	strace $0x90000047  }
0x24d: {  	s0 =	stileid.u32;
	[bflag:$0x2] =	sbarrier.arrive $0xFFFF  }
0x24e: {  	p0 =	sne.s32 s0, $0x0;
	s0 =	rddreg [dreg:$0x3]  }
0x24f: {  	s0 =	sadd.s32 @!p0 $0x100000, s0  }
0x250: {  	[sflag:s0] =	ssyncadd.tile.s32 @!p0 $0x1;
	_ =	shalt  }
.Lfunc_end2:
_tile_overlayer_lowered:
.L_overlay_start_2:
0x251: {  	(tag) =	ssettag $0x2  }
0x252: {  	s0 =	rddreg [dreg:$0x0];
	s2 =	stileid.u32  }
0x253: {  	s1 =	rddreg [dreg:$0x1];
	p0 =	sne.s32 s2, $0x0  }
0x254: {  	s3 =	rddreg [dreg:$0x2];
	[bflag:$0x3] =	sbarrier.arrive $0xFFFF;
	s2 =	simm.s32 @!p0 $0x1C05  }
0x255: {  	[timem:s3], [sflag:s2] =	dma.local @!p0 [hbm:s0], s1  }
0x256: {  	s0 =	simm.s32 @!p0 $0x5  }
0x257: {  	_ =	swait.ge @!p0 [sflag:s0], s1  }
0x258: {  	s1 =	ssub.s32 @!p0 $0x0, s1;
	[sflag:s0] =	ssyncset.done @!p0 $0x0  }
0x259: {  	[sflag:s0] =	ssyncadd.s32 @!p0 s1  }
0x25a: {  	[bflag:$0x3] =	sbarrier.arrive $0xFFFF  }
0x25b: {  	_ =	shalt  }

</sc_bundles>
